<compile_context>
chip_gen: v7x
topology: tpu7x:2x2x1
jax: 0.10.2.dev20260603
libtpu: 0.0.44.dev20260713+nightly
codegen_flags: <defaults>
</compile_context>

<pallas_src>
import functools

import jax
import jax.numpy as jnp
from jax import lax
from jax.experimental import pallas as pl
from jax.experimental.pallas import tpu as pltpu
from jax.experimental.pallas import tpu_sc as plsc

N = 10000
D = 256
C = 7
A4 = 0.1

NC = 2
NS = 16
NW = NC * NS
CP = 8
CH = 80
NCHUNK = N // CH
MAXK = -(-NCHUNK // NW)
_FULL = NCHUNK - (NCHUNK // NW) * NW

LBLK = 16



def _ew_body(seq_ref, seq1_ref, p1_ref, p2_ref, p3_ref, wp_ref, dff_ref,
             dp_ref, raw_ref):
    wp0 = wp_ref[0, 0]
    wp1 = wp_ref[0, 1]
    wp2 = wp_ref[0, 2]
    d0 = dff_ref[0, 0]
    d1 = dff_ref[0, 1]
    t = wp0 * p1_ref[...] + wp1 * p2_ref[...] + wp2 * p3_ref[...]
    te = jnp.exp(jnp.minimum(t, 0.0)) - 1.0
    wvec = 1.0 + jnp.where(t > 0.0, t, te)
    s = d0 * wvec + d1 * dp_ref[...]

    x = seq_ref[...]
    y = x * s
    e = jnp.exp(jnp.minimum(y, 0.0)) - 1.0
    raw_ref[...] = jnp.where(y > 0.0, y, e) + A4 * seq1_ref[...]


def _stage_a(seq, seq1, p1, p2, p3, wp_weight, dff_weight, dp_weight):
    blk = 2000
    row = pl.BlockSpec((1, D), lambda i: (0, 0))
    return pl.pallas_call(
        _ew_body,
        grid=(N // blk,),
        in_specs=[
            pl.BlockSpec((blk, D), lambda i: (i, 0)),
            pl.BlockSpec((blk, D), lambda i: (i, 0)),
            row, row, row,
            pl.BlockSpec((1, 3), lambda i: (0, 0)),
            pl.BlockSpec((1, 2), lambda i: (0, 0)),
            row,
        ],
        out_specs=pl.BlockSpec((blk, D), lambda i: (i, 0)),
        out_shape=jax.ShapeDtypeStruct((N, D), jnp.float32),
    )(seq, seq1, p1, p2, p3, wp_weight, dff_weight, dp_weight)



def _sc_body(raw_hbm, lab_hbm,
             sums_out,
             raw0, raw1, lab0, lab1, sums_v,
             sr0, sr1, sl0, sl1):
    wid = lax.axis_index("s") * NC + lax.axis_index("c")
    raws = (raw0, raw1)
    labs = (lab0, lab1)
    srs = (sr0, sr1)
    sls = (sl0, sl1)
    lanes = lax.iota(jnp.int32, 16)
    zero16 = jnp.zeros((16,), jnp.float32)

    for c in range(CP):
        for t in range(D // 16):
            sums_v[c, pl.ds(t * 16, 16)] = zero16

    def issue(i):
        slot = i % 2
        base = (wid + NW * i) * CH
        pltpu.async_copy(raw_hbm.at[pl.ds(base, CH)], raws[slot], srs[slot])
        pltpu.async_copy(lab_hbm.at[pl.ds(base, CH)], labs[slot], sls[slot])

    def wait(i):
        slot = i % 2
        base = (wid + NW * i) * CH
        pltpu.make_async_copy(raw_hbm.at[pl.ds(base, CH)],
                              raws[slot], srs[slot]).wait()
        pltpu.make_async_copy(lab_hbm.at[pl.ds(base, CH)], labs[slot],
                              sls[slot]).wait()

    def process(i):
        slot = i % 2
        raw_v = raws[slot]
        lab_v = labs[slot]

        @plsc.parallel_loop(0, CH, 1, unroll=2)
        def _(r):
            lvec = plsc.load_gather(lab_v.at[...], [jnp.full((16,), r)])
            for j in range(D // 16):
                z = raw_v[r, pl.ds(j * 16, 16)]
                plsc.addupdate_scatter(sums_v.at[...],
                                       [lvec, lanes + j * 16], z)

    issue(0)
    for i in range(MAXK - 1):
        wait(i)
        if i + 1 < MAXK - 1:
            issue(i + 1)
        else:
            @pl.when(wid < _FULL)
            def _():
                issue(MAXK - 1)
        process(i)

    @pl.when(wid < _FULL)
    def _():
        wait(MAXK - 1)
        process(MAXK - 1)

    pltpu.sync_copy(sums_v, sums_out.at[pl.ds(wid * CP, CP)])


_stage_b = functools.partial(
    pl.kernel,
    out_type=[
        jax.ShapeDtypeStruct((NW * CP, D), jnp.float32),
    ],
    mesh=plsc.VectorSubcoreMesh(core_axis_name="c", subcore_axis_name="s"),
    compiler_params=pltpu.CompilerParams(needs_layout_passes=False),
    scratch_types=[
        pltpu.VMEM((CH, D), jnp.float32),
        pltpu.VMEM((CH, D), jnp.float32),
        pltpu.VMEM((CH,), jnp.int32),
        pltpu.VMEM((CH,), jnp.int32),
        pltpu.VMEM((CP, D), jnp.float32),
        pltpu.SemaphoreType.DMA,
        pltpu.SemaphoreType.DMA,
        pltpu.SemaphoreType.DMA,
        pltpu.SemaphoreType.DMA,
    ],
)(_sc_body)



def _head_body(raw_ref, sums_ref, lab_ref, out_ref, ave_ref):
    @pl.when(pl.program_id(0) == 0)
    def _():
        s32 = sums_ref[...]
        labs = lab_ref[...]
        sums = s32[0:C, :]
        for w in range(1, NW):
            sums = sums + s32[w * CP:w * CP + C, :]
        ci = lax.broadcasted_iota(jnp.int32, (C, 1), 0)
        counts = jnp.zeros((C, 1), jnp.float32)
        for c in range(C):
            cc = jnp.sum(jnp.where(labs == c, 1.0, 0.0))
            counts = counts + jnp.where(ci == c, cc, 0.0)
        ave = sums / jnp.maximum(counts, 1.0)
        an = jnp.maximum(jnp.sqrt(jnp.sum(ave * ave, axis=1, keepdims=True)),
                         1e-8)
        ave_ref[...] = ave / an

    raw = raw_ref[...]
    ave = ave_ref[...]
    ones8 = jnp.ones((8, D), jnp.float32)
    rn2_t = lax.dot_general(ones8, raw * raw, (((1,), (1,)), ((), ())),
                            preferred_element_type=jnp.float32)
    rn_t = jnp.maximum(jnp.sqrt(rn2_t[0:1, :]), 1e-8)
    ret_t = lax.dot_general(ave, raw, (((1,), (1,)), ((), ())),
                            preferred_element_type=jnp.float32)
    ret_t = ret_t / rn_t
    m = jnp.max(ret_t, axis=0, keepdims=True)
    e = jnp.exp(ret_t - m)
    sm_t = e / jnp.sum(e, axis=0, keepdims=True)
    out_ref[...] = sm_t[None]


def _stage_c(raw, sums32, lab2d):
    blk = 2000
    return pl.pallas_call(
        _head_body,
        grid=(N // blk,),
        in_specs=[
            pl.BlockSpec((blk, D), lambda i: (i, 0)),
            pl.BlockSpec((NW * CP, D), lambda i: (0, 0)),
            pl.BlockSpec((N // LBLK, LBLK), lambda i: (0, 0)),
        ],
        out_specs=pl.BlockSpec((1, C, blk), lambda i: (i, 0, 0)),
        out_shape=jax.ShapeDtypeStruct((N // blk, C, blk), jnp.float32),
        scratch_shapes=[
            pltpu.VMEM((C, D), jnp.float32),
        ],
    )(raw, sums32, lab2d)


def kernel(seq, seq1, labels, prompt1, prompt2, prompt3,
           wp_weight, dff_weight, dp_weight):
    raw = _stage_a(seq, seq1, prompt1, prompt2, prompt3,
                   wp_weight, dff_weight, dp_weight)
    (sums32,) = _stage_b(raw, labels)
    out3 = _stage_c(raw, sums32, labels.reshape(N // LBLK, LBLK))
    return jnp.swapaxes(out3, 0, 1).reshape(C, N).T

# --- scband reference (transcript-rebuilt; emitter-appended) ---
"""Pipeline reference for scband-downprompt-9569187136133 (READ-ONLY COPY).

The authoritative reference and input builder live on the scoring server;
editing this copy changes nothing except your own understanding.
"""

import jax, jax.numpy as jnp
import numpy as np

N = 10000
FT_IN = 256
NB_CLASSES = 7
A4 = 0.1


def setup_inputs(seed: int = 0) -> dict:
    key = jax.random.key(seed)
    ks = jax.random.split(key, 8)
    seq = jax.random.normal(ks[0], (N, FT_IN), dtype=jnp.float32)
    seq1 = jax.random.normal(ks[1], (N, FT_IN), dtype=jnp.float32)
    labels = jax.random.randint(ks[2], (N,), 0, NB_CLASSES, dtype=jnp.int32)
    prompt1 = jax.random.normal(ks[3], (1, FT_IN), dtype=jnp.float32)
    prompt2 = jax.random.normal(ks[4], (1, FT_IN), dtype=jnp.float32)
    prompt3 = jax.random.normal(ks[5], (1, FT_IN), dtype=jnp.float32)
    # learned parameters
    wp_weight = jnp.array([[0.5, 0.4, 0.3]], dtype=jnp.float32)  # weighted_prompt init
    dff_weight = jnp.array([[0.0, 1.0]], dtype=jnp.float32)      # weighted_feature init
    limit = float(np.sqrt(6.0 / (1 + FT_IN)))                    # xavier_uniform for downstreamprompt
    dp_weight = jax.random.uniform(ks[6], (1, FT_IN), minval=-limit, maxval=limit, dtype=jnp.float32)
    return {
        'seq': seq, 'seq1': seq1, 'labels': labels,
        'prompt1': prompt1, 'prompt2': prompt2, 'prompt3': prompt3,
        'wp_weight': wp_weight, 'dff_weight': dff_weight, 'dp_weight': dp_weight,
    }


def reference(seq, seq1, labels, prompt1, prompt2, prompt3, wp_weight, dff_weight, dp_weight):
    # train=1 path of downprompt.forward
    prompt = jnp.concatenate([prompt1, prompt2, prompt3], axis=0)          # [3, ft_in]
    weight = jax.nn.elu(jnp.matmul(wp_weight, prompt))                     # weighted_prompt + ELU
    weight = 1.0 + weight                                                  # self.one + weight
    rawret1 = weight * seq
    rawret2 = dp_weight * seq                                              # downstreamprompt
    rawret3 = jax.nn.elu(dff_weight[0, 0] * rawret1 + dff_weight[0, 1] * rawret2)  # weighted_feature
    rawret = rawret3 + A4 * seq1
    # averageemb: scatter-add per class + bincount (segment mean)
    sums = jax.ops.segment_sum(rawret, labels, num_segments=NB_CLASSES)    # [C, ft_in]
    counts = jnp.bincount(labels, length=NB_CLASSES).astype(jnp.float32)   # [C]
    ave = sums / jnp.maximum(counts, 1.0)[:, None]                         # empty classes stay 0
    # cosine similarity of each row of rawret vs each class prototype
    eps = 1e-8
    rn = jnp.maximum(jnp.linalg.norm(rawret, axis=1, keepdims=True), eps)  # [N, 1]
    an = jnp.maximum(jnp.linalg.norm(ave, axis=1, keepdims=True), eps)     # [C, 1]
    ret = jnp.matmul(rawret, ave.T) / (rn * an.T)                          # [N, C]
    return jax.nn.softmax(ret, axis=1)

if __name__ == "__main__":
    import jax
    _d = setup_inputs()
    print(jax.jit(kernel)(*tuple(_d.values())))

</pallas_src>

<mosaic_0001>
#map = affine_map<(d0, d1) -> (0, 0)>
#map1 = affine_map<(d0, d1) -> (0)>
module attributes {stable_mosaic.version = 14 : i64} {
  func.func @_sc_body(%arg0: i32, %arg1: i32, %arg2: memref<10000x256xf32, #tpu.memory_space<hbm>>, %arg3: memref<10000xi32, #tpu.memory_space<hbm>>, %arg4: memref<256x256xf32, #tpu.memory_space<hbm>>, %arg5: memref<80x256xf32, #tpu.memory_space<vmem>>, %arg6: memref<80x256xf32, #tpu.memory_space<vmem>>, %arg7: memref<80xi32, #tpu.memory_space<vmem>>, %arg8: memref<80xi32, #tpu.memory_space<vmem>>, %arg9: memref<8x256xf32, #tpu.memory_space<vmem>>, %arg10: memref<!tpu.dma_semaphore, #tpu.memory_space<semaphore_mem>>, %arg11: memref<!tpu.dma_semaphore, #tpu.memory_space<semaphore_mem>>, %arg12: memref<!tpu.dma_semaphore, #tpu.memory_space<semaphore_mem>>, %arg13: memref<!tpu.dma_semaphore, #tpu.memory_space<semaphore_mem>>) attributes {dimension_semantics = [#tpu.dimension_semantics<core_parallel>, #tpu.dimension_semantics<subcore_parallel>], iteration_bounds = array<i64: 2, 16>, scalar_prefetch = 0 : i64, scratch_operands = 9 : i64, tpu.core_type = #tpu.core_type<sc_vector_subcore>, window_params = [{transform_indices = #map}, {transform_indices = #map1}, {transform_indices = #map}]} {
    %mul3A = arith.constant 2 : i32
    %mul3A_0 = arith.muli %arg1, %mul3A : i32
    %add3A = arith.addi %mul3A_0, %arg0 : i32
    %iota3A = tpu.iota {dimensions = array<i32: 0>} : vector<16xi32>
    %broadcast_in_dim3A = arith.constant 0.000000e+00 : f32
    %broadcast_in_dim3A_1 = vector.broadcast %broadcast_in_dim3A : f32 to vector<16xf32>
    %swap3A = arith.constant 0 : i32
    %swap3A_2 = arith.index_cast %swap3A : i32 to index
    %swap3A_3 = arith.constant 0 : index
    %swap3A_4 = tpu.vector_load %arg9[%swap3A_2, %swap3A_3] {strides = array<i32>} : memref<8x256xf32, #tpu.memory_space<vmem>>, vector<16xf32>,
    tpu.vector_store %arg9[%swap3A_2, %swap3A_3], %broadcast_in_dim3A_1 {strides = array<i32>} : memref<8x256xf32, #tpu.memory_space<vmem>>, vector<16xf32>,
    %swap3A_5 = arith.constant 0 : i32
    %swap3A_6 = arith.index_cast %swap3A_5 : i32 to index
    %swap3A_7 = arith.constant 16 : index
    %swap3A_8 = tpu.vector_load %arg9[%swap3A_6, %swap3A_7] {strides = array<i32>} : memref<8x256xf32, #tpu.memory_space<vmem>>, vector<16xf32>,
    tpu.vector_store %arg9[%swap3A_6, %swap3A_7], %broadcast_in_dim3A_1 {strides = array<i32>} : memref<8x256xf32, #tpu.memory_space<vmem>>, vector<16xf32>,
    %swap3A_9 = arith.constant 0 : i32
    %swap3A_10 = arith.index_cast %swap3A_9 : i32 to index
    %swap3A_11 = arith.constant 32 : index
    %swap3A_12 = tpu.vector_load %arg9[%swap3A_10, %swap3A_11] {strides = array<i32>} : memref<8x256xf32, #tpu.memory_space<vmem>>, vector<16xf32>,
    tpu.vector_store %arg9[%swap3A_10, %swap3A_11], %broadcast_in_dim3A_1 {strides = array<i32>} : memref<8x256xf32, #tpu.memory_space<vmem>>, vector<16xf32>,
    %swap3A_13 = arith.constant 0 : i32
    %swap3A_14 = arith.index_cast %swap3A_13 : i32 to index
    %swap3A_15 = arith.constant 48 : index
    %swap3A_16 = tpu.vector_load %arg9[%swap3A_14, %swap3A_15] {strides = array<i32>} : memref<8x256xf32, #tpu.memory_space<vmem>>, vector<16xf32>,
    tpu.vector_store %arg9[%swap3A_14, %swap3A_15], %broadcast_in_dim3A_1 {strides = array<i32>} : memref<8x256xf32, #tpu.memory_space<vmem>>, vector<16xf32>,
    %swap3A_17 = arith.constant 0 : i32
    %swap3A_18 = arith.index_cast %swap3A_17 : i32 to index
    %swap3A_19 = arith.constant 64 : index
    %swap3A_20 = tpu.vector_load %arg9[%swap3A_18, %swap3A_19] {strides = array<i32>} : memref<8x256xf32, #tpu.memory_space<vmem>>, vector<16xf32>,
    tpu.vector_store %arg9[%swap3A_18, %swap3A_19], %broadcast_in_dim3A_1 {strides = array<i32>} : memref<8x256xf32, #tpu.memory_space<vmem>>, vector<16xf32>,
    %swap3A_21 = arith.constant 0 : i32
    %swap3A_22 = arith.index_cast %swap3A_21 : i32 to index
    %swap3A_23 = arith.constant 80 : index
    %swap3A_24 = tpu.vector_load %arg9[%swap3A_22, %swap3A_23] {strides = array<i32>} : memref<8x256xf32, #tpu.memory_space<vmem>>, vector<16xf32>,
    tpu.vector_store %arg9[%swap3A_22, %swap3A_23], %broadcast_in_dim3A_1 {strides = array<i32>} : memref<8x256xf32, #tpu.memory_space<vmem>>, vector<16xf32>,
    %swap3A_25 = arith.constant 0 : i32
    %swap3A_26 = arith.index_cast %swap3A_25 : i32 to index
    %swap3A_27 = arith.constant 96 : index
    %swap3A_28 = tpu.vector_load %arg9[%swap3A_26, %swap3A_27] {strides = array<i32>} : memref<8x256xf32, #tpu.memory_space<vmem>>, vector<16xf32>,
    tpu.vector_store %arg9[%swap3A_26, %swap3A_27], %broadcast_in_dim3A_1 {strides = array<i32>} : memref<8x256xf32, #tpu.memory_space<vmem>>, vector<16xf32>,
    %swap3A_29 = arith.constant 0 : i32
    %swap3A_30 = arith.index_cast %swap3A_29 : i32 to index
    %swap3A_31 = arith.constant 112 : index
    %swap3A_32 = tpu.vector_load %arg9[%swap3A_30, %swap3A_31] {strides = array<i32>} : memref<8x256xf32, #tpu.memory_space<vmem>>, vector<16xf32>,
    tpu.vector_store %arg9[%swap3A_30, %swap3A_31], %broadcast_in_dim3A_1 {strides = array<i32>} : memref<8x256xf32, #tpu.memory_space<vmem>>, vector<16xf32>,
    %swap3A_33 = arith.constant 0 : i32
    %swap3A_34 = arith.index_cast %swap3A_33 : i32 to index
    %swap3A_35 = arith.constant 128 : index
    %swap3A_36 = tpu.vector_load %arg9[%swap3A_34, %swap3A_35] {strides = array<i32>} : memref<8x256xf32, #tpu.memory_space<vmem>>, vector<16xf32>,
    tpu.vector_store %arg9[%swap3A_34, %swap3A_35], %broadcast_in_dim3A_1 {strides = array<i32>} : memref<8x256xf32, #tpu.memory_space<vmem>>, vector<16xf32>,
    %swap3A_37 = arith.constant 0 : i32
    %swap3A_38 = arith.index_cast %swap3A_37 : i32 to index
    %swap3A_39 = arith.constant 144 : index
    %swap3A_40 = tpu.vector_load %arg9[%swap3A_38, %swap3A_39] {strides = array<i32>} : memref<8x256xf32, #tpu.memory_space<vmem>>, vector<16xf32>,
    tpu.vector_store %arg9[%swap3A_38, %swap3A_39], %broadcast_in_dim3A_1 {strides = array<i32>} : memref<8x256xf32, #tpu.memory_space<vmem>>, vector<16xf32>,
    %swap3A_41 = arith.constant 0 : i32
    %swap3A_42 = arith.index_cast %swap3A_41 : i32 to index
    %swap3A_43 = arith.constant 160 : index
    %swap3A_44 = tpu.vector_load %arg9[%swap3A_42, %swap3A_43] {strides = array<i32>} : memref<8x256xf32, #tpu.memory_space<vmem>>, vector<16xf32>,
    tpu.vector_store %arg9[%swap3A_42, %swap3A_43], %broadcast_in_dim3A_1 {strides = array<i32>} : memref<8x256xf32, #tpu.memory_space<vmem>>, vector<16xf32>,
    %swap3A_45 = arith.constant 0 : i32
    %swap3A_46 = arith.index_cast %swap3A_45 : i32 to index
    %swap3A_47 = arith.constant 176 : index
    %swap3A_48 = tpu.vector_load %arg9[%swap3A_46, %swap3A_47] {strides = array<i32>} : memref<8x256xf32, #tpu.memory_space<vmem>>, vector<16xf32>,
    tpu.vector_store %arg9[%swap3A_46, %swap3A_47], %broadcast_in_dim3A_1 {strides = array<i32>} : memref<8x256xf32, #tpu.memory_space<vmem>>, vector<16xf32>,
    %swap3A_49 = arith.constant 0 : i32
    %swap3A_50 = arith.index_cast %swap3A_49 : i32 to index
    %swap3A_51 = arith.constant 192 : index
    %swap3A_52 = tpu.vector_load %arg9[%swap3A_50, %swap3A_51] {strides = array<i32>} : memref<8x256xf32, #tpu.memory_space<vmem>>, vector<16xf32>,
    tpu.vector_store %arg9[%swap3A_50, %swap3A_51], %broadcast_in_dim3A_1 {strides = array<i32>} : memref<8x256xf32, #tpu.memory_space<vmem>>, vector<16xf32>,
    %swap3A_53 = arith.constant 0 : i32
    %swap3A_54 = arith.index_cast %swap3A_53 : i32 to index
    %swap3A_55 = arith.constant 208 : index
    %swap3A_56 = tpu.vector_load %arg9[%swap3A_54, %swap3A_55] {strides = array<i32>} : memref<8x256xf32, #tpu.memory_space<vmem>>, vector<16xf32>,
    tpu.vector_store %arg9[%swap3A_54, %swap3A_55], %broadcast_in_dim3A_1 {strides = array<i32>} : memref<8x256xf32, #tpu.memory_space<vmem>>, vector<16xf32>,
    %swap3A_57 = arith.constant 0 : i32
    %swap3A_58 = arith.index_cast %swap3A_57 : i32 to index
    %swap3A_59 = arith.constant 224 : index
    %swap3A_60 = tpu.vector_load %arg9[%swap3A_58, %swap3A_59] {strides = array<i32>} : memref<8x256xf32, #tpu.memory_space<vmem>>, vector<16xf32>,
    tpu.vector_store %arg9[%swap3A_58, %swap3A_59], %broadcast_in_dim3A_1 {strides = array<i32>} : memref<8x256xf32, #tpu.memory_space<vmem>>, vector<16xf32>,
    %swap3A_61 = arith.constant 0 : i32
    %swap3A_62 = arith.index_cast %swap3A_61 : i32 to index
    %swap3A_63 = arith.constant 240 : index
    %swap3A_64 = tpu.vector_load %arg9[%swap3A_62, %swap3A_63] {strides = array<i32>} : memref<8x256xf32, #tpu.memory_space<vmem>>, vector<16xf32>,
    tpu.vector_store %arg9[%swap3A_62, %swap3A_63], %broadcast_in_dim3A_1 {strides = array<i32>} : memref<8x256xf32, #tpu.memory_space<vmem>>, vector<16xf32>,
    %swap3A_65 = arith.constant 1 : i32
    %swap3A_66 = arith.index_cast %swap3A_65 : i32 to index
    %swap3A_67 = arith.constant 0 : index
    %swap3A_68 = tpu.vector_load %arg9[%swap3A_66, %swap3A_67] {strides = array<i32>} : memref<8x256xf32, #tpu.memory_space<vmem>>, vector<16xf32>,
    tpu.vector_store %arg9[%swap3A_66, %swap3A_67], %broadcast_in_dim3A_1 {strides = array<i32>} : memref<8x256xf32, #tpu.memory_space<vmem>>, vector<16xf32>,
    %swap3A_69 = arith.constant 1 : i32
    %swap3A_70 = arith.index_cast %swap3A_69 : i32 to index
    %swap3A_71 = arith.constant 16 : index
    %swap3A_72 = tpu.vector_load %arg9[%swap3A_70, %swap3A_71] {strides = array<i32>} : memref<8x256xf32, #tpu.memory_space<vmem>>, vector<16xf32>,
    tpu.vector_store %arg9[%swap3A_70, %swap3A_71], %broadcast_in_dim3A_1 {strides = array<i32>} : memref<8x256xf32, #tpu.memory_space<vmem>>, vector<16xf32>,
    %swap3A_73 = arith.constant 1 : i32
    %swap3A_74 = arith.index_cast %swap3A_73 : i32 to index
    %swap3A_75 = arith.constant 32 : index
    %swap3A_76 = tpu.vector_load %arg9[%swap3A_74, %swap3A_75] {strides = array<i32>} : memref<8x256xf32, #tpu.memory_space<vmem>>, vector<16xf32>,
    tpu.vector_store %arg9[%swap3A_74, %swap3A_75], %broadcast_in_dim3A_1 {strides = array<i32>} : memref<8x256xf32, #tpu.memory_space<vmem>>, vector<16xf32>,
    %swap3A_77 = arith.constant 1 : i32
    %swap3A_78 = arith.index_cast %swap3A_77 : i32 to index
    %swap3A_79 = arith.constant 48 : index
    %swap3A_80 = tpu.vector_load %arg9[%swap3A_78, %swap3A_79] {strides = array<i32>} : memref<8x256xf32, #tpu.memory_space<vmem>>, vector<16xf32>,
    tpu.vector_store %arg9[%swap3A_78, %swap3A_79], %broadcast_in_dim3A_1 {strides = array<i32>} : memref<8x256xf32, #tpu.memory_space<vmem>>, vector<16xf32>,
    %swap3A_81 = arith.constant 1 : i32
    %swap3A_82 = arith.index_cast %swap3A_81 : i32 to index
    %swap3A_83 = arith.constant 64 : index
    %swap3A_84 = tpu.vector_load %arg9[%swap3A_82, %swap3A_83] {strides = array<i32>} : memref<8x256xf32, #tpu.memory_space<vmem>>, vector<16xf32>,
    tpu.vector_store %arg9[%swap3A_82, %swap3A_83], %broadcast_in_dim3A_1 {strides = array<i32>} : memref<8x256xf32, #tpu.memory_space<vmem>>, vector<16xf32>,
    %swap3A_85 = arith.constant 1 : i32
    %swap3A_86 = arith.index_cast %swap3A_85 : i32 to index
    %swap3A_87 = arith.constant 80 : index
    %swap3A_88 = tpu.vector_load %arg9[%swap3A_86, %swap3A_87] {strides = array<i32>} : memref<8x256xf32, #tpu.memory_space<vmem>>, vector<16xf32>,
    tpu.vector_store %arg9[%swap3A_86, %swap3A_87], %broadcast_in_dim3A_1 {strides = array<i32>} : memref<8x256xf32, #tpu.memory_space<vmem>>, vector<16xf32>,
    %swap3A_89 = arith.constant 1 : i32
    %swap3A_90 = arith.index_cast %swap3A_89 : i32 to index
    %swap3A_91 = arith.constant 96 : index
    %swap3A_92 = tpu.vector_load %arg9[%swap3A_90, %swap3A_91] {strides = array<i32>} : memref<8x256xf32, #tpu.memory_space<vmem>>, vector<16xf32>,
    tpu.vector_store %arg9[%swap3A_90, %swap3A_91], %broadcast_in_dim3A_1 {strides = array<i32>} : memref<8x256xf32, #tpu.memory_space<vmem>>, vector<16xf32>,
    %swap3A_93 = arith.constant 1 : i32
    %swap3A_94 = arith.index_cast %swap3A_93 : i32 to index
    %swap3A_95 = arith.constant 112 : index
    %swap3A_96 = tpu.vector_load %arg9[%swap3A_94, %swap3A_95] {strides = array<i32>} : memref<8x256xf32, #tpu.memory_space<vmem>>, vector<16xf32>,
    tpu.vector_store %arg9[%swap3A_94, %swap3A_95], %broadcast_in_dim3A_1 {strides = array<i32>} : memref<8x256xf32, #tpu.memory_space<vmem>>, vector<16xf32>,
    %swap3A_97 = arith.constant 1 : i32
    %swap3A_98 = arith.index_cast %swap3A_97 : i32 to index
    %swap3A_99 = arith.constant 128 : index
    %swap3A_100 = tpu.vector_load %arg9[%swap3A_98, %swap3A_99] {strides = array<i32>} : memref<8x256xf32, #tpu.memory_space<vmem>>, vector<16xf32>,
    tpu.vector_store %arg9[%swap3A_98, %swap3A_99], %broadcast_in_dim3A_1 {strides = array<i32>} : memref<8x256xf32, #tpu.memory_space<vmem>>, vector<16xf32>,
    %swap3A_101 = arith.constant 1 : i32
    %swap3A_102 = arith.index_cast %swap3A_101 : i32 to index
    %swap3A_103 = arith.constant 144 : index
    %swap3A_104 = tpu.vector_load %arg9[%swap3A_102, %swap3A_103] {strides = array<i32>} : memref<8x256xf32, #tpu.memory_space<vmem>>, vector<16xf32>,
    tpu.vector_store %arg9[%swap3A_102, %swap3A_103], %broadcast_in_dim3A_1 {strides = array<i32>} : memref<8x256xf32, #tpu.memory_space<vmem>>, vector<16xf32>,
    %swap3A_105 = arith.constant 1 : i32
    %swap3A_106 = arith.index_cast %swap3A_105 : i32 to index
    %swap3A_107 = arith.constant 160 : index
    %swap3A_108 = tpu.vector_load %arg9[%swap3A_106, %swap3A_107] {strides = array<i32>} : memref<8x256xf32, #tpu.memory_space<vmem>>, vector<16xf32>,
    tpu.vector_store %arg9[%swap3A_106, %swap3A_107], %broadcast_in_dim3A_1 {strides = array<i32>} : memref<8x256xf32, #tpu.memory_space<vmem>>, vector<16xf32>,
    %swap3A_109 = arith.constant 1 : i32
    %swap3A_110 = arith.index_cast %swap3A_109 : i32 to index
    %swap3A_111 = arith.constant 176 : index
    %swap3A_112 = tpu.vector_load %arg9[%swap3A_110, %swap3A_111] {strides = array<i32>} : memref<8x256xf32, #tpu.memory_space<vmem>>, vector<16xf32>,
    tpu.vector_store %arg9[%swap3A_110, %swap3A_111], %broadcast_in_dim3A_1 {strides = array<i32>} : memref<8x256xf32, #tpu.memory_space<vmem>>, vector<16xf32>,
    %swap3A_113 = arith.constant 1 : i32
    %swap3A_114 = arith.index_cast %swap3A_113 : i32 to index
    %swap3A_115 = arith.constant 192 : index
    %swap3A_116 = tpu.vector_load %arg9[%swap3A_114, %swap3A_115] {strides = array<i32>} : memref<8x256xf32, #tpu.memory_space<vmem>>, vector<16xf32>,
    tpu.vector_store %arg9[%swap3A_114, %swap3A_115], %broadcast_in_dim3A_1 {strides = array<i32>} : memref<8x256xf32, #tpu.memory_space<vmem>>, vector<16xf32>,
    %swap3A_117 = arith.constant 1 : i32
    %swap3A_118 = arith.index_cast %swap3A_117 : i32 to index
    %swap3A_119 = arith.constant 208 : index
    %swap3A_120 = tpu.vector_load %arg9[%swap3A_118, %swap3A_119] {strides = array<i32>} : memref<8x256xf32, #tpu.memory_space<vmem>>, vector<16xf32>,
    tpu.vector_store %arg9[%swap3A_118, %swap3A_119], %broadcast_in_dim3A_1 {strides = array<i32>} : memref<8x256xf32, #tpu.memory_space<vmem>>, vector<16xf32>,
    %swap3A_121 = arith.constant 1 : i32
    %swap3A_122 = arith.index_cast %swap3A_121 : i32 to index
    %swap3A_123 = arith.constant 224 : index
    %swap3A_124 = tpu.vector_load %arg9[%swap3A_122, %swap3A_123] {strides = array<i32>} : memref<8x256xf32, #tpu.memory_space<vmem>>, vector<16xf32>,
    tpu.vector_store %arg9[%swap3A_122, %swap3A_123], %broadcast_in_dim3A_1 {strides = array<i32>} : memref<8x256xf32, #tpu.memory_space<vmem>>, vector<16xf32>,
    %swap3A_125 = arith.constant 1 : i32
    %swap3A_126 = arith.index_cast %swap3A_125 : i32 to index
    %swap3A_127 = arith.constant 240 : index
    %swap3A_128 = tpu.vector_load %arg9[%swap3A_126, %swap3A_127] {strides = array<i32>} : memref<8x256xf32, #tpu.memory_space<vmem>>, vector<16xf32>,
    tpu.vector_store %arg9[%swap3A_126, %swap3A_127], %broadcast_in_dim3A_1 {strides = array<i32>} : memref<8x256xf32, #tpu.memory_space<vmem>>, vector<16xf32>,
    %swap3A_129 = arith.constant 2 : i32
    %swap3A_130 = arith.index_cast %swap3A_129 : i32 to index
    %swap3A_131 = arith.constant 0 : index
    %swap3A_132 = tpu.vector_load %arg9[%swap3A_130, %swap3A_131] {strides = array<i32>} : memref<8x256xf32, #tpu.memory_space<vmem>>, vector<16xf32>,
    tpu.vector_store %arg9[%swap3A_130, %swap3A_131], %broadcast_in_dim3A_1 {strides = array<i32>} : memref<8x256xf32, #tpu.memory_space<vmem>>, vector<16xf32>,
    %swap3A_133 = arith.constant 2 : i32
    %swap3A_134 = arith.index_cast %swap3A_133 : i32 to index
    %swap3A_135 = arith.constant 16 : index
    %swap3A_136 = tpu.vector_load %arg9[%swap3A_134, %swap3A_135] {strides = array<i32>} : memref<8x256xf32, #tpu.memory_space<vmem>>, vector<16xf32>,
    tpu.vector_store %arg9[%swap3A_134, %swap3A_135], %broadcast_in_dim3A_1 {strides = array<i32>} : memref<8x256xf32, #tpu.memory_space<vmem>>, vector<16xf32>,
    %swap3A_137 = arith.constant 2 : i32
    %swap3A_138 = arith.index_cast %swap3A_137 : i32 to index
    %swap3A_139 = arith.constant 32 : index
    %swap3A_140 = tpu.vector_load %arg9[%swap3A_138, %swap3A_139] {strides = array<i32>} : memref<8x256xf32, #tpu.memory_space<vmem>>, vector<16xf32>,
    tpu.vector_store %arg9[%swap3A_138, %swap3A_139], %broadcast_in_dim3A_1 {strides = array<i32>} : memref<8x256xf32, #tpu.memory_space<vmem>>, vector<16xf32>,
    %swap3A_141 = arith.constant 2 : i32
    %swap3A_142 = arith.index_cast %swap3A_141 : i32 to index
    %swap3A_143 = arith.constant 48 : index
    %swap3A_144 = tpu.vector_load %arg9[%swap3A_142, %swap3A_143] {strides = array<i32>} : memref<8x256xf32, #tpu.memory_space<vmem>>, vector<16xf32>,
    tpu.vector_store %arg9[%swap3A_142, %swap3A_143], %broadcast_in_dim3A_1 {strides = array<i32>} : memref<8x256xf32, #tpu.memory_space<vmem>>, vector<16xf32>,
    %swap3A_145 = arith.constant 2 : i32
    %swap3A_146 = arith.index_cast %swap3A_145 : i32 to index
    %swap3A_147 = arith.constant 64 : index
    %swap3A_148 = tpu.vector_load %arg9[%swap3A_146, %swap3A_147] {strides = array<i32>} : memref<8x256xf32, #tpu.memory_space<vmem>>, vector<16xf32>,
    tpu.vector_store %arg9[%swap3A_146, %swap3A_147], %broadcast_in_dim3A_1 {strides = array<i32>} : memref<8x256xf32, #tpu.memory_space<vmem>>, vector<16xf32>,
    %swap3A_149 = arith.constant 2 : i32
    %swap3A_150 = arith.index_cast %swap3A_149 : i32 to index
    %swap3A_151 = arith.constant 80 : index
    %swap3A_152 = tpu.vector_load %arg9[%swap3A_150, %swap3A_151] {strides = array<i32>} : memref<8x256xf32, #tpu.memory_space<vmem>>, vector<16xf32>,
    tpu.vector_store %arg9[%swap3A_150, %swap3A_151], %broadcast_in_dim3A_1 {strides = array<i32>} : memref<8x256xf32, #tpu.memory_space<vmem>>, vector<16xf32>,
    %swap3A_153 = arith.constant 2 : i32
    %swap3A_154 = arith.index_cast %swap3A_153 : i32 to index
    %swap3A_155 = arith.constant 96 : index
    %swap3A_156 = tpu.vector_load %arg9[%swap3A_154, %swap3A_155] {strides = array<i32>} : memref<8x256xf32, #tpu.memory_space<vmem>>, vector<16xf32>,
    tpu.vector_store %arg9[%swap3A_154, %swap3A_155], %broadcast_in_dim3A_1 {strides = array<i32>} : memref<8x256xf32, #tpu.memory_space<vmem>>, vector<16xf32>,
    %swap3A_157 = arith.constant 2 : i32
    %swap3A_158 = arith.index_cast %swap3A_157 : i32 to index
    %swap3A_159 = arith.constant 112 : index
    %swap3A_160 = tpu.vector_load %arg9[%swap3A_158, %swap3A_159] {strides = array<i32>} : memref<8x256xf32, #tpu.memory_space<vmem>>, vector<16xf32>,
    tpu.vector_store %arg9[%swap3A_158, %swap3A_159], %broadcast_in_dim3A_1 {strides = array<i32>} : memref<8x256xf32, #tpu.memory_space<vmem>>, vector<16xf32>,
    %swap3A_161 = arith.constant 2 : i32
    %swap3A_162 = arith.index_cast %swap3A_161 : i32 to index
    %swap3A_163 = arith.constant 128 : index
    %swap3A_164 = tpu.vector_load %arg9[%swap3A_162, %swap3A_163] {strides = array<i32>} : memref<8x256xf32, #tpu.memory_space<vmem>>, vector<16xf32>,
    tpu.vector_store %arg9[%swap3A_162, %swap3A_163], %broadcast_in_dim3A_1 {strides = array<i32>} : memref<8x256xf32, #tpu.memory_space<vmem>>, vector<16xf32>,
    %swap3A_165 = arith.constant 2 : i32
    %swap3A_166 = arith.index_cast %swap3A_165 : i32 to index
    %swap3A_167 = arith.constant 144 : index
    %swap3A_168 = tpu.vector_load %arg9[%swap3A_166, %swap3A_167] {strides = array<i32>} : memref<8x256xf32, #tpu.memory_space<vmem>>, vector<16xf32>,
    tpu.vector_store %arg9[%swap3A_166, %swap3A_167], %broadcast_in_dim3A_1 {strides = array<i32>} : memref<8x256xf32, #tpu.memory_space<vmem>>, vector<16xf32>,
    %swap3A_169 = arith.constant 2 : i32
    %swap3A_170 = arith.index_cast %swap3A_169 : i32 to index
    %swap3A_171 = arith.constant 160 : index
    %swap3A_172 = tpu.vector_load %arg9[%swap3A_170, %swap3A_171] {strides = array<i32>} : memref<8x256xf32, #tpu.memory_space<vmem>>, vector<16xf32>,
    tpu.vector_store %arg9[%swap3A_170, %swap3A_171], %broadcast_in_dim3A_1 {strides = array<i32>} : memref<8x256xf32, #tpu.memory_space<vmem>>, vector<16xf32>,
    %swap3A_173 = arith.constant 2 : i32
    %swap3A_174 = arith.index_cast %swap3A_173 : i32 to index
    %swap3A_175 = arith.constant 176 : index
    %swap3A_176 = tpu.vector_load %arg9[%swap3A_174, %swap3A_175] {strides = array<i32>} : memref<8x256xf32, #tpu.memory_space<vmem>>, vector<16xf32>,
    tpu.vector_store %arg9[%swap3A_174, %swap3A_175], %broadcast_in_dim3A_1 {strides = array<i32>} : memref<8x256xf32, #tpu.memory_space<vmem>>, vector<16xf32>,
    %swap3A_177 = arith.constant 2 : i32
    %swap3A_178 = arith.index_cast %swap3A_177 : i32 to index
    %swap3A_179 = arith.constant 192 : index
    %swap3A_180 = tpu.vector_load %arg9[%swap3A_178, %swap3A_179] {strides = array<i32>} : memref<8x256xf32, #tpu.memory_space<vmem>>, vector<16xf32>,
    tpu.vector_store %arg9[%swap3A_178, %swap3A_179], %broadcast_in_dim3A_1 {strides = array<i32>} : memref<8x256xf32, #tpu.memory_space<vmem>>, vector<16xf32>,
    %swap3A_181 = arith.constant 2 : i32
    %swap3A_182 = arith.index_cast %swap3A_181 : i32 to index
    %swap3A_183 = arith.constant 208 : index
    %swap3A_184 = tpu.vector_load %arg9[%swap3A_182, %swap3A_183] {strides = array<i32>} : memref<8x256xf32, #tpu.memory_space<vmem>>, vector<16xf32>,
    tpu.vector_store %arg9[%swap3A_182, %swap3A_183], %broadcast_in_dim3A_1 {strides = array<i32>} : memref<8x256xf32, #tpu.memory_space<vmem>>, vector<16xf32>,
    %swap3A_185 = arith.constant 2 : i32
    %swap3A_186 = arith.index_cast %swap3A_185 : i32 to index
    %swap3A_187 = arith.constant 224 : index
    %swap3A_188 = tpu.vector_load %arg9[%swap3A_186, %swap3A_187] {strides = array<i32>} : memref<8x256xf32, #tpu.memory_space<vmem>>, vector<16xf32>,
    tpu.vector_store %arg9[%swap3A_186, %swap3A_187], %broadcast_in_dim3A_1 {strides = array<i32>} : memref<8x256xf32, #tpu.memory_space<vmem>>, vector<16xf32>,
    %swap3A_189 = arith.constant 2 : i32
    %swap3A_190 = arith.index_cast %swap3A_189 : i32 to index
    %swap3A_191 = arith.constant 240 : index
    %swap3A_192 = tpu.vector_load %arg9[%swap3A_190, %swap3A_191] {strides = array<i32>} : memref<8x256xf32, #tpu.memory_space<vmem>>, vector<16xf32>,
    tpu.vector_store %arg9[%swap3A_190, %swap3A_191], %broadcast_in_dim3A_1 {strides = array<i32>} : memref<8x256xf32, #tpu.memory_space<vmem>>, vector<16xf32>,
    %swap3A_193 = arith.constant 3 : i32
    %swap3A_194 = arith.index_cast %swap3A_193 : i32 to index
    %swap3A_195 = arith.constant 0 : index
    %swap3A_196 = tpu.vector_load %arg9[%swap3A_194, %swap3A_195] {strides = array<i32>} : memref<8x256xf32, #tpu.memory_space<vmem>>, vector<16xf32>,
    tpu.vector_store %arg9[%swap3A_194, %swap3A_195], %broadcast_in_dim3A_1 {strides = array<i32>} : memref<8x256xf32, #tpu.memory_space<vmem>>, vector<16xf32>,
    %swap3A_197 = arith.constant 3 : i32
    %swap3A_198 = arith.index_cast %swap3A_197 : i32 to index
    %swap3A_199 = arith.constant 16 : index
    %swap3A_200 = tpu.vector_load %arg9[%swap3A_198, %swap3A_199] {strides = array<i32>} : memref<8x256xf32, #tpu.memory_space<vmem>>, vector<16xf32>,
    tpu.vector_store %arg9[%swap3A_198, %swap3A_199], %broadcast_in_dim3A_1 {strides = array<i32>} : memref<8x256xf32, #tpu.memory_space<vmem>>, vector<16xf32>,
    %swap3A_201 = arith.constant 3 : i32
    %swap3A_202 = arith.index_cast %swap3A_201 : i32 to index
    %swap3A_203 = arith.constant 32 : index
    %swap3A_204 = tpu.vector_load %arg9[%swap3A_202, %swap3A_203] {strides = array<i32>} : memref<8x256xf32, #tpu.memory_space<vmem>>, vector<16xf32>,
    tpu.vector_store %arg9[%swap3A_202, %swap3A_203], %broadcast_in_dim3A_1 {strides = array<i32>} : memref<8x256xf32, #tpu.memory_space<vmem>>, vector<16xf32>,
    %swap3A_205 = arith.constant 3 : i32
    %swap3A_206 = arith.index_cast %swap3A_205 : i32 to index
    %swap3A_207 = arith.constant 48 : index
    %swap3A_208 = tpu.vector_load %arg9[%swap3A_206, %swap3A_207] {strides = array<i32>} : memref<8x256xf32, #tpu.memory_space<vmem>>, vector<16xf32>,
    tpu.vector_store %arg9[%swap3A_206, %swap3A_207], %broadcast_in_dim3A_1 {strides = array<i32>} : memref<8x256xf32, #tpu.memory_space<vmem>>, vector<16xf32>,
    %swap3A_209 = arith.constant 3 : i32
    %swap3A_210 = arith.index_cast %swap3A_209 : i32 to index
    %swap3A_211 = arith.constant 64 : index
    %swap3A_212 = tpu.vector_load %arg9[%swap3A_210, %swap3A_211] {strides = array<i32>} : memref<8x256xf32, #tpu.memory_space<vmem>>, vector<16xf32>,
    tpu.vector_store %arg9[%swap3A_210, %swap3A_211], %broadcast_in_dim3A_1 {strides = array<i32>} : memref<8x256xf32, #tpu.memory_space<vmem>>, vector<16xf32>,
    %swap3A_213 = arith.constant 3 : i32
    %swap3A_214 = arith.index_cast %swap3A_213 : i32 to index
    %swap3A_215 = arith.constant 80 : index
    %swap3A_216 = tpu.vector_load %arg9[%swap3A_214, %swap3A_215] {strides = array<i32>} : memref<8x256xf32, #tpu.memory_space<vmem>>, vector<16xf32>,
    tpu.vector_store %arg9[%swap3A_214, %swap3A_215], %broadcast_in_dim3A_1 {strides = array<i32>} : memref<8x256xf32, #tpu.memory_space<vmem>>, vector<16xf32>,
    %swap3A_217 = arith.constant 3 : i32
    %swap3A_218 = arith.index_cast %swap3A_217 : i32 to index
    %swap3A_219 = arith.constant 96 : index
    %swap3A_220 = tpu.vector_load %arg9[%swap3A_218, %swap3A_219] {strides = array<i32>} : memref<8x256xf32, #tpu.memory_space<vmem>>, vector<16xf32>,
    tpu.vector_store %arg9[%swap3A_218, %swap3A_219], %broadcast_in_dim3A_1 {strides = array<i32>} : memref<8x256xf32, #tpu.memory_space<vmem>>, vector<16xf32>,
    %swap3A_221 = arith.constant 3 : i32
    %swap3A_222 = arith.index_cast %swap3A_221 : i32 to index
    %swap3A_223 = arith.constant 112 : index
    %swap3A_224 = tpu.vector_load %arg9[%swap3A_222, %swap3A_223] {strides = array<i32>} : memref<8x256xf32, #tpu.memory_space<vmem>>, vector<16xf32>,
    tpu.vector_store %arg9[%swap3A_222, %swap3A_223], %broadcast_in_dim3A_1 {strides = array<i32>} : memref<8x256xf32, #tpu.memory_space<vmem>>, vector<16xf32>,
    %swap3A_225 = arith.constant 3 : i32
    %swap3A_226 = arith.index_cast %swap3A_225 : i32 to index
    %swap3A_227 = arith.constant 128 : index
    %swap3A_228 = tpu.vector_load %arg9[%swap3A_226, %swap3A_227] {strides = array<i32>} : memref<8x256xf32, #tpu.memory_space<vmem>>, vector<16xf32>,
    tpu.vector_store %arg9[%swap3A_226, %swap3A_227], %broadcast_in_dim3A_1 {strides = array<i32>} : memref<8x256xf32, #tpu.memory_space<vmem>>, vector<16xf32>,
    %swap3A_229 = arith.constant 3 : i32
    %swap3A_230 = arith.index_cast %swap3A_229 : i32 to index
    %swap3A_231 = arith.constant 144 : index
    %swap3A_232 = tpu.vector_load %arg9[%swap3A_230, %swap3A_231] {strides = array<i32>} : memref<8x256xf32, #tpu.memory_space<vmem>>, vector<16xf32>,
    tpu.vector_store %arg9[%swap3A_230, %swap3A_231], %broadcast_in_dim3A_1 {strides = array<i32>} : memref<8x256xf32, #tpu.memory_space<vmem>>, vector<16xf32>,
    %swap3A_233 = arith.constant 3 : i32
    %swap3A_234 = arith.index_cast %swap3A_233 : i32 to index
    %swap3A_235 = arith.constant 160 : index
    %swap3A_236 = tpu.vector_load %arg9[%swap3A_234, %swap3A_235] {strides = array<i32>} : memref<8x256xf32, #tpu.memory_space<vmem>>, vector<16xf32>,
    tpu.vector_store %arg9[%swap3A_234, %swap3A_235], %broadcast_in_dim3A_1 {strides = array<i32>} : memref<8x256xf32, #tpu.memory_space<vmem>>, vector<16xf32>,
    %swap3A_237 = arith.constant 3 : i32
    %swap3A_238 = arith.index_cast %swap3A_237 : i32 to index
    %swap3A_239 = arith.constant 176 : index
    %swap3A_240 = tpu.vector_load %arg9[%swap3A_238, %swap3A_239] {strides = array<i32>} : memref<8x256xf32, #tpu.memory_space<vmem>>, vector<16xf32>,
    tpu.vector_store %arg9[%swap3A_238, %swap3A_239], %broadcast_in_dim3A_1 {strides = array<i32>} : memref<8x256xf32, #tpu.memory_space<vmem>>, vector<16xf32>,
    %swap3A_241 = arith.constant 3 : i32
    %swap3A_242 = arith.index_cast %swap3A_241 : i32 to index
    %swap3A_243 = arith.constant 192 : index
    %swap3A_244 = tpu.vector_load %arg9[%swap3A_242, %swap3A_243] {strides = array<i32>} : memref<8x256xf32, #tpu.memory_space<vmem>>, vector<16xf32>,
    tpu.vector_store %arg9[%swap3A_242, %swap3A_243], %broadcast_in_dim3A_1 {strides = array<i32>} : memref<8x256xf32, #tpu.memory_space<vmem>>, vector<16xf32>,
    %swap3A_245 = arith.constant 3 : i32
    %swap3A_246 = arith.index_cast %swap3A_245 : i32 to index
    %swap3A_247 = arith.constant 208 : index
    %swap3A_248 = tpu.vector_load %arg9[%swap3A_246, %swap3A_247] {strides = array<i32>} : memref<8x256xf32, #tpu.memory_space<vmem>>, vector<16xf32>,
    tpu.vector_store %arg9[%swap3A_246, %swap3A_247], %broadcast_in_dim3A_1 {strides = array<i32>} : memref<8x256xf32, #tpu.memory_space<vmem>>, vector<16xf32>,
    %swap3A_249 = arith.constant 3 : i32
    %swap3A_250 = arith.index_cast %swap3A_249 : i32 to index
    %swap3A_251 = arith.constant 224 : index
    %swap3A_252 = tpu.vector_load %arg9[%swap3A_250, %swap3A_251] {strides = array<i32>} : memref<8x256xf32, #tpu.memory_space<vmem>>, vector<16xf32>,
    tpu.vector_store %arg9[%swap3A_250, %swap3A_251], %broadcast_in_dim3A_1 {strides = array<i32>} : memref<8x256xf32, #tpu.memory_space<vmem>>, vector<16xf32>,
    %swap3A_253 = arith.constant 3 : i32
    %swap3A_254 = arith.index_cast %swap3A_253 : i32 to index
    %swap3A_255 = arith.constant 240 : index
    %swap3A_256 = tpu.vector_load %arg9[%swap3A_254, %swap3A_255] {strides = array<i32>} : memref<8x256xf32, #tpu.memory_space<vmem>>, vector<16xf32>,
    tpu.vector_store %arg9[%swap3A_254, %swap3A_255], %broadcast_in_dim3A_1 {strides = array<i32>} : memref<8x256xf32, #tpu.memory_space<vmem>>, vector<16xf32>,
    %swap3A_257 = arith.constant 4 : i32
    %swap3A_258 = arith.index_cast %swap3A_257 : i32 to index
    %swap3A_259 = arith.constant 0 : index
    %swap3A_260 = tpu.vector_load %arg9[%swap3A_258, %swap3A_259] {strides = array<i32>} : memref<8x256xf32, #tpu.memory_space<vmem>>, vector<16xf32>,
    tpu.vector_store %arg9[%swap3A_258, %swap3A_259], %broadcast_in_dim3A_1 {strides = array<i32>} : memref<8x256xf32, #tpu.memory_space<vmem>>, vector<16xf32>,
    %swap3A_261 = arith.constant 4 : i32
    %swap3A_262 = arith.index_cast %swap3A_261 : i32 to index
    %swap3A_263 = arith.constant 16 : index
    %swap3A_264 = tpu.vector_load %arg9[%swap3A_262, %swap3A_263] {strides = array<i32>} : memref<8x256xf32, #tpu.memory_space<vmem>>, vector<16xf32>,
    tpu.vector_store %arg9[%swap3A_262, %swap3A_263], %broadcast_in_dim3A_1 {strides = array<i32>} : memref<8x256xf32, #tpu.memory_space<vmem>>, vector<16xf32>,
    %swap3A_265 = arith.constant 4 : i32
    %swap3A_266 = arith.index_cast %swap3A_265 : i32 to index
    %swap3A_267 = arith.constant 32 : index
    %swap3A_268 = tpu.vector_load %arg9[%swap3A_266, %swap3A_267] {strides = array<i32>} : memref<8x256xf32, #tpu.memory_space<vmem>>, vector<16xf32>,
    tpu.vector_store %arg9[%swap3A_266, %swap3A_267], %broadcast_in_dim3A_1 {strides = array<i32>} : memref<8x256xf32, #tpu.memory_space<vmem>>, vector<16xf32>,
    %swap3A_269 = arith.constant 4 : i32
    %swap3A_270 = arith.index_cast %swap3A_269 : i32 to index
    %swap3A_271 = arith.constant 48 : index
    %swap3A_272 = tpu.vector_load %arg9[%swap3A_270, %swap3A_271] {strides = array<i32>} : memref<8x256xf32, #tpu.memory_space<vmem>>, vector<16xf32>,
    tpu.vector_store %arg9[%swap3A_270, %swap3A_271], %broadcast_in_dim3A_1 {strides = array<i32>} : memref<8x256xf32, #tpu.memory_space<vmem>>, vector<16xf32>,
    %swap3A_273 = arith.constant 4 : i32
    %swap3A_274 = arith.index_cast %swap3A_273 : i32 to index
    %swap3A_275 = arith.constant 64 : index
    %swap3A_276 = tpu.vector_load %arg9[%swap3A_274, %swap3A_275] {strides = array<i32>} : memref<8x256xf32, #tpu.memory_space<vmem>>, vector<16xf32>,
    tpu.vector_store %arg9[%swap3A_274, %swap3A_275], %broadcast_in_dim3A_1 {strides = array<i32>} : memref<8x256xf32, #tpu.memory_space<vmem>>, vector<16xf32>,
    %swap3A_277 = arith.constant 4 : i32
    %swap3A_278 = arith.index_cast %swap3A_277 : i32 to index
    %swap3A_279 = arith.constant 80 : index
    %swap3A_280 = tpu.vector_load %arg9[%swap3A_278, %swap3A_279] {strides = array<i32>} : memref<8x256xf32, #tpu.memory_space<vmem>>, vector<16xf32>,
    tpu.vector_store %arg9[%swap3A_278, %swap3A_279], %broadcast_in_dim3A_1 {strides = array<i32>} : memref<8x256xf32, #tpu.memory_space<vmem>>, vector<16xf32>,
    %swap3A_281 = arith.constant 4 : i32
    %swap3A_282 = arith.index_cast %swap3A_281 : i32 to index
    %swap3A_283 = arith.constant 96 : index
    %swap3A_284 = tpu.vector_load %arg9[%swap3A_282, %swap3A_283] {strides = array<i32>} : memref<8x256xf32, #tpu.memory_space<vmem>>, vector<16xf32>,
    tpu.vector_store %arg9[%swap3A_282, %swap3A_283], %broadcast_in_dim3A_1 {strides = array<i32>} : memref<8x256xf32, #tpu.memory_space<vmem>>, vector<16xf32>,
    %swap3A_285 = arith.constant 4 : i32
    %swap3A_286 = arith.index_cast %swap3A_285 : i32 to index
    %swap3A_287 = arith.constant 112 : index
    %swap3A_288 = tpu.vector_load %arg9[%swap3A_286, %swap3A_287] {strides = array<i32>} : memref<8x256xf32, #tpu.memory_space<vmem>>, vector<16xf32>,
    tpu.vector_store %arg9[%swap3A_286, %swap3A_287], %broadcast_in_dim3A_1 {strides = array<i32>} : memref<8x256xf32, #tpu.memory_space<vmem>>, vector<16xf32>,
    %swap3A_289 = arith.constant 4 : i32
    %swap3A_290 = arith.index_cast %swap3A_289 : i32 to index
    %swap3A_291 = arith.constant 128 : index
    %swap3A_292 = tpu.vector_load %arg9[%swap3A_290, %swap3A_291] {strides = array<i32>} : memref<8x256xf32, #tpu.memory_space<vmem>>, vector<16xf32>,
    tpu.vector_store %arg9[%swap3A_290, %swap3A_291], %broadcast_in_dim3A_1 {strides = array<i32>} : memref<8x256xf32, #tpu.memory_space<vmem>>, vector<16xf32>,
    %swap3A_293 = arith.constant 4 : i32
    %swap3A_294 = arith.index_cast %swap3A_293 : i32 to index
    %swap3A_295 = arith.constant 144 : index
    %swap3A_296 = tpu.vector_load %arg9[%swap3A_294, %swap3A_295] {strides = array<i32>} : memref<8x256xf32, #tpu.memory_space<vmem>>, vector<16xf32>,
    tpu.vector_store %arg9[%swap3A_294, %swap3A_295], %broadcast_in_dim3A_1 {strides = array<i32>} : memref<8x256xf32, #tpu.memory_space<vmem>>, vector<16xf32>,
    %swap3A_297 = arith.constant 4 : i32
    %swap3A_298 = arith.index_cast %swap3A_297 : i32 to index
    %swap3A_299 = arith.constant 160 : index
    %swap3A_300 = tpu.vector_load %arg9[%swap3A_298, %swap3A_299] {strides = array<i32>} : memref<8x256xf32, #tpu.memory_space<vmem>>, vector<16xf32>,
    tpu.vector_store %arg9[%swap3A_298, %swap3A_299], %broadcast_in_dim3A_1 {strides = array<i32>} : memref<8x256xf32, #tpu.memory_space<vmem>>, vector<16xf32>,
    %swap3A_301 = arith.constant 4 : i32
    %swap3A_302 = arith.index_cast %swap3A_301 : i32 to index
    %swap3A_303 = arith.constant 176 : index
    %swap3A_304 = tpu.vector_load %arg9[%swap3A_302, %swap3A_303] {strides = array<i32>} : memref<8x256xf32, #tpu.memory_space<vmem>>, vector<16xf32>,
    tpu.vector_store %arg9[%swap3A_302, %swap3A_303], %broadcast_in_dim3A_1 {strides = array<i32>} : memref<8x256xf32, #tpu.memory_space<vmem>>, vector<16xf32>,
    %swap3A_305 = arith.constant 4 : i32
    %swap3A_306 = arith.index_cast %swap3A_305 : i32 to index
    %swap3A_307 = arith.constant 192 : index
    %swap3A_308 = tpu.vector_load %arg9[%swap3A_306, %swap3A_307] {strides = array<i32>} : memref<8x256xf32, #tpu.memory_space<vmem>>, vector<16xf32>,
    tpu.vector_store %arg9[%swap3A_306, %swap3A_307], %broadcast_in_dim3A_1 {strides = array<i32>} : memref<8x256xf32, #tpu.memory_space<vmem>>, vector<16xf32>,
    %swap3A_309 = arith.constant 4 : i32
    %swap3A_310 = arith.index_cast %swap3A_309 : i32 to index
    %swap3A_311 = arith.constant 208 : index
    %swap3A_312 = tpu.vector_load %arg9[%swap3A_310, %swap3A_311] {strides = array<i32>} : memref<8x256xf32, #tpu.memory_space<vmem>>, vector<16xf32>,
    tpu.vector_store %arg9[%swap3A_310, %swap3A_311], %broadcast_in_dim3A_1 {strides = array<i32>} : memref<8x256xf32, #tpu.memory_space<vmem>>, vector<16xf32>,
    %swap3A_313 = arith.constant 4 : i32
    %swap3A_314 = arith.index_cast %swap3A_313 : i32 to index
    %swap3A_315 = arith.constant 224 : index
    %swap3A_316 = tpu.vector_load %arg9[%swap3A_314, %swap3A_315] {strides = array<i32>} : memref<8x256xf32, #tpu.memory_space<vmem>>, vector<16xf32>,
    tpu.vector_store %arg9[%swap3A_314, %swap3A_315], %broadcast_in_dim3A_1 {strides = array<i32>} : memref<8x256xf32, #tpu.memory_space<vmem>>, vector<16xf32>,
    %swap3A_317 = arith.constant 4 : i32
    %swap3A_318 = arith.index_cast %swap3A_317 : i32 to index
    %swap3A_319 = arith.constant 240 : index
    %swap3A_320 = tpu.vector_load %arg9[%swap3A_318, %swap3A_319] {strides = array<i32>} : memref<8x256xf32, #tpu.memory_space<vmem>>, vector<16xf32>,
    tpu.vector_store %arg9[%swap3A_318, %swap3A_319], %broadcast_in_dim3A_1 {strides = array<i32>} : memref<8x256xf32, #tpu.memory_space<vmem>>, vector<16xf32>,
    %swap3A_321 = arith.constant 5 : i32
    %swap3A_322 = arith.index_cast %swap3A_321 : i32 to index
    %swap3A_323 = arith.constant 0 : index
    %swap3A_324 = tpu.vector_load %arg9[%swap3A_322, %swap3A_323] {strides = array<i32>} : memref<8x256xf32, #tpu.memory_space<vmem>>, vector<16xf32>,
    tpu.vector_store %arg9[%swap3A_322, %swap3A_323], %broadcast_in_dim3A_1 {strides = array<i32>} : memref<8x256xf32, #tpu.memory_space<vmem>>, vector<16xf32>,
    %swap3A_325 = arith.constant 5 : i32
    %swap3A_326 = arith.index_cast %swap3A_325 : i32 to index
    %swap3A_327 = arith.constant 16 : index
    %swap3A_328 = tpu.vector_load %arg9[%swap3A_326, %swap3A_327] {strides = array<i32>} : memref<8x256xf32, #tpu.memory_space<vmem>>, vector<16xf32>,
    tpu.vector_store %arg9[%swap3A_326, %swap3A_327], %broadcast_in_dim3A_1 {strides = array<i32>} : memref<8x256xf32, #tpu.memory_space<vmem>>, vector<16xf32>,
    %swap3A_329 = arith.constant 5 : i32
    %swap3A_330 = arith.index_cast %swap3A_329 : i32 to index
    %swap3A_331 = arith.constant 32 : index
    %swap3A_332 = tpu.vector_load %arg9[%swap3A_330, %swap3A_331] {strides = array<i32>} : memref<8x256xf32, #tpu.memory_space<vmem>>, vector<16xf32>,
    tpu.vector_store %arg9[%swap3A_330, %swap3A_331], %broadcast_in_dim3A_1 {strides = array<i32>} : memref<8x256xf32, #tpu.memory_space<vmem>>, vector<16xf32>,
    %swap3A_333 = arith.constant 5 : i32
    %swap3A_334 = arith.index_cast %swap3A_333 : i32 to index
    %swap3A_335 = arith.constant 48 : index
    %swap3A_336 = tpu.vector_load %arg9[%swap3A_334, %swap3A_335] {strides = array<i32>} : memref<8x256xf32, #tpu.memory_space<vmem>>, vector<16xf32>,
    tpu.vector_store %arg9[%swap3A_334, %swap3A_335], %broadcast_in_dim3A_1 {strides = array<i32>} : memref<8x256xf32, #tpu.memory_space<vmem>>, vector<16xf32>,
    %swap3A_337 = arith.constant 5 : i32
    %swap3A_338 = arith.index_cast %swap3A_337 : i32 to index
    %swap3A_339 = arith.constant 64 : index
    %swap3A_340 = tpu.vector_load %arg9[%swap3A_338, %swap3A_339] {strides = array<i32>} : memref<8x256xf32, #tpu.memory_space<vmem>>, vector<16xf32>,
    tpu.vector_store %arg9[%swap3A_338, %swap3A_339], %broadcast_in_dim3A_1 {strides = array<i32>} : memref<8x256xf32, #tpu.memory_space<vmem>>, vector<16xf32>,
    %swap3A_341 = arith.constant 5 : i32
    %swap3A_342 = arith.index_cast %swap3A_341 : i32 to index
    %swap3A_343 = arith.constant 80 : index
    %swap3A_344 = tpu.vector_load %arg9[%swap3A_342, %swap3A_343] {strides = array<i32>} : memref<8x256xf32, #tpu.memory_space<vmem>>, vector<16xf32>,
    tpu.vector_store %arg9[%swap3A_342, %swap3A_343], %broadcast_in_dim3A_1 {strides = array<i32>} : memref<8x256xf32, #tpu.memory_space<vmem>>, vector<16xf32>,
    %swap3A_345 = arith.constant 5 : i32
    %swap3A_346 = arith.index_cast %swap3A_345 : i32 to index
    %swap3A_347 = arith.constant 96 : index
    %swap3A_348 = tpu.vector_load %arg9[%swap3A_346, %swap3A_347] {strides = array<i32>} : memref<8x256xf32, #tpu.memory_space<vmem>>, vector<16xf32>,
    tpu.vector_store %arg9[%swap3A_346, %swap3A_347], %broadcast_in_dim3A_1 {strides = array<i32>} : memref<8x256xf32, #tpu.memory_space<vmem>>, vector<16xf32>,
    %swap3A_349 = arith.constant 5 : i32
    %swap3A_350 = arith.index_cast %swap3A_349 : i32 to index
    %swap3A_351 = arith.constant 112 : index
    %swap3A_352 = tpu.vector_load %arg9[%swap3A_350, %swap3A_351] {strides = array<i32>} : memref<8x256xf32, #tpu.memory_space<vmem>>, vector<16xf32>,
    tpu.vector_store %arg9[%swap3A_350, %swap3A_351], %broadcast_in_dim3A_1 {strides = array<i32>} : memref<8x256xf32, #tpu.memory_space<vmem>>, vector<16xf32>,
    %swap3A_353 = arith.constant 5 : i32
    %swap3A_354 = arith.index_cast %swap3A_353 : i32 to index
    %swap3A_355 = arith.constant 128 : index
    %swap3A_356 = tpu.vector_load %arg9[%swap3A_354, %swap3A_355] {strides = array<i32>} : memref<8x256xf32, #tpu.memory_space<vmem>>, vector<16xf32>,
    tpu.vector_store %arg9[%swap3A_354, %swap3A_355], %broadcast_in_dim3A_1 {strides = array<i32>} : memref<8x256xf32, #tpu.memory_space<vmem>>, vector<16xf32>,
    %swap3A_357 = arith.constant 5 : i32
    %swap3A_358 = arith.index_cast %swap3A_357 : i32 to index
    %swap3A_359 = arith.constant 144 : index
    %swap3A_360 = tpu.vector_load %arg9[%swap3A_358, %swap3A_359] {strides = array<i32>} : memref<8x256xf32, #tpu.memory_space<vmem>>, vector<16xf32>,
    tpu.vector_store %arg9[%swap3A_358, %swap3A_359], %broadcast_in_dim3A_1 {strides = array<i32>} : memref<8x256xf32, #tpu.memory_space<vmem>>, vector<16xf32>,
    %swap3A_361 = arith.constant 5 : i32
    %swap3A_362 = arith.index_cast %swap3A_361 : i32 to index
    %swap3A_363 = arith.constant 160 : index
    %swap3A_364 = tpu.vector_load %arg9[%swap3A_362, %swap3A_363] {strides = array<i32>} : memref<8x256xf32, #tpu.memory_space<vmem>>, vector<16xf32>,
    tpu.vector_store %arg9[%swap3A_362, %swap3A_363], %broadcast_in_dim3A_1 {strides = array<i32>} : memref<8x256xf32, #tpu.memory_space<vmem>>, vector<16xf32>,
    %swap3A_365 = arith.constant 5 : i32
    %swap3A_366 = arith.index_cast %swap3A_365 : i32 to index
    %swap3A_367 = arith.constant 176 : index
    %swap3A_368 = tpu.vector_load %arg9[%swap3A_366, %swap3A_367] {strides = array<i32>} : memref<8x256xf32, #tpu.memory_space<vmem>>, vector<16xf32>,
    tpu.vector_store %arg9[%swap3A_366, %swap3A_367], %broadcast_in_dim3A_1 {strides = array<i32>} : memref<8x256xf32, #tpu.memory_space<vmem>>, vector<16xf32>,
    %swap3A_369 = arith.constant 5 : i32
    %swap3A_370 = arith.index_cast %swap3A_369 : i32 to index
    %swap3A_371 = arith.constant 192 : index
    %swap3A_372 = tpu.vector_load %arg9[%swap3A_370, %swap3A_371] {strides = array<i32>} : memref<8x256xf32, #tpu.memory_space<vmem>>, vector<16xf32>,
    tpu.vector_store %arg9[%swap3A_370, %swap3A_371], %broadcast_in_dim3A_1 {strides = array<i32>} : memref<8x256xf32, #tpu.memory_space<vmem>>, vector<16xf32>,
    %swap3A_373 = arith.constant 5 : i32
    %swap3A_374 = arith.index_cast %swap3A_373 : i32 to index
    %swap3A_375 = arith.constant 208 : index
    %swap3A_376 = tpu.vector_load %arg9[%swap3A_374, %swap3A_375] {strides = array<i32>} : memref<8x256xf32, #tpu.memory_space<vmem>>, vector<16xf32>,
    tpu.vector_store %arg9[%swap3A_374, %swap3A_375], %broadcast_in_dim3A_1 {strides = array<i32>} : memref<8x256xf32, #tpu.memory_space<vmem>>, vector<16xf32>,
    %swap3A_377 = arith.constant 5 : i32
    %swap3A_378 = arith.index_cast %swap3A_377 : i32 to index
    %swap3A_379 = arith.constant 224 : index
    %swap3A_380 = tpu.vector_load %arg9[%swap3A_378, %swap3A_379] {strides = array<i32>} : memref<8x256xf32, #tpu.memory_space<vmem>>, vector<16xf32>,
    tpu.vector_store %arg9[%swap3A_378, %swap3A_379], %broadcast_in_dim3A_1 {strides = array<i32>} : memref<8x256xf32, #tpu.memory_space<vmem>>, vector<16xf32>,
    %swap3A_381 = arith.constant 5 : i32
    %swap3A_382 = arith.index_cast %swap3A_381 : i32 to index
    %swap3A_383 = arith.constant 240 : index
    %swap3A_384 = tpu.vector_load %arg9[%swap3A_382, %swap3A_383] {strides = array<i32>} : memref<8x256xf32, #tpu.memory_space<vmem>>, vector<16xf32>,
    tpu.vector_store %arg9[%swap3A_382, %swap3A_383], %broadcast_in_dim3A_1 {strides = array<i32>} : memref<8x256xf32, #tpu.memory_space<vmem>>, vector<16xf32>,
    %swap3A_385 = arith.constant 6 : i32
    %swap3A_386 = arith.index_cast %swap3A_385 : i32 to index
    %swap3A_387 = arith.constant 0 : index
    %swap3A_388 = tpu.vector_load %arg9[%swap3A_386, %swap3A_387] {strides = array<i32>} : memref<8x256xf32, #tpu.memory_space<vmem>>, vector<16xf32>,
    tpu.vector_store %arg9[%swap3A_386, %swap3A_387], %broadcast_in_dim3A_1 {strides = array<i32>} : memref<8x256xf32, #tpu.memory_space<vmem>>, vector<16xf32>,
    %swap3A_389 = arith.constant 6 : i32
    %swap3A_390 = arith.index_cast %swap3A_389 : i32 to index
    %swap3A_391 = arith.constant 16 : index
    %swap3A_392 = tpu.vector_load %arg9[%swap3A_390, %swap3A_391] {strides = array<i32>} : memref<8x256xf32, #tpu.memory_space<vmem>>, vector<16xf32>,
    tpu.vector_store %arg9[%swap3A_390, %swap3A_391], %broadcast_in_dim3A_1 {strides = array<i32>} : memref<8x256xf32, #tpu.memory_space<vmem>>, vector<16xf32>,
    %swap3A_393 = arith.constant 6 : i32
    %swap3A_394 = arith.index_cast %swap3A_393 : i32 to index
    %swap3A_395 = arith.constant 32 : index
    %swap3A_396 = tpu.vector_load %arg9[%swap3A_394, %swap3A_395] {strides = array<i32>} : memref<8x256xf32, #tpu.memory_space<vmem>>, vector<16xf32>,
    tpu.vector_store %arg9[%swap3A_394, %swap3A_395], %broadcast_in_dim3A_1 {strides = array<i32>} : memref<8x256xf32, #tpu.memory_space<vmem>>, vector<16xf32>,
    %swap3A_397 = arith.constant 6 : i32
    %swap3A_398 = arith.index_cast %swap3A_397 : i32 to index
    %swap3A_399 = arith.constant 48 : index
    %swap3A_400 = tpu.vector_load %arg9[%swap3A_398, %swap3A_399] {strides = array<i32>} : memref<8x256xf32, #tpu.memory_space<vmem>>, vector<16xf32>,
    tpu.vector_store %arg9[%swap3A_398, %swap3A_399], %broadcast_in_dim3A_1 {strides = array<i32>} : memref<8x256xf32, #tpu.memory_space<vmem>>, vector<16xf32>,
    %swap3A_401 = arith.constant 6 : i32
    %swap3A_402 = arith.index_cast %swap3A_401 : i32 to index
    %swap3A_403 = arith.constant 64 : index
    %swap3A_404 = tpu.vector_load %arg9[%swap3A_402, %swap3A_403] {strides = array<i32>} : memref<8x256xf32, #tpu.memory_space<vmem>>, vector<16xf32>,
    tpu.vector_store %arg9[%swap3A_402, %swap3A_403], %broadcast_in_dim3A_1 {strides = array<i32>} : memref<8x256xf32, #tpu.memory_space<vmem>>, vector<16xf32>,
    %swap3A_405 = arith.constant 6 : i32
    %swap3A_406 = arith.index_cast %swap3A_405 : i32 to index
    %swap3A_407 = arith.constant 80 : index
    %swap3A_408 = tpu.vector_load %arg9[%swap3A_406, %swap3A_407] {strides = array<i32>} : memref<8x256xf32, #tpu.memory_space<vmem>>, vector<16xf32>,
    tpu.vector_store %arg9[%swap3A_406, %swap3A_407], %broadcast_in_dim3A_1 {strides = array<i32>} : memref<8x256xf32, #tpu.memory_space<vmem>>, vector<16xf32>,
    %swap3A_409 = arith.constant 6 : i32
    %swap3A_410 = arith.index_cast %swap3A_409 : i32 to index
    %swap3A_411 = arith.constant 96 : index
    %swap3A_412 = tpu.vector_load %arg9[%swap3A_410, %swap3A_411] {strides = array<i32>} : memref<8x256xf32, #tpu.memory_space<vmem>>, vector<16xf32>,
    tpu.vector_store %arg9[%swap3A_410, %swap3A_411], %broadcast_in_dim3A_1 {strides = array<i32>} : memref<8x256xf32, #tpu.memory_space<vmem>>, vector<16xf32>,
    %swap3A_413 = arith.constant 6 : i32
    %swap3A_414 = arith.index_cast %swap3A_413 : i32 to index
    %swap3A_415 = arith.constant 112 : index
    %swap3A_416 = tpu.vector_load %arg9[%swap3A_414, %swap3A_415] {strides = array<i32>} : memref<8x256xf32, #tpu.memory_space<vmem>>, vector<16xf32>,
    tpu.vector_store %arg9[%swap3A_414, %swap3A_415], %broadcast_in_dim3A_1 {strides = array<i32>} : memref<8x256xf32, #tpu.memory_space<vmem>>, vector<16xf32>,
    %swap3A_417 = arith.constant 6 : i32
    %swap3A_418 = arith.index_cast %swap3A_417 : i32 to index
    %swap3A_419 = arith.constant 128 : index
    %swap3A_420 = tpu.vector_load %arg9[%swap3A_418, %swap3A_419] {strides = array<i32>} : memref<8x256xf32, #tpu.memory_space<vmem>>, vector<16xf32>,
    tpu.vector_store %arg9[%swap3A_418, %swap3A_419], %broadcast_in_dim3A_1 {strides = array<i32>} : memref<8x256xf32, #tpu.memory_space<vmem>>, vector<16xf32>,
    %swap3A_421 = arith.constant 6 : i32
    %swap3A_422 = arith.index_cast %swap3A_421 : i32 to index
    %swap3A_423 = arith.constant 144 : index
    %swap3A_424 = tpu.vector_load %arg9[%swap3A_422, %swap3A_423] {strides = array<i32>} : memref<8x256xf32, #tpu.memory_space<vmem>>, vector<16xf32>,
    tpu.vector_store %arg9[%swap3A_422, %swap3A_423], %broadcast_in_dim3A_1 {strides = array<i32>} : memref<8x256xf32, #tpu.memory_space<vmem>>, vector<16xf32>,
    %swap3A_425 = arith.constant 6 : i32
    %swap3A_426 = arith.index_cast %swap3A_425 : i32 to index
    %swap3A_427 = arith.constant 160 : index
    %swap3A_428 = tpu.vector_load %arg9[%swap3A_426, %swap3A_427] {strides = array<i32>} : memref<8x256xf32, #tpu.memory_space<vmem>>, vector<16xf32>,
    tpu.vector_store %arg9[%swap3A_426, %swap3A_427], %broadcast_in_dim3A_1 {strides = array<i32>} : memref<8x256xf32, #tpu.memory_space<vmem>>, vector<16xf32>,
    %swap3A_429 = arith.constant 6 : i32
    %swap3A_430 = arith.index_cast %swap3A_429 : i32 to index
    %swap3A_431 = arith.constant 176 : index
    %swap3A_432 = tpu.vector_load %arg9[%swap3A_430, %swap3A_431] {strides = array<i32>} : memref<8x256xf32, #tpu.memory_space<vmem>>, vector<16xf32>,
    tpu.vector_store %arg9[%swap3A_430, %swap3A_431], %broadcast_in_dim3A_1 {strides = array<i32>} : memref<8x256xf32, #tpu.memory_space<vmem>>, vector<16xf32>,
    %swap3A_433 = arith.constant 6 : i32
    %swap3A_434 = arith.index_cast %swap3A_433 : i32 to index
    %swap3A_435 = arith.constant 192 : index
    %swap3A_436 = tpu.vector_load %arg9[%swap3A_434, %swap3A_435] {strides = array<i32>} : memref<8x256xf32, #tpu.memory_space<vmem>>, vector<16xf32>,
    tpu.vector_store %arg9[%swap3A_434, %swap3A_435], %broadcast_in_dim3A_1 {strides = array<i32>} : memref<8x256xf32, #tpu.memory_space<vmem>>, vector<16xf32>,
    %swap3A_437 = arith.constant 6 : i32
    %swap3A_438 = arith.index_cast %swap3A_437 : i32 to index
    %swap3A_439 = arith.constant 208 : index
    %swap3A_440 = tpu.vector_load %arg9[%swap3A_438, %swap3A_439] {strides = array<i32>} : memref<8x256xf32, #tpu.memory_space<vmem>>, vector<16xf32>,
    tpu.vector_store %arg9[%swap3A_438, %swap3A_439], %broadcast_in_dim3A_1 {strides = array<i32>} : memref<8x256xf32, #tpu.memory_space<vmem>>, vector<16xf32>,
    %swap3A_441 = arith.constant 6 : i32
    %swap3A_442 = arith.index_cast %swap3A_441 : i32 to index
    %swap3A_443 = arith.constant 224 : index
    %swap3A_444 = tpu.vector_load %arg9[%swap3A_442, %swap3A_443] {strides = array<i32>} : memref<8x256xf32, #tpu.memory_space<vmem>>, vector<16xf32>,
    tpu.vector_store %arg9[%swap3A_442, %swap3A_443], %broadcast_in_dim3A_1 {strides = array<i32>} : memref<8x256xf32, #tpu.memory_space<vmem>>, vector<16xf32>,
    %swap3A_445 = arith.constant 6 : i32
    %swap3A_446 = arith.index_cast %swap3A_445 : i32 to index
    %swap3A_447 = arith.constant 240 : index
    %swap3A_448 = tpu.vector_load %arg9[%swap3A_446, %swap3A_447] {strides = array<i32>} : memref<8x256xf32, #tpu.memory_space<vmem>>, vector<16xf32>,
    tpu.vector_store %arg9[%swap3A_446, %swap3A_447], %broadcast_in_dim3A_1 {strides = array<i32>} : memref<8x256xf32, #tpu.memory_space<vmem>>, vector<16xf32>,
    %swap3A_449 = arith.constant 7 : i32
    %swap3A_450 = arith.index_cast %swap3A_449 : i32 to index
    %swap3A_451 = arith.constant 0 : index
    %swap3A_452 = tpu.vector_load %arg9[%swap3A_450, %swap3A_451] {strides = array<i32>} : memref<8x256xf32, #tpu.memory_space<vmem>>, vector<16xf32>,
    tpu.vector_store %arg9[%swap3A_450, %swap3A_451], %broadcast_in_dim3A_1 {strides = array<i32>} : memref<8x256xf32, #tpu.memory_space<vmem>>, vector<16xf32>,
    %swap3A_453 = arith.constant 7 : i32
    %swap3A_454 = arith.index_cast %swap3A_453 : i32 to index
    %swap3A_455 = arith.constant 16 : index
    %swap3A_456 = tpu.vector_load %arg9[%swap3A_454, %swap3A_455] {strides = array<i32>} : memref<8x256xf32, #tpu.memory_space<vmem>>, vector<16xf32>,
    tpu.vector_store %arg9[%swap3A_454, %swap3A_455], %broadcast_in_dim3A_1 {strides = array<i32>} : memref<8x256xf32, #tpu.memory_space<vmem>>, vector<16xf32>,
    %swap3A_457 = arith.constant 7 : i32
    %swap3A_458 = arith.index_cast %swap3A_457 : i32 to index
    %swap3A_459 = arith.constant 32 : index
    %swap3A_460 = tpu.vector_load %arg9[%swap3A_458, %swap3A_459] {strides = array<i32>} : memref<8x256xf32, #tpu.memory_space<vmem>>, vector<16xf32>,
    tpu.vector_store %arg9[%swap3A_458, %swap3A_459], %broadcast_in_dim3A_1 {strides = array<i32>} : memref<8x256xf32, #tpu.memory_space<vmem>>, vector<16xf32>,
    %swap3A_461 = arith.constant 7 : i32
    %swap3A_462 = arith.index_cast %swap3A_461 : i32 to index
    %swap3A_463 = arith.constant 48 : index
    %swap3A_464 = tpu.vector_load %arg9[%swap3A_462, %swap3A_463] {strides = array<i32>} : memref<8x256xf32, #tpu.memory_space<vmem>>, vector<16xf32>,
    tpu.vector_store %arg9[%swap3A_462, %swap3A_463], %broadcast_in_dim3A_1 {strides = array<i32>} : memref<8x256xf32, #tpu.memory_space<vmem>>, vector<16xf32>,
    %swap3A_465 = arith.constant 7 : i32
    %swap3A_466 = arith.index_cast %swap3A_465 : i32 to index
    %swap3A_467 = arith.constant 64 : index
    %swap3A_468 = tpu.vector_load %arg9[%swap3A_466, %swap3A_467] {strides = array<i32>} : memref<8x256xf32, #tpu.memory_space<vmem>>, vector<16xf32>,
    tpu.vector_store %arg9[%swap3A_466, %swap3A_467], %broadcast_in_dim3A_1 {strides = array<i32>} : memref<8x256xf32, #tpu.memory_space<vmem>>, vector<16xf32>,
    %swap3A_469 = arith.constant 7 : i32
    %swap3A_470 = arith.index_cast %swap3A_469 : i32 to index
    %swap3A_471 = arith.constant 80 : index
    %swap3A_472 = tpu.vector_load %arg9[%swap3A_470, %swap3A_471] {strides = array<i32>} : memref<8x256xf32, #tpu.memory_space<vmem>>, vector<16xf32>,
    tpu.vector_store %arg9[%swap3A_470, %swap3A_471], %broadcast_in_dim3A_1 {strides = array<i32>} : memref<8x256xf32, #tpu.memory_space<vmem>>, vector<16xf32>,
    %swap3A_473 = arith.constant 7 : i32
    %swap3A_474 = arith.index_cast %swap3A_473 : i32 to index
    %swap3A_475 = arith.constant 96 : index
    %swap3A_476 = tpu.vector_load %arg9[%swap3A_474, %swap3A_475] {strides = array<i32>} : memref<8x256xf32, #tpu.memory_space<vmem>>, vector<16xf32>,
    tpu.vector_store %arg9[%swap3A_474, %swap3A_475], %broadcast_in_dim3A_1 {strides = array<i32>} : memref<8x256xf32, #tpu.memory_space<vmem>>, vector<16xf32>,
    %swap3A_477 = arith.constant 7 : i32
    %swap3A_478 = arith.index_cast %swap3A_477 : i32 to index
    %swap3A_479 = arith.constant 112 : index
    %swap3A_480 = tpu.vector_load %arg9[%swap3A_478, %swap3A_479] {strides = array<i32>} : memref<8x256xf32, #tpu.memory_space<vmem>>, vector<16xf32>,
    tpu.vector_store %arg9[%swap3A_478, %swap3A_479], %broadcast_in_dim3A_1 {strides = array<i32>} : memref<8x256xf32, #tpu.memory_space<vmem>>, vector<16xf32>,
    %swap3A_481 = arith.constant 7 : i32
    %swap3A_482 = arith.index_cast %swap3A_481 : i32 to index
    %swap3A_483 = arith.constant 128 : index
    %swap3A_484 = tpu.vector_load %arg9[%swap3A_482, %swap3A_483] {strides = array<i32>} : memref<8x256xf32, #tpu.memory_space<vmem>>, vector<16xf32>,
    tpu.vector_store %arg9[%swap3A_482, %swap3A_483], %broadcast_in_dim3A_1 {strides = array<i32>} : memref<8x256xf32, #tpu.memory_space<vmem>>, vector<16xf32>,
    %swap3A_485 = arith.constant 7 : i32
    %swap3A_486 = arith.index_cast %swap3A_485 : i32 to index
    %swap3A_487 = arith.constant 144 : index
    %swap3A_488 = tpu.vector_load %arg9[%swap3A_486, %swap3A_487] {strides = array<i32>} : memref<8x256xf32, #tpu.memory_space<vmem>>, vector<16xf32>,
    tpu.vector_store %arg9[%swap3A_486, %swap3A_487], %broadcast_in_dim3A_1 {strides = array<i32>} : memref<8x256xf32, #tpu.memory_space<vmem>>, vector<16xf32>,
    %swap3A_489 = arith.constant 7 : i32
    %swap3A_490 = arith.index_cast %swap3A_489 : i32 to index
    %swap3A_491 = arith.constant 160 : index
    %swap3A_492 = tpu.vector_load %arg9[%swap3A_490, %swap3A_491] {strides = array<i32>} : memref<8x256xf32, #tpu.memory_space<vmem>>, vector<16xf32>,
    tpu.vector_store %arg9[%swap3A_490, %swap3A_491], %broadcast_in_dim3A_1 {strides = array<i32>} : memref<8x256xf32, #tpu.memory_space<vmem>>, vector<16xf32>,
    %swap3A_493 = arith.constant 7 : i32
    %swap3A_494 = arith.index_cast %swap3A_493 : i32 to index
    %swap3A_495 = arith.constant 176 : index
    %swap3A_496 = tpu.vector_load %arg9[%swap3A_494, %swap3A_495] {strides = array<i32>} : memref<8x256xf32, #tpu.memory_space<vmem>>, vector<16xf32>,
    tpu.vector_store %arg9[%swap3A_494, %swap3A_495], %broadcast_in_dim3A_1 {strides = array<i32>} : memref<8x256xf32, #tpu.memory_space<vmem>>, vector<16xf32>,
    %swap3A_497 = arith.constant 7 : i32
    %swap3A_498 = arith.index_cast %swap3A_497 : i32 to index
    %swap3A_499 = arith.constant 192 : index
    %swap3A_500 = tpu.vector_load %arg9[%swap3A_498, %swap3A_499] {strides = array<i32>} : memref<8x256xf32, #tpu.memory_space<vmem>>, vector<16xf32>,
    tpu.vector_store %arg9[%swap3A_498, %swap3A_499], %broadcast_in_dim3A_1 {strides = array<i32>} : memref<8x256xf32, #tpu.memory_space<vmem>>, vector<16xf32>,
    %swap3A_501 = arith.constant 7 : i32
    %swap3A_502 = arith.index_cast %swap3A_501 : i32 to index
    %swap3A_503 = arith.constant 208 : index
    %swap3A_504 = tpu.vector_load %arg9[%swap3A_502, %swap3A_503] {strides = array<i32>} : memref<8x256xf32, #tpu.memory_space<vmem>>, vector<16xf32>,
    tpu.vector_store %arg9[%swap3A_502, %swap3A_503], %broadcast_in_dim3A_1 {strides = array<i32>} : memref<8x256xf32, #tpu.memory_space<vmem>>, vector<16xf32>,
    %swap3A_505 = arith.constant 7 : i32
    %swap3A_506 = arith.index_cast %swap3A_505 : i32 to index
    %swap3A_507 = arith.constant 224 : index
    %swap3A_508 = tpu.vector_load %arg9[%swap3A_506, %swap3A_507] {strides = array<i32>} : memref<8x256xf32, #tpu.memory_space<vmem>>, vector<16xf32>,
    tpu.vector_store %arg9[%swap3A_506, %swap3A_507], %broadcast_in_dim3A_1 {strides = array<i32>} : memref<8x256xf32, #tpu.memory_space<vmem>>, vector<16xf32>,
    %swap3A_509 = arith.constant 7 : i32
    %swap3A_510 = arith.index_cast %swap3A_509 : i32 to index
    %swap3A_511 = arith.constant 240 : index
    %swap3A_512 = tpu.vector_load %arg9[%swap3A_510, %swap3A_511] {strides = array<i32>} : memref<8x256xf32, #tpu.memory_space<vmem>>, vector<16xf32>,
    tpu.vector_store %arg9[%swap3A_510, %swap3A_511], %broadcast_in_dim3A_1 {strides = array<i32>} : memref<8x256xf32, #tpu.memory_space<vmem>>, vector<16xf32>,
    %add3A_513 = arith.constant 0 : i32
    %add3A_514 = arith.addi %add3A, %add3A_513 : i32
    %mul3A_515 = arith.constant 80 : i32
    %mul3A_516 = arith.muli %add3A_514, %mul3A_515 : i32
    %dma_start3A = arith.constant 0 : i32
    %dma_start3A_517 = tpu.memref_slice %arg2[%mul3A_516, %dma_start3A] : memref<10000x256xf32, #tpu.memory_space<hbm>> -> memref<80x256xf32, #tpu.memory_space<hbm>>
    %dma_start3A_518 = arith.constant 0 : i32
    %dma_start3A_519 = tpu.memref_slice %arg2[%mul3A_516, %dma_start3A_518] : memref<10000x256xf32, #tpu.memory_space<hbm>> -> memref<80x256xf32, #tpu.memory_space<hbm>>
    tpu.enqueue_dma source(%dma_start3A_519 : memref<80x256xf32, #tpu.memory_space<hbm>>) target(%arg5 : memref<80x256xf32, #tpu.memory_space<vmem>>) target_semaphore(%arg10 : memref<!tpu.dma_semaphore, #tpu.memory_space<semaphore_mem>>)
    %dma_start3A_520 = tpu.memref_slice %arg3[%mul3A_516] : memref<10000xi32, #tpu.memory_space<hbm>> -> memref<80xi32, #tpu.memory_space<hbm>>
    %dma_start3A_521 = tpu.memref_slice %arg3[%mul3A_516] : memref<10000xi32, #tpu.memory_space<hbm>> -> memref<80xi32, #tpu.memory_space<hbm>>
    tpu.enqueue_dma source(%dma_start3A_521 : memref<80xi32, #tpu.memory_space<hbm>>) target(%arg7 : memref<80xi32, #tpu.memory_space<vmem>>) target_semaphore(%arg12 : memref<!tpu.dma_semaphore, #tpu.memory_space<semaphore_mem>>)
    %add3A_522 = arith.constant 0 : i32
    %add3A_523 = arith.addi %add3A, %add3A_522 : i32
    %mul3A_524 = arith.constant 80 : i32
    %mul3A_525 = arith.muli %add3A_523, %mul3A_524 : i32
    %dma_wait3A = arith.constant 0 : i32
    %dma_wait3A_526 = tpu.memref_slice %arg2[%mul3A_525, %dma_wait3A] : memref<10000x256xf32, #tpu.memory_space<hbm>> -> memref<80x256xf32, #tpu.memory_space<hbm>>
    %dma_wait3A_527 = arith.constant 0 : i32
    %dma_wait3A_528 = tpu.memref_slice %arg2[%mul3A_525, %dma_wait3A_527] : memref<10000x256xf32, #tpu.memory_space<hbm>> -> memref<80x256xf32, #tpu.memory_space<hbm>>
    tpu.wait_dma2 semaphore(%arg10 : memref<!tpu.dma_semaphore, #tpu.memory_space<semaphore_mem>>) src(%dma_wait3A_528 : memref<80x256xf32, #tpu.memory_space<hbm>>) dst(%arg5 : memref<80x256xf32, #tpu.memory_space<vmem>>)
    %dma_wait3A_529 = tpu.memref_slice %arg3[%mul3A_525] : memref<10000xi32, #tpu.memory_space<hbm>> -> memref<80xi32, #tpu.memory_space<hbm>>
    %dma_wait3A_530 = tpu.memref_slice %arg3[%mul3A_525] : memref<10000xi32, #tpu.memory_space<hbm>> -> memref<80xi32, #tpu.memory_space<hbm>>
    tpu.wait_dma2 semaphore(%arg12 : memref<!tpu.dma_semaphore, #tpu.memory_space<semaphore_mem>>) src(%dma_wait3A_530 : memref<80xi32, #tpu.memory_space<hbm>>) dst(%arg7 : memref<80xi32, #tpu.memory_space<vmem>>)
    %add3A_531 = arith.constant 32 : i32
    %add3A_532 = arith.addi %add3A, %add3A_531 : i32
    %mul3A_533 = arith.constant 80 : i32
    %mul3A_534 = arith.muli %add3A_532, %mul3A_533 : i32
    %dma_start3A_535 = arith.constant 0 : i32
    %dma_start3A_536 = tpu.memref_slice %arg2[%mul3A_534, %dma_start3A_535] : memref<10000x256xf32, #tpu.memory_space<hbm>> -> memref<80x256xf32, #tpu.memory_space<hbm>>
    %dma_start3A_537 = arith.constant 0 : i32
    %dma_start3A_538 = tpu.memref_slice %arg2[%mul3A_534, %dma_start3A_537] : memref<10000x256xf32, #tpu.memory_space<hbm>> -> memref<80x256xf32, #tpu.memory_space<hbm>>
    tpu.enqueue_dma source(%dma_start3A_538 : memref<80x256xf32, #tpu.memory_space<hbm>>) target(%arg6 : memref<80x256xf32, #tpu.memory_space<vmem>>) target_semaphore(%arg11 : memref<!tpu.dma_semaphore, #tpu.memory_space<semaphore_mem>>)
    %dma_start3A_539 = tpu.memref_slice %arg3[%mul3A_534] : memref<10000xi32, #tpu.memory_space<hbm>> -> memref<80xi32, #tpu.memory_space<hbm>>
    %dma_start3A_540 = tpu.memref_slice %arg3[%mul3A_534] : memref<10000xi32, #tpu.memory_space<hbm>> -> memref<80xi32, #tpu.memory_space<hbm>>
    tpu.enqueue_dma source(%dma_start3A_540 : memref<80xi32, #tpu.memory_space<hbm>>) target(%arg8 : memref<80xi32, #tpu.memory_space<vmem>>) target_semaphore(%arg13 : memref<!tpu.dma_semaphore, #tpu.memory_space<semaphore_mem>>)
    %parallel_loop3A = arith.constant 0 : i32
    %parallel_loop3A_541 = arith.constant 80 : i32
    %parallel_loop3A_542 = arith.constant 1 : i32
    scf.for %parallel_loop3A_588 = %parallel_loop3A to %parallel_loop3A_541 step %parallel_loop3A_542  : i32 {
      %parallel_loop3A_589 = vector.broadcast %parallel_loop3A_588 : i32 to vector<16xi32>
      %parallel_loop3A_590 = arith.constant 0 : i32
      %parallel_loop3A_591 = tpu.memref_slice %arg7[%parallel_loop3A_590] : memref<80xi32, #tpu.memory_space<vmem>> -> memref<80xi32, #tpu.memory_space<vmem>>
      %parallel_loop3A_592 = tpu.vector_load_idx %parallel_loop3A_591[%parallel_loop3A_589] : memref<80xi32, #tpu.memory_space<vmem>>[vector<16xi32>], vector<16xi32>,
      %parallel_loop3A_593 = arith.index_cast %parallel_loop3A_588 : i32 to index
      %parallel_loop3A_594 = arith.constant 0 : index
      %parallel_loop3A_595 = tpu.vector_load %arg5[%parallel_loop3A_593, %parallel_loop3A_594] {strides = array<i32>} : memref<80x256xf32, #tpu.memory_space<vmem>>, vector<16xf32>,
      %parallel_loop3A_596 = arith.constant 0 : i32
      %parallel_loop3A_597 = vector.broadcast %parallel_loop3A_596 : i32 to vector<16xi32>
      %parallel_loop3A_598 = arith.addi %iota3A, %parallel_loop3A_597 : vector<16xi32>
      %parallel_loop3A_599 = arith.constant 0 : i32
      %parallel_loop3A_600 = arith.constant 0 : i32
      %parallel_loop3A_601 = tpu.memref_slice %arg9[%parallel_loop3A_599, %parallel_loop3A_600] : memref<8x256xf32, #tpu.memory_space<vmem>> -> memref<8x256xf32, #tpu.memory_space<vmem>>
      tpu.vector_store_idx %parallel_loop3A_601[%parallel_loop3A_592, %parallel_loop3A_598], %parallel_loop3A_595 {add = true} : memref<8x256xf32, #tpu.memory_space<vmem>>[vector<16xi32>, vector<16xi32>], vector<16xf32>,
      %parallel_loop3A_602 = arith.index_cast %parallel_loop3A_588 : i32 to index
      %parallel_loop3A_603 = arith.constant 16 : index
      %parallel_loop3A_604 = tpu.vector_load %arg5[%parallel_loop3A_602, %parallel_loop3A_603] {strides = array<i32>} : memref<80x256xf32, #tpu.memory_space<vmem>>, vector<16xf32>,
      %parallel_loop3A_605 = arith.constant 16 : i32
      %parallel_loop3A_606 = vector.broadcast %parallel_loop3A_605 : i32 to vector<16xi32>
      %parallel_loop3A_607 = arith.addi %iota3A, %parallel_loop3A_606 : vector<16xi32>
      %parallel_loop3A_608 = arith.constant 0 : i32
      %parallel_loop3A_609 = arith.constant 0 : i32
      %parallel_loop3A_610 = tpu.memref_slice %arg9[%parallel_loop3A_608, %parallel_loop3A_609] : memref<8x256xf32, #tpu.memory_space<vmem>> -> memref<8x256xf32, #tpu.memory_space<vmem>>
      tpu.vector_store_idx %parallel_loop3A_610[%parallel_loop3A_592, %parallel_loop3A_607], %parallel_loop3A_604 {add = true} : memref<8x256xf32, #tpu.memory_space<vmem>>[vector<16xi32>, vector<16xi32>], vector<16xf32>,
      %parallel_loop3A_611 = arith.index_cast %parallel_loop3A_588 : i32 to index
      %parallel_loop3A_612 = arith.constant 32 : index
      %parallel_loop3A_613 = tpu.vector_load %arg5[%parallel_loop3A_611, %parallel_loop3A_612] {strides = array<i32>} : memref<80x256xf32, #tpu.memory_space<vmem>>, vector<16xf32>,
      %parallel_loop3A_614 = arith.constant 32 : i32
      %parallel_loop3A_615 = vector.broadcast %parallel_loop3A_614 : i32 to vector<16xi32>
      %parallel_loop3A_616 = arith.addi %iota3A, %parallel_loop3A_615 : vector<16xi32>
      %parallel_loop3A_617 = arith.constant 0 : i32
      %parallel_loop3A_618 = arith.constant 0 : i32
      %parallel_loop3A_619 = tpu.memref_slice %arg9[%parallel_loop3A_617, %parallel_loop3A_618] : memref<8x256xf32, #tpu.memory_space<vmem>> -> memref<8x256xf32, #tpu.memory_space<vmem>>
      tpu.vector_store_idx %parallel_loop3A_619[%parallel_loop3A_592, %parallel_loop3A_616], %parallel_loop3A_613 {add = true} : memref<8x256xf32, #tpu.memory_space<vmem>>[vector<16xi32>, vector<16xi32>], vector<16xf32>,
      %parallel_loop3A_620 = arith.index_cast %parallel_loop3A_588 : i32 to index
      %parallel_loop3A_621 = arith.constant 48 : index
      %parallel_loop3A_622 = tpu.vector_load %arg5[%parallel_loop3A_620, %parallel_loop3A_621] {strides = array<i32>} : memref<80x256xf32, #tpu.memory_space<vmem>>, vector<16xf32>,
      %parallel_loop3A_623 = arith.constant 48 : i32
      %parallel_loop3A_624 = vector.broadcast %parallel_loop3A_623 : i32 to vector<16xi32>
      %parallel_loop3A_625 = arith.addi %iota3A, %parallel_loop3A_624 : vector<16xi32>
      %parallel_loop3A_626 = arith.constant 0 : i32
      %parallel_loop3A_627 = arith.constant 0 : i32
      %parallel_loop3A_628 = tpu.memref_slice %arg9[%parallel_loop3A_626, %parallel_loop3A_627] : memref<8x256xf32, #tpu.memory_space<vmem>> -> memref<8x256xf32, #tpu.memory_space<vmem>>
      tpu.vector_store_idx %parallel_loop3A_628[%parallel_loop3A_592, %parallel_loop3A_625], %parallel_loop3A_622 {add = true} : memref<8x256xf32, #tpu.memory_space<vmem>>[vector<16xi32>, vector<16xi32>], vector<16xf32>,
      %parallel_loop3A_629 = arith.index_cast %parallel_loop3A_588 : i32 to index
      %parallel_loop3A_630 = arith.constant 64 : index
      %parallel_loop3A_631 = tpu.vector_load %arg5[%parallel_loop3A_629, %parallel_loop3A_630] {strides = array<i32>} : memref<80x256xf32, #tpu.memory_space<vmem>>, vector<16xf32>,
      %parallel_loop3A_632 = arith.constant 64 : i32
      %parallel_loop3A_633 = vector.broadcast %parallel_loop3A_632 : i32 to vector<16xi32>
      %parallel_loop3A_634 = arith.addi %iota3A, %parallel_loop3A_633 : vector<16xi32>
      %parallel_loop3A_635 = arith.constant 0 : i32
      %parallel_loop3A_636 = arith.constant 0 : i32
      %parallel_loop3A_637 = tpu.memref_slice %arg9[%parallel_loop3A_635, %parallel_loop3A_636] : memref<8x256xf32, #tpu.memory_space<vmem>> -> memref<8x256xf32, #tpu.memory_space<vmem>>
      tpu.vector_store_idx %parallel_loop3A_637[%parallel_loop3A_592, %parallel_loop3A_634], %parallel_loop3A_631 {add = true} : memref<8x256xf32, #tpu.memory_space<vmem>>[vector<16xi32>, vector<16xi32>], vector<16xf32>,
      %parallel_loop3A_638 = arith.index_cast %parallel_loop3A_588 : i32 to index
      %parallel_loop3A_639 = arith.constant 80 : index
      %parallel_loop3A_640 = tpu.vector_load %arg5[%parallel_loop3A_638, %parallel_loop3A_639] {strides = array<i32>} : memref<80x256xf32, #tpu.memory_space<vmem>>, vector<16xf32>,
      %parallel_loop3A_641 = arith.constant 80 : i32
      %parallel_loop3A_642 = vector.broadcast %parallel_loop3A_641 : i32 to vector<16xi32>
      %parallel_loop3A_643 = arith.addi %iota3A, %parallel_loop3A_642 : vector<16xi32>
      %parallel_loop3A_644 = arith.constant 0 : i32
      %parallel_loop3A_645 = arith.constant 0 : i32
      %parallel_loop3A_646 = tpu.memref_slice %arg9[%parallel_loop3A_644, %parallel_loop3A_645] : memref<8x256xf32, #tpu.memory_space<vmem>> -> memref<8x256xf32, #tpu.memory_space<vmem>>
      tpu.vector_store_idx %parallel_loop3A_646[%parallel_loop3A_592, %parallel_loop3A_643], %parallel_loop3A_640 {add = true} : memref<8x256xf32, #tpu.memory_space<vmem>>[vector<16xi32>, vector<16xi32>], vector<16xf32>,
      %parallel_loop3A_647 = arith.index_cast %parallel_loop3A_588 : i32 to index
      %parallel_loop3A_648 = arith.constant 96 : index
      %parallel_loop3A_649 = tpu.vector_load %arg5[%parallel_loop3A_647, %parallel_loop3A_648] {strides = array<i32>} : memref<80x256xf32, #tpu.memory_space<vmem>>, vector<16xf32>,
      %parallel_loop3A_650 = arith.constant 96 : i32
      %parallel_loop3A_651 = vector.broadcast %parallel_loop3A_650 : i32 to vector<16xi32>
      %parallel_loop3A_652 = arith.addi %iota3A, %parallel_loop3A_651 : vector<16xi32>
      %parallel_loop3A_653 = arith.constant 0 : i32
      %parallel_loop3A_654 = arith.constant 0 : i32
      %parallel_loop3A_655 = tpu.memref_slice %arg9[%parallel_loop3A_653, %parallel_loop3A_654] : memref<8x256xf32, #tpu.memory_space<vmem>> -> memref<8x256xf32, #tpu.memory_space<vmem>>
      tpu.vector_store_idx %parallel_loop3A_655[%parallel_loop3A_592, %parallel_loop3A_652], %parallel_loop3A_649 {add = true} : memref<8x256xf32, #tpu.memory_space<vmem>>[vector<16xi32>, vector<16xi32>], vector<16xf32>,
      %parallel_loop3A_656 = arith.index_cast %parallel_loop3A_588 : i32 to index
      %parallel_loop3A_657 = arith.constant 112 : index
      %parallel_loop3A_658 = tpu.vector_load %arg5[%parallel_loop3A_656, %parallel_loop3A_657] {strides = array<i32>} : memref<80x256xf32, #tpu.memory_space<vmem>>, vector<16xf32>,
      %parallel_loop3A_659 = arith.constant 112 : i32
      %parallel_loop3A_660 = vector.broadcast %parallel_loop3A_659 : i32 to vector<16xi32>
      %parallel_loop3A_661 = arith.addi %iota3A, %parallel_loop3A_660 : vector<16xi32>
      %parallel_loop3A_662 = arith.constant 0 : i32
      %parallel_loop3A_663 = arith.constant 0 : i32
      %parallel_loop3A_664 = tpu.memref_slice %arg9[%parallel_loop3A_662, %parallel_loop3A_663] : memref<8x256xf32, #tpu.memory_space<vmem>> -> memref<8x256xf32, #tpu.memory_space<vmem>>
      tpu.vector_store_idx %parallel_loop3A_664[%parallel_loop3A_592, %parallel_loop3A_661], %parallel_loop3A_658 {add = true} : memref<8x256xf32, #tpu.memory_space<vmem>>[vector<16xi32>, vector<16xi32>], vector<16xf32>,
      %parallel_loop3A_665 = arith.index_cast %parallel_loop3A_588 : i32 to index
      %parallel_loop3A_666 = arith.constant 128 : index
      %parallel_loop3A_667 = tpu.vector_load %arg5[%parallel_loop3A_665, %parallel_loop3A_666] {strides = array<i32>} : memref<80x256xf32, #tpu.memory_space<vmem>>, vector<16xf32>,
      %parallel_loop3A_668 = arith.constant 128 : i32
      %parallel_loop3A_669 = vector.broadcast %parallel_loop3A_668 : i32 to vector<16xi32>
      %parallel_loop3A_670 = arith.addi %iota3A, %parallel_loop3A_669 : vector<16xi32>
      %parallel_loop3A_671 = arith.constant 0 : i32
      %parallel_loop3A_672 = arith.constant 0 : i32
      %parallel_loop3A_673 = tpu.memref_slice %arg9[%parallel_loop3A_671, %parallel_loop3A_672] : memref<8x256xf32, #tpu.memory_space<vmem>> -> memref<8x256xf32, #tpu.memory_space<vmem>>
      tpu.vector_store_idx %parallel_loop3A_673[%parallel_loop3A_592, %parallel_loop3A_670], %parallel_loop3A_667 {add = true} : memref<8x256xf32, #tpu.memory_space<vmem>>[vector<16xi32>, vector<16xi32>], vector<16xf32>,
      %parallel_loop3A_674 = arith.index_cast %parallel_loop3A_588 : i32 to index
      %parallel_loop3A_675 = arith.constant 144 : index
      %parallel_loop3A_676 = tpu.vector_load %arg5[%parallel_loop3A_674, %parallel_loop3A_675] {strides = array<i32>} : memref<80x256xf32, #tpu.memory_space<vmem>>, vector<16xf32>,
      %parallel_loop3A_677 = arith.constant 144 : i32
      %parallel_loop3A_678 = vector.broadcast %parallel_loop3A_677 : i32 to vector<16xi32>
      %parallel_loop3A_679 = arith.addi %iota3A, %parallel_loop3A_678 : vector<16xi32>
      %parallel_loop3A_680 = arith.constant 0 : i32
      %parallel_loop3A_681 = arith.constant 0 : i32
      %parallel_loop3A_682 = tpu.memref_slice %arg9[%parallel_loop3A_680, %parallel_loop3A_681] : memref<8x256xf32, #tpu.memory_space<vmem>> -> memref<8x256xf32, #tpu.memory_space<vmem>>
      tpu.vector_store_idx %parallel_loop3A_682[%parallel_loop3A_592, %parallel_loop3A_679], %parallel_loop3A_676 {add = true} : memref<8x256xf32, #tpu.memory_space<vmem>>[vector<16xi32>, vector<16xi32>], vector<16xf32>,
      %parallel_loop3A_683 = arith.index_cast %parallel_loop3A_588 : i32 to index
      %parallel_loop3A_684 = arith.constant 160 : index
      %parallel_loop3A_685 = tpu.vector_load %arg5[%parallel_loop3A_683, %parallel_loop3A_684] {strides = array<i32>} : memref<80x256xf32, #tpu.memory_space<vmem>>, vector<16xf32>,
      %parallel_loop3A_686 = arith.constant 160 : i32
      %parallel_loop3A_687 = vector.broadcast %parallel_loop3A_686 : i32 to vector<16xi32>
      %parallel_loop3A_688 = arith.addi %iota3A, %parallel_loop3A_687 : vector<16xi32>
      %parallel_loop3A_689 = arith.constant 0 : i32
      %parallel_loop3A_690 = arith.constant 0 : i32
      %parallel_loop3A_691 = tpu.memref_slice %arg9[%parallel_loop3A_689, %parallel_loop3A_690] : memref<8x256xf32, #tpu.memory_space<vmem>> -> memref<8x256xf32, #tpu.memory_space<vmem>>
      tpu.vector_store_idx %parallel_loop3A_691[%parallel_loop3A_592, %parallel_loop3A_688], %parallel_loop3A_685 {add = true} : memref<8x256xf32, #tpu.memory_space<vmem>>[vector<16xi32>, vector<16xi32>], vector<16xf32>,
      %parallel_loop3A_692 = arith.index_cast %parallel_loop3A_588 : i32 to index
      %parallel_loop3A_693 = arith.constant 176 : index
      %parallel_loop3A_694 = tpu.vector_load %arg5[%parallel_loop3A_692, %parallel_loop3A_693] {strides = array<i32>} : memref<80x256xf32, #tpu.memory_space<vmem>>, vector<16xf32>,
      %parallel_loop3A_695 = arith.constant 176 : i32
      %parallel_loop3A_696 = vector.broadcast %parallel_loop3A_695 : i32 to vector<16xi32>
      %parallel_loop3A_697 = arith.addi %iota3A, %parallel_loop3A_696 : vector<16xi32>
      %parallel_loop3A_698 = arith.constant 0 : i32
      %parallel_loop3A_699 = arith.constant 0 : i32
      %parallel_loop3A_700 = tpu.memref_slice %arg9[%parallel_loop3A_698, %parallel_loop3A_699] : memref<8x256xf32, #tpu.memory_space<vmem>> -> memref<8x256xf32, #tpu.memory_space<vmem>>
      tpu.vector_store_idx %parallel_loop3A_700[%parallel_loop3A_592, %parallel_loop3A_697], %parallel_loop3A_694 {add = true} : memref<8x256xf32, #tpu.memory_space<vmem>>[vector<16xi32>, vector<16xi32>], vector<16xf32>,
      %parallel_loop3A_701 = arith.index_cast %parallel_loop3A_588 : i32 to index
      %parallel_loop3A_702 = arith.constant 192 : index
      %parallel_loop3A_703 = tpu.vector_load %arg5[%parallel_loop3A_701, %parallel_loop3A_702] {strides = array<i32>} : memref<80x256xf32, #tpu.memory_space<vmem>>, vector<16xf32>,
      %parallel_loop3A_704 = arith.constant 192 : i32
      %parallel_loop3A_705 = vector.broadcast %parallel_loop3A_704 : i32 to vector<16xi32>
      %parallel_loop3A_706 = arith.addi %iota3A, %parallel_loop3A_705 : vector<16xi32>
      %parallel_loop3A_707 = arith.constant 0 : i32
      %parallel_loop3A_708 = arith.constant 0 : i32
      %parallel_loop3A_709 = tpu.memref_slice %arg9[%parallel_loop3A_707, %parallel_loop3A_708] : memref<8x256xf32, #tpu.memory_space<vmem>> -> memref<8x256xf32, #tpu.memory_space<vmem>>
      tpu.vector_store_idx %parallel_loop3A_709[%parallel_loop3A_592, %parallel_loop3A_706], %parallel_loop3A_703 {add = true} : memref<8x256xf32, #tpu.memory_space<vmem>>[vector<16xi32>, vector<16xi32>], vector<16xf32>,
      %parallel_loop3A_710 = arith.index_cast %parallel_loop3A_588 : i32 to index
      %parallel_loop3A_711 = arith.constant 208 : index
      %parallel_loop3A_712 = tpu.vector_load %arg5[%parallel_loop3A_710, %parallel_loop3A_711] {strides = array<i32>} : memref<80x256xf32, #tpu.memory_space<vmem>>, vector<16xf32>,
      %parallel_loop3A_713 = arith.constant 208 : i32
      %parallel_loop3A_714 = vector.broadcast %parallel_loop3A_713 : i32 to vector<16xi32>
      %parallel_loop3A_715 = arith.addi %iota3A, %parallel_loop3A_714 : vector<16xi32>
      %parallel_loop3A_716 = arith.constant 0 : i32
      %parallel_loop3A_717 = arith.constant 0 : i32
      %parallel_loop3A_718 = tpu.memref_slice %arg9[%parallel_loop3A_716, %parallel_loop3A_717] : memref<8x256xf32, #tpu.memory_space<vmem>> -> memref<8x256xf32, #tpu.memory_space<vmem>>
      tpu.vector_store_idx %parallel_loop3A_718[%parallel_loop3A_592, %parallel_loop3A_715], %parallel_loop3A_712 {add = true} : memref<8x256xf32, #tpu.memory_space<vmem>>[vector<16xi32>, vector<16xi32>], vector<16xf32>,
      %parallel_loop3A_719 = arith.index_cast %parallel_loop3A_588 : i32 to index
      %parallel_loop3A_720 = arith.constant 224 : index
      %parallel_loop3A_721 = tpu.vector_load %arg5[%parallel_loop3A_719, %parallel_loop3A_720] {strides = array<i32>} : memref<80x256xf32, #tpu.memory_space<vmem>>, vector<16xf32>,
      %parallel_loop3A_722 = arith.constant 224 : i32
      %parallel_loop3A_723 = vector.broadcast %parallel_loop3A_722 : i32 to vector<16xi32>
      %parallel_loop3A_724 = arith.addi %iota3A, %parallel_loop3A_723 : vector<16xi32>
      %parallel_loop3A_725 = arith.constant 0 : i32
      %parallel_loop3A_726 = arith.constant 0 : i32
      %parallel_loop3A_727 = tpu.memref_slice %arg9[%parallel_loop3A_725, %parallel_loop3A_726] : memref<8x256xf32, #tpu.memory_space<vmem>> -> memref<8x256xf32, #tpu.memory_space<vmem>>
      tpu.vector_store_idx %parallel_loop3A_727[%parallel_loop3A_592, %parallel_loop3A_724], %parallel_loop3A_721 {add = true} : memref<8x256xf32, #tpu.memory_space<vmem>>[vector<16xi32>, vector<16xi32>], vector<16xf32>,
      %parallel_loop3A_728 = arith.index_cast %parallel_loop3A_588 : i32 to index
      %parallel_loop3A_729 = arith.constant 240 : index
      %parallel_loop3A_730 = tpu.vector_load %arg5[%parallel_loop3A_728, %parallel_loop3A_729] {strides = array<i32>} : memref<80x256xf32, #tpu.memory_space<vmem>>, vector<16xf32>,
      %parallel_loop3A_731 = arith.constant 240 : i32
      %parallel_loop3A_732 = vector.broadcast %parallel_loop3A_731 : i32 to vector<16xi32>
      %parallel_loop3A_733 = arith.addi %iota3A, %parallel_loop3A_732 : vector<16xi32>
      %parallel_loop3A_734 = arith.constant 0 : i32
      %parallel_loop3A_735 = arith.constant 0 : i32
      %parallel_loop3A_736 = tpu.memref_slice %arg9[%parallel_loop3A_734, %parallel_loop3A_735] : memref<8x256xf32, #tpu.memory_space<vmem>> -> memref<8x256xf32, #tpu.memory_space<vmem>>
      tpu.vector_store_idx %parallel_loop3A_736[%parallel_loop3A_592, %parallel_loop3A_733], %parallel_loop3A_730 {add = true} : memref<8x256xf32, #tpu.memory_space<vmem>>[vector<16xi32>, vector<16xi32>], vector<16xf32>,
    } {sc.loop_unroll_factor = 2 : i64, sc.parallel_access}
    %add3A_543 = arith.constant 32 : i32
    %add3A_544 = arith.addi %add3A, %add3A_543 : i32
    %mul3A_545 = arith.constant 80 : i32
    %mul3A_546 = arith.muli %add3A_544, %mul3A_545 : i32
    %dma_wait3A_547 = arith.constant 0 : i32
    %dma_wait3A_548 = tpu.memref_slice %arg2[%mul3A_546, %dma_wait3A_547] : memref<10000x256xf32, #tpu.memory_space<hbm>> -> memref<80x256xf32, #tpu.memory_space<hbm>>
    %dma_wait3A_549 = arith.constant 0 : i32
    %dma_wait3A_550 = tpu.memref_slice %arg2[%mul3A_546, %dma_wait3A_549] : memref<10000x256xf32, #tpu.memory_space<hbm>> -> memref<80x256xf32, #tpu.memory_space<hbm>>
    tpu.wait_dma2 semaphore(%arg11 : memref<!tpu.dma_semaphore, #tpu.memory_space<semaphore_mem>>) src(%dma_wait3A_550 : memref<80x256xf32, #tpu.memory_space<hbm>>) dst(%arg6 : memref<80x256xf32, #tpu.memory_space<vmem>>)
    %dma_wait3A_551 = tpu.memref_slice %arg3[%mul3A_546] : memref<10000xi32, #tpu.memory_space<hbm>> -> memref<80xi32, #tpu.memory_space<hbm>>
    %dma_wait3A_552 = tpu.memref_slice %arg3[%mul3A_546] : memref<10000xi32, #tpu.memory_space<hbm>> -> memref<80xi32, #tpu.memory_space<hbm>>
    tpu.wait_dma2 semaphore(%arg13 : memref<!tpu.dma_semaphore, #tpu.memory_space<semaphore_mem>>) src(%dma_wait3A_552 : memref<80xi32, #tpu.memory_space<hbm>>) dst(%arg8 : memref<80xi32, #tpu.memory_space<vmem>>)
    %add3A_553 = arith.constant 64 : i32
    %add3A_554 = arith.addi %add3A, %add3A_553 : i32
    %mul3A_555 = arith.constant 80 : i32
    %mul3A_556 = arith.muli %add3A_554, %mul3A_555 : i32
    %dma_start3A_557 = arith.constant 0 : i32
    %dma_start3A_558 = tpu.memref_slice %arg2[%mul3A_556, %dma_start3A_557] : memref<10000x256xf32, #tpu.memory_space<hbm>> -> memref<80x256xf32, #tpu.memory_space<hbm>>
    %dma_start3A_559 = arith.constant 0 : i32
    %dma_start3A_560 = tpu.memref_slice %arg2[%mul3A_556, %dma_start3A_559] : memref<10000x256xf32, #tpu.memory_space<hbm>> -> memref<80x256xf32, #tpu.memory_space<hbm>>
    tpu.enqueue_dma source(%dma_start3A_560 : memref<80x256xf32, #tpu.memory_space<hbm>>) target(%arg5 : memref<80x256xf32, #tpu.memory_space<vmem>>) target_semaphore(%arg10 : memref<!tpu.dma_semaphore, #tpu.memory_space<semaphore_mem>>)
    %dma_start3A_561 = tpu.memref_slice %arg3[%mul3A_556] : memref<10000xi32, #tpu.memory_space<hbm>> -> memref<80xi32, #tpu.memory_space<hbm>>
    %dma_start3A_562 = tpu.memref_slice %arg3[%mul3A_556] : memref<10000xi32, #tpu.memory_space<hbm>> -> memref<80xi32, #tpu.memory_space<hbm>>
    tpu.enqueue_dma source(%dma_start3A_562 : memref<80xi32, #tpu.memory_space<hbm>>) target(%arg7 : memref<80xi32, #tpu.memory_space<vmem>>) target_semaphore(%arg12 : memref<!tpu.dma_semaphore, #tpu.memory_space<semaphore_mem>>)
    %parallel_loop3A_563 = arith.constant 0 : i32
    %parallel_loop3A_564 = arith.constant 80 : i32
    %parallel_loop3A_565 = arith.constant 1 : i32
    scf.for %parallel_loop3A_588 = %parallel_loop3A_563 to %parallel_loop3A_564 step %parallel_loop3A_565  : i32 {
      %parallel_loop3A_589 = vector.broadcast %parallel_loop3A_588 : i32 to vector<16xi32>
      %parallel_loop3A_590 = arith.constant 0 : i32
      %parallel_loop3A_591 = tpu.memref_slice %arg8[%parallel_loop3A_590] : memref<80xi32, #tpu.memory_space<vmem>> -> memref<80xi32, #tpu.memory_space<vmem>>
      %parallel_loop3A_592 = tpu.vector_load_idx %parallel_loop3A_591[%parallel_loop3A_589] : memref<80xi32, #tpu.memory_space<vmem>>[vector<16xi32>], vector<16xi32>,
      %parallel_loop3A_593 = arith.index_cast %parallel_loop3A_588 : i32 to index
      %parallel_loop3A_594 = arith.constant 0 : index
      %parallel_loop3A_595 = tpu.vector_load %arg6[%parallel_loop3A_593, %parallel_loop3A_594] {strides = array<i32>} : memref<80x256xf32, #tpu.memory_space<vmem>>, vector<16xf32>,
      %parallel_loop3A_596 = arith.constant 0 : i32
      %parallel_loop3A_597 = vector.broadcast %parallel_loop3A_596 : i32 to vector<16xi32>
      %parallel_loop3A_598 = arith.addi %iota3A, %parallel_loop3A_597 : vector<16xi32>
      %parallel_loop3A_599 = arith.constant 0 : i32
      %parallel_loop3A_600 = arith.constant 0 : i32
      %parallel_loop3A_601 = tpu.memref_slice %arg9[%parallel_loop3A_599, %parallel_loop3A_600] : memref<8x256xf32, #tpu.memory_space<vmem>> -> memref<8x256xf32, #tpu.memory_space<vmem>>
      tpu.vector_store_idx %parallel_loop3A_601[%parallel_loop3A_592, %parallel_loop3A_598], %parallel_loop3A_595 {add = true} : memref<8x256xf32, #tpu.memory_space<vmem>>[vector<16xi32>, vector<16xi32>], vector<16xf32>,
      %parallel_loop3A_602 = arith.index_cast %parallel_loop3A_588 : i32 to index
      %parallel_loop3A_603 = arith.constant 16 : index
      %parallel_loop3A_604 = tpu.vector_load %arg6[%parallel_loop3A_602, %parallel_loop3A_603] {strides = array<i32>} : memref<80x256xf32, #tpu.memory_space<vmem>>, vector<16xf32>,
      %parallel_loop3A_605 = arith.constant 16 : i32
      %parallel_loop3A_606 = vector.broadcast %parallel_loop3A_605 : i32 to vector<16xi32>
      %parallel_loop3A_607 = arith.addi %iota3A, %parallel_loop3A_606 : vector<16xi32>
      %parallel_loop3A_608 = arith.constant 0 : i32
      %parallel_loop3A_609 = arith.constant 0 : i32
      %parallel_loop3A_610 = tpu.memref_slice %arg9[%parallel_loop3A_608, %parallel_loop3A_609] : memref<8x256xf32, #tpu.memory_space<vmem>> -> memref<8x256xf32, #tpu.memory_space<vmem>>
      tpu.vector_store_idx %parallel_loop3A_610[%parallel_loop3A_592, %parallel_loop3A_607], %parallel_loop3A_604 {add = true} : memref<8x256xf32, #tpu.memory_space<vmem>>[vector<16xi32>, vector<16xi32>], vector<16xf32>,
      %parallel_loop3A_611 = arith.index_cast %parallel_loop3A_588 : i32 to index
      %parallel_loop3A_612 = arith.constant 32 : index
      %parallel_loop3A_613 = tpu.vector_load %arg6[%parallel_loop3A_611, %parallel_loop3A_612] {strides = array<i32>} : memref<80x256xf32, #tpu.memory_space<vmem>>, vector<16xf32>,
      %parallel_loop3A_614 = arith.constant 32 : i32
      %parallel_loop3A_615 = vector.broadcast %parallel_loop3A_614 : i32 to vector<16xi32>
      %parallel_loop3A_616 = arith.addi %iota3A, %parallel_loop3A_615 : vector<16xi32>
      %parallel_loop3A_617 = arith.constant 0 : i32
      %parallel_loop3A_618 = arith.constant 0 : i32
      %parallel_loop3A_619 = tpu.memref_slice %arg9[%parallel_loop3A_617, %parallel_loop3A_618] : memref<8x256xf32, #tpu.memory_space<vmem>> -> memref<8x256xf32, #tpu.memory_space<vmem>>
      tpu.vector_store_idx %parallel_loop3A_619[%parallel_loop3A_592, %parallel_loop3A_616], %parallel_loop3A_613 {add = true} : memref<8x256xf32, #tpu.memory_space<vmem>>[vector<16xi32>, vector<16xi32>], vector<16xf32>,
      %parallel_loop3A_620 = arith.index_cast %parallel_loop3A_588 : i32 to index
      %parallel_loop3A_621 = arith.constant 48 : index
      %parallel_loop3A_622 = tpu.vector_load %arg6[%parallel_loop3A_620, %parallel_loop3A_621] {strides = array<i32>} : memref<80x256xf32, #tpu.memory_space<vmem>>, vector<16xf32>,
      %parallel_loop3A_623 = arith.constant 48 : i32
      %parallel_loop3A_624 = vector.broadcast %parallel_loop3A_623 : i32 to vector<16xi32>
      %parallel_loop3A_625 = arith.addi %iota3A, %parallel_loop3A_624 : vector<16xi32>
      %parallel_loop3A_626 = arith.constant 0 : i32
      %parallel_loop3A_627 = arith.constant 0 : i32
      %parallel_loop3A_628 = tpu.memref_slice %arg9[%parallel_loop3A_626, %parallel_loop3A_627] : memref<8x256xf32, #tpu.memory_space<vmem>> -> memref<8x256xf32, #tpu.memory_space<vmem>>
      tpu.vector_store_idx %parallel_loop3A_628[%parallel_loop3A_592, %parallel_loop3A_625], %parallel_loop3A_622 {add = true} : memref<8x256xf32, #tpu.memory_space<vmem>>[vector<16xi32>, vector<16xi32>], vector<16xf32>,
      %parallel_loop3A_629 = arith.index_cast %parallel_loop3A_588 : i32 to index
      %parallel_loop3A_630 = arith.constant 64 : index
      %parallel_loop3A_631 = tpu.vector_load %arg6[%parallel_loop3A_629, %parallel_loop3A_630] {strides = array<i32>} : memref<80x256xf32, #tpu.memory_space<vmem>>, vector<16xf32>,
      %parallel_loop3A_632 = arith.constant 64 : i32
      %parallel_loop3A_633 = vector.broadcast %parallel_loop3A_632 : i32 to vector<16xi32>
      %parallel_loop3A_634 = arith.addi %iota3A, %parallel_loop3A_633 : vector<16xi32>
      %parallel_loop3A_635 = arith.constant 0 : i32
      %parallel_loop3A_636 = arith.constant 0 : i32
      %parallel_loop3A_637 = tpu.memref_slice %arg9[%parallel_loop3A_635, %parallel_loop3A_636] : memref<8x256xf32, #tpu.memory_space<vmem>> -> memref<8x256xf32, #tpu.memory_space<vmem>>
      tpu.vector_store_idx %parallel_loop3A_637[%parallel_loop3A_592, %parallel_loop3A_634], %parallel_loop3A_631 {add = true} : memref<8x256xf32, #tpu.memory_space<vmem>>[vector<16xi32>, vector<16xi32>], vector<16xf32>,
      %parallel_loop3A_638 = arith.index_cast %parallel_loop3A_588 : i32 to index
      %parallel_loop3A_639 = arith.constant 80 : index
      %parallel_loop3A_640 = tpu.vector_load %arg6[%parallel_loop3A_638, %parallel_loop3A_639] {strides = array<i32>} : memref<80x256xf32, #tpu.memory_space<vmem>>, vector<16xf32>,
      %parallel_loop3A_641 = arith.constant 80 : i32
      %parallel_loop3A_642 = vector.broadcast %parallel_loop3A_641 : i32 to vector<16xi32>
      %parallel_loop3A_643 = arith.addi %iota3A, %parallel_loop3A_642 : vector<16xi32>
      %parallel_loop3A_644 = arith.constant 0 : i32
      %parallel_loop3A_645 = arith.constant 0 : i32
      %parallel_loop3A_646 = tpu.memref_slice %arg9[%parallel_loop3A_644, %parallel_loop3A_645] : memref<8x256xf32, #tpu.memory_space<vmem>> -> memref<8x256xf32, #tpu.memory_space<vmem>>
      tpu.vector_store_idx %parallel_loop3A_646[%parallel_loop3A_592, %parallel_loop3A_643], %parallel_loop3A_640 {add = true} : memref<8x256xf32, #tpu.memory_space<vmem>>[vector<16xi32>, vector<16xi32>], vector<16xf32>,
      %parallel_loop3A_647 = arith.index_cast %parallel_loop3A_588 : i32 to index
      %parallel_loop3A_648 = arith.constant 96 : index
      %parallel_loop3A_649 = tpu.vector_load %arg6[%parallel_loop3A_647, %parallel_loop3A_648] {strides = array<i32>} : memref<80x256xf32, #tpu.memory_space<vmem>>, vector<16xf32>,
      %parallel_loop3A_650 = arith.constant 96 : i32
      %parallel_loop3A_651 = vector.broadcast %parallel_loop3A_650 : i32 to vector<16xi32>
      %parallel_loop3A_652 = arith.addi %iota3A, %parallel_loop3A_651 : vector<16xi32>
      %parallel_loop3A_653 = arith.constant 0 : i32
      %parallel_loop3A_654 = arith.constant 0 : i32
      %parallel_loop3A_655 = tpu.memref_slice %arg9[%parallel_loop3A_653, %parallel_loop3A_654] : memref<8x256xf32, #tpu.memory_space<vmem>> -> memref<8x256xf32, #tpu.memory_space<vmem>>
      tpu.vector_store_idx %parallel_loop3A_655[%parallel_loop3A_592, %parallel_loop3A_652], %parallel_loop3A_649 {add = true} : memref<8x256xf32, #tpu.memory_space<vmem>>[vector<16xi32>, vector<16xi32>], vector<16xf32>,
      %parallel_loop3A_656 = arith.index_cast %parallel_loop3A_588 : i32 to index
      %parallel_loop3A_657 = arith.constant 112 : index
      %parallel_loop3A_658 = tpu.vector_load %arg6[%parallel_loop3A_656, %parallel_loop3A_657] {strides = array<i32>} : memref<80x256xf32, #tpu.memory_space<vmem>>, vector<16xf32>,
      %parallel_loop3A_659 = arith.constant 112 : i32
      %parallel_loop3A_660 = vector.broadcast %parallel_loop3A_659 : i32 to vector<16xi32>
      %parallel_loop3A_661 = arith.addi %iota3A, %parallel_loop3A_660 : vector<16xi32>
      %parallel_loop3A_662 = arith.constant 0 : i32
      %parallel_loop3A_663 = arith.constant 0 : i32
      %parallel_loop3A_664 = tpu.memref_slice %arg9[%parallel_loop3A_662, %parallel_loop3A_663] : memref<8x256xf32, #tpu.memory_space<vmem>> -> memref<8x256xf32, #tpu.memory_space<vmem>>
      tpu.vector_store_idx %parallel_loop3A_664[%parallel_loop3A_592, %parallel_loop3A_661], %parallel_loop3A_658 {add = true} : memref<8x256xf32, #tpu.memory_space<vmem>>[vector<16xi32>, vector<16xi32>], vector<16xf32>,
      %parallel_loop3A_665 = arith.index_cast %parallel_loop3A_588 : i32 to index
      %parallel_loop3A_666 = arith.constant 128 : index
      %parallel_loop3A_667 = tpu.vector_load %arg6[%parallel_loop3A_665, %parallel_loop3A_666] {strides = array<i32>} : memref<80x256xf32, #tpu.memory_space<vmem>>, vector<16xf32>,
      %parallel_loop3A_668 = arith.constant 128 : i32
      %parallel_loop3A_669 = vector.broadcast %parallel_loop3A_668 : i32 to vector<16xi32>
      %parallel_loop3A_670 = arith.addi %iota3A, %parallel_loop3A_669 : vector<16xi32>
      %parallel_loop3A_671 = arith.constant 0 : i32
      %parallel_loop3A_672 = arith.constant 0 : i32
      %parallel_loop3A_673 = tpu.memref_slice %arg9[%parallel_loop3A_671, %parallel_loop3A_672] : memref<8x256xf32, #tpu.memory_space<vmem>> -> memref<8x256xf32, #tpu.memory_space<vmem>>
      tpu.vector_store_idx %parallel_loop3A_673[%parallel_loop3A_592, %parallel_loop3A_670], %parallel_loop3A_667 {add = true} : memref<8x256xf32, #tpu.memory_space<vmem>>[vector<16xi32>, vector<16xi32>], vector<16xf32>,
      %parallel_loop3A_674 = arith.index_cast %parallel_loop3A_588 : i32 to index
      %parallel_loop3A_675 = arith.constant 144 : index
      %parallel_loop3A_676 = tpu.vector_load %arg6[%parallel_loop3A_674, %parallel_loop3A_675] {strides = array<i32>} : memref<80x256xf32, #tpu.memory_space<vmem>>, vector<16xf32>,
      %parallel_loop3A_677 = arith.constant 144 : i32
      %parallel_loop3A_678 = vector.broadcast %parallel_loop3A_677 : i32 to vector<16xi32>
      %parallel_loop3A_679 = arith.addi %iota3A, %parallel_loop3A_678 : vector<16xi32>
      %parallel_loop3A_680 = arith.constant 0 : i32
      %parallel_loop3A_681 = arith.constant 0 : i32
      %parallel_loop3A_682 = tpu.memref_slice %arg9[%parallel_loop3A_680, %parallel_loop3A_681] : memref<8x256xf32, #tpu.memory_space<vmem>> -> memref<8x256xf32, #tpu.memory_space<vmem>>
      tpu.vector_store_idx %parallel_loop3A_682[%parallel_loop3A_592, %parallel_loop3A_679], %parallel_loop3A_676 {add = true} : memref<8x256xf32, #tpu.memory_space<vmem>>[vector<16xi32>, vector<16xi32>], vector<16xf32>,
      %parallel_loop3A_683 = arith.index_cast %parallel_loop3A_588 : i32 to index
      %parallel_loop3A_684 = arith.constant 160 : index
      %parallel_loop3A_685 = tpu.vector_load %arg6[%parallel_loop3A_683, %parallel_loop3A_684] {strides = array<i32>} : memref<80x256xf32, #tpu.memory_space<vmem>>, vector<16xf32>,
      %parallel_loop3A_686 = arith.constant 160 : i32
      %parallel_loop3A_687 = vector.broadcast %parallel_loop3A_686 : i32 to vector<16xi32>
      %parallel_loop3A_688 = arith.addi %iota3A, %parallel_loop3A_687 : vector<16xi32>
      %parallel_loop3A_689 = arith.constant 0 : i32
      %parallel_loop3A_690 = arith.constant 0 : i32
      %parallel_loop3A_691 = tpu.memref_slice %arg9[%parallel_loop3A_689, %parallel_loop3A_690] : memref<8x256xf32, #tpu.memory_space<vmem>> -> memref<8x256xf32, #tpu.memory_space<vmem>>
      tpu.vector_store_idx %parallel_loop3A_691[%parallel_loop3A_592, %parallel_loop3A_688], %parallel_loop3A_685 {add = true} : memref<8x256xf32, #tpu.memory_space<vmem>>[vector<16xi32>, vector<16xi32>], vector<16xf32>,
      %parallel_loop3A_692 = arith.index_cast %parallel_loop3A_588 : i32 to index
      %parallel_loop3A_693 = arith.constant 176 : index
      %parallel_loop3A_694 = tpu.vector_load %arg6[%parallel_loop3A_692, %parallel_loop3A_693] {strides = array<i32>} : memref<80x256xf32, #tpu.memory_space<vmem>>, vector<16xf32>,
      %parallel_loop3A_695 = arith.constant 176 : i32
      %parallel_loop3A_696 = vector.broadcast %parallel_loop3A_695 : i32 to vector<16xi32>
      %parallel_loop3A_697 = arith.addi %iota3A, %parallel_loop3A_696 : vector<16xi32>
      %parallel_loop3A_698 = arith.constant 0 : i32
      %parallel_loop3A_699 = arith.constant 0 : i32
      %parallel_loop3A_700 = tpu.memref_slice %arg9[%parallel_loop3A_698, %parallel_loop3A_699] : memref<8x256xf32, #tpu.memory_space<vmem>> -> memref<8x256xf32, #tpu.memory_space<vmem>>
      tpu.vector_store_idx %parallel_loop3A_700[%parallel_loop3A_592, %parallel_loop3A_697], %parallel_loop3A_694 {add = true} : memref<8x256xf32, #tpu.memory_space<vmem>>[vector<16xi32>, vector<16xi32>], vector<16xf32>,
      %parallel_loop3A_701 = arith.index_cast %parallel_loop3A_588 : i32 to index
      %parallel_loop3A_702 = arith.constant 192 : index
      %parallel_loop3A_703 = tpu.vector_load %arg6[%parallel_loop3A_701, %parallel_loop3A_702] {strides = array<i32>} : memref<80x256xf32, #tpu.memory_space<vmem>>, vector<16xf32>,
      %parallel_loop3A_704 = arith.constant 192 : i32
      %parallel_loop3A_705 = vector.broadcast %parallel_loop3A_704 : i32 to vector<16xi32>
      %parallel_loop3A_706 = arith.addi %iota3A, %parallel_loop3A_705 : vector<16xi32>
      %parallel_loop3A_707 = arith.constant 0 : i32
      %parallel_loop3A_708 = arith.constant 0 : i32
      %parallel_loop3A_709 = tpu.memref_slice %arg9[%parallel_loop3A_707, %parallel_loop3A_708] : memref<8x256xf32, #tpu.memory_space<vmem>> -> memref<8x256xf32, #tpu.memory_space<vmem>>
      tpu.vector_store_idx %parallel_loop3A_709[%parallel_loop3A_592, %parallel_loop3A_706], %parallel_loop3A_703 {add = true} : memref<8x256xf32, #tpu.memory_space<vmem>>[vector<16xi32>, vector<16xi32>], vector<16xf32>,
      %parallel_loop3A_710 = arith.index_cast %parallel_loop3A_588 : i32 to index
      %parallel_loop3A_711 = arith.constant 208 : index
      %parallel_loop3A_712 = tpu.vector_load %arg6[%parallel_loop3A_710, %parallel_loop3A_711] {strides = array<i32>} : memref<80x256xf32, #tpu.memory_space<vmem>>, vector<16xf32>,
      %parallel_loop3A_713 = arith.constant 208 : i32
      %parallel_loop3A_714 = vector.broadcast %parallel_loop3A_713 : i32 to vector<16xi32>
      %parallel_loop3A_715 = arith.addi %iota3A, %parallel_loop3A_714 : vector<16xi32>
      %parallel_loop3A_716 = arith.constant 0 : i32
      %parallel_loop3A_717 = arith.constant 0 : i32
      %parallel_loop3A_718 = tpu.memref_slice %arg9[%parallel_loop3A_716, %parallel_loop3A_717] : memref<8x256xf32, #tpu.memory_space<vmem>> -> memref<8x256xf32, #tpu.memory_space<vmem>>
      tpu.vector_store_idx %parallel_loop3A_718[%parallel_loop3A_592, %parallel_loop3A_715], %parallel_loop3A_712 {add = true} : memref<8x256xf32, #tpu.memory_space<vmem>>[vector<16xi32>, vector<16xi32>], vector<16xf32>,
      %parallel_loop3A_719 = arith.index_cast %parallel_loop3A_588 : i32 to index
      %parallel_loop3A_720 = arith.constant 224 : index
      %parallel_loop3A_721 = tpu.vector_load %arg6[%parallel_loop3A_719, %parallel_loop3A_720] {strides = array<i32>} : memref<80x256xf32, #tpu.memory_space<vmem>>, vector<16xf32>,
      %parallel_loop3A_722 = arith.constant 224 : i32
      %parallel_loop3A_723 = vector.broadcast %parallel_loop3A_722 : i32 to vector<16xi32>
      %parallel_loop3A_724 = arith.addi %iota3A, %parallel_loop3A_723 : vector<16xi32>
      %parallel_loop3A_725 = arith.constant 0 : i32
      %parallel_loop3A_726 = arith.constant 0 : i32
      %parallel_loop3A_727 = tpu.memref_slice %arg9[%parallel_loop3A_725, %parallel_loop3A_726] : memref<8x256xf32, #tpu.memory_space<vmem>> -> memref<8x256xf32, #tpu.memory_space<vmem>>
      tpu.vector_store_idx %parallel_loop3A_727[%parallel_loop3A_592, %parallel_loop3A_724], %parallel_loop3A_721 {add = true} : memref<8x256xf32, #tpu.memory_space<vmem>>[vector<16xi32>, vector<16xi32>], vector<16xf32>,
      %parallel_loop3A_728 = arith.index_cast %parallel_loop3A_588 : i32 to index
      %parallel_loop3A_729 = arith.constant 240 : index
      %parallel_loop3A_730 = tpu.vector_load %arg6[%parallel_loop3A_728, %parallel_loop3A_729] {strides = array<i32>} : memref<80x256xf32, #tpu.memory_space<vmem>>, vector<16xf32>,
      %parallel_loop3A_731 = arith.constant 240 : i32
      %parallel_loop3A_732 = vector.broadcast %parallel_loop3A_731 : i32 to vector<16xi32>
      %parallel_loop3A_733 = arith.addi %iota3A, %parallel_loop3A_732 : vector<16xi32>
      %parallel_loop3A_734 = arith.constant 0 : i32
      %parallel_loop3A_735 = arith.constant 0 : i32
      %parallel_loop3A_736 = tpu.memref_slice %arg9[%parallel_loop3A_734, %parallel_loop3A_735] : memref<8x256xf32, #tpu.memory_space<vmem>> -> memref<8x256xf32, #tpu.memory_space<vmem>>
      tpu.vector_store_idx %parallel_loop3A_736[%parallel_loop3A_592, %parallel_loop3A_733], %parallel_loop3A_730 {add = true} : memref<8x256xf32, #tpu.memory_space<vmem>>[vector<16xi32>, vector<16xi32>], vector<16xf32>,
    } {sc.loop_unroll_factor = 2 : i64, sc.parallel_access}
    %add3A_566 = arith.constant 64 : i32
    %add3A_567 = arith.addi %add3A, %add3A_566 : i32
    %mul3A_568 = arith.constant 80 : i32
    %mul3A_569 = arith.muli %add3A_567, %mul3A_568 : i32
    %dma_wait3A_570 = arith.constant 0 : i32
    %dma_wait3A_571 = tpu.memref_slice %arg2[%mul3A_569, %dma_wait3A_570] : memref<10000x256xf32, #tpu.memory_space<hbm>> -> memref<80x256xf32, #tpu.memory_space<hbm>>
    %dma_wait3A_572 = arith.constant 0 : i32
    %dma_wait3A_573 = tpu.memref_slice %arg2[%mul3A_569, %dma_wait3A_572] : memref<10000x256xf32, #tpu.memory_space<hbm>> -> memref<80x256xf32, #tpu.memory_space<hbm>>
    tpu.wait_dma2 semaphore(%arg10 : memref<!tpu.dma_semaphore, #tpu.memory_space<semaphore_mem>>) src(%dma_wait3A_573 : memref<80x256xf32, #tpu.memory_space<hbm>>) dst(%arg5 : memref<80x256xf32, #tpu.memory_space<vmem>>)
    %dma_wait3A_574 = tpu.memref_slice %arg3[%mul3A_569] : memref<10000xi32, #tpu.memory_space<hbm>> -> memref<80xi32, #tpu.memory_space<hbm>>
    %dma_wait3A_575 = tpu.memref_slice %arg3[%mul3A_569] : memref<10000xi32, #tpu.memory_space<hbm>> -> memref<80xi32, #tpu.memory_space<hbm>>
    tpu.wait_dma2 semaphore(%arg12 : memref<!tpu.dma_semaphore, #tpu.memory_space<semaphore_mem>>) src(%dma_wait3A_575 : memref<80xi32, #tpu.memory_space<hbm>>) dst(%arg7 : memref<80xi32, #tpu.memory_space<vmem>>)
    %lt3A = arith.constant 29 : i32
    %lt3A_576 = arith.cmpi slt, %add3A, %lt3A : i32
    %convert_element_type3A = arith.extui %lt3A_576 : i1 to i32
    %cond3A = arith.constant 0 : i32
    %cond3A_577 = arith.cmpi ne, %convert_element_type3A, %cond3A : i32
    scf.if %cond3A_577 {
      %add3A_588 = arith.constant 96 : i32
      %add3A_589 = arith.addi %add3A, %add3A_588 : i32
      %mul3A_590 = arith.constant 80 : i32
      %mul3A_591 = arith.muli %add3A_589, %mul3A_590 : i32
      %dma_start3A_592 = arith.constant 0 : i32
      %dma_start3A_593 = tpu.memref_slice %arg2[%mul3A_591, %dma_start3A_592] : memref<10000x256xf32, #tpu.memory_space<hbm>> -> memref<80x256xf32, #tpu.memory_space<hbm>>
      %dma_start3A_594 = arith.constant 0 : i32
      %dma_start3A_595 = tpu.memref_slice %arg2[%mul3A_591, %dma_start3A_594] : memref<10000x256xf32, #tpu.memory_space<hbm>> -> memref<80x256xf32, #tpu.memory_space<hbm>>
      tpu.enqueue_dma source(%dma_start3A_595 : memref<80x256xf32, #tpu.memory_space<hbm>>) target(%arg6 : memref<80x256xf32, #tpu.memory_space<vmem>>) target_semaphore(%arg11 : memref<!tpu.dma_semaphore, #tpu.memory_space<semaphore_mem>>)
      %dma_start3A_596 = tpu.memref_slice %arg3[%mul3A_591] : memref<10000xi32, #tpu.memory_space<hbm>> -> memref<80xi32, #tpu.memory_space<hbm>>
      %dma_start3A_597 = tpu.memref_slice %arg3[%mul3A_591] : memref<10000xi32, #tpu.memory_space<hbm>> -> memref<80xi32, #tpu.memory_space<hbm>>
      tpu.enqueue_dma source(%dma_start3A_597 : memref<80xi32, #tpu.memory_space<hbm>>) target(%arg8 : memref<80xi32, #tpu.memory_space<vmem>>) target_semaphore(%arg13 : memref<!tpu.dma_semaphore, #tpu.memory_space<semaphore_mem>>)
    } else {
    }
    %parallel_loop3A_578 = arith.constant 0 : i32
    %parallel_loop3A_579 = arith.constant 80 : i32
    %parallel_loop3A_580 = arith.constant 1 : i32
    scf.for %parallel_loop3A_588 = %parallel_loop3A_578 to %parallel_loop3A_579 step %parallel_loop3A_580  : i32 {
      %parallel_loop3A_589 = vector.broadcast %parallel_loop3A_588 : i32 to vector<16xi32>
      %parallel_loop3A_590 = arith.constant 0 : i32
      %parallel_loop3A_591 = tpu.memref_slice %arg7[%parallel_loop3A_590] : memref<80xi32, #tpu.memory_space<vmem>> -> memref<80xi32, #tpu.memory_space<vmem>>
      %parallel_loop3A_592 = tpu.vector_load_idx %parallel_loop3A_591[%parallel_loop3A_589] : memref<80xi32, #tpu.memory_space<vmem>>[vector<16xi32>], vector<16xi32>,
      %parallel_loop3A_593 = arith.index_cast %parallel_loop3A_588 : i32 to index
      %parallel_loop3A_594 = arith.constant 0 : index
      %parallel_loop3A_595 = tpu.vector_load %arg5[%parallel_loop3A_593, %parallel_loop3A_594] {strides = array<i32>} : memref<80x256xf32, #tpu.memory_space<vmem>>, vector<16xf32>,
      %parallel_loop3A_596 = arith.constant 0 : i32
      %parallel_loop3A_597 = vector.broadcast %parallel_loop3A_596 : i32 to vector<16xi32>
      %parallel_loop3A_598 = arith.addi %iota3A, %parallel_loop3A_597 : vector<16xi32>
      %parallel_loop3A_599 = arith.constant 0 : i32
      %parallel_loop3A_600 = arith.constant 0 : i32
      %parallel_loop3A_601 = tpu.memref_slice %arg9[%parallel_loop3A_599, %parallel_loop3A_600] : memref<8x256xf32, #tpu.memory_space<vmem>> -> memref<8x256xf32, #tpu.memory_space<vmem>>
      tpu.vector_store_idx %parallel_loop3A_601[%parallel_loop3A_592, %parallel_loop3A_598], %parallel_loop3A_595 {add = true} : memref<8x256xf32, #tpu.memory_space<vmem>>[vector<16xi32>, vector<16xi32>], vector<16xf32>,
      %parallel_loop3A_602 = arith.index_cast %parallel_loop3A_588 : i32 to index
      %parallel_loop3A_603 = arith.constant 16 : index
      %parallel_loop3A_604 = tpu.vector_load %arg5[%parallel_loop3A_602, %parallel_loop3A_603] {strides = array<i32>} : memref<80x256xf32, #tpu.memory_space<vmem>>, vector<16xf32>,
      %parallel_loop3A_605 = arith.constant 16 : i32
      %parallel_loop3A_606 = vector.broadcast %parallel_loop3A_605 : i32 to vector<16xi32>
      %parallel_loop3A_607 = arith.addi %iota3A, %parallel_loop3A_606 : vector<16xi32>
      %parallel_loop3A_608 = arith.constant 0 : i32
      %parallel_loop3A_609 = arith.constant 0 : i32
      %parallel_loop3A_610 = tpu.memref_slice %arg9[%parallel_loop3A_608, %parallel_loop3A_609] : memref<8x256xf32, #tpu.memory_space<vmem>> -> memref<8x256xf32, #tpu.memory_space<vmem>>
      tpu.vector_store_idx %parallel_loop3A_610[%parallel_loop3A_592, %parallel_loop3A_607], %parallel_loop3A_604 {add = true} : memref<8x256xf32, #tpu.memory_space<vmem>>[vector<16xi32>, vector<16xi32>], vector<16xf32>,
      %parallel_loop3A_611 = arith.index_cast %parallel_loop3A_588 : i32 to index
      %parallel_loop3A_612 = arith.constant 32 : index
      %parallel_loop3A_613 = tpu.vector_load %arg5[%parallel_loop3A_611, %parallel_loop3A_612] {strides = array<i32>} : memref<80x256xf32, #tpu.memory_space<vmem>>, vector<16xf32>,
      %parallel_loop3A_614 = arith.constant 32 : i32
      %parallel_loop3A_615 = vector.broadcast %parallel_loop3A_614 : i32 to vector<16xi32>
      %parallel_loop3A_616 = arith.addi %iota3A, %parallel_loop3A_615 : vector<16xi32>
      %parallel_loop3A_617 = arith.constant 0 : i32
      %parallel_loop3A_618 = arith.constant 0 : i32
      %parallel_loop3A_619 = tpu.memref_slice %arg9[%parallel_loop3A_617, %parallel_loop3A_618] : memref<8x256xf32, #tpu.memory_space<vmem>> -> memref<8x256xf32, #tpu.memory_space<vmem>>
      tpu.vector_store_idx %parallel_loop3A_619[%parallel_loop3A_592, %parallel_loop3A_616], %parallel_loop3A_613 {add = true} : memref<8x256xf32, #tpu.memory_space<vmem>>[vector<16xi32>, vector<16xi32>], vector<16xf32>,
      %parallel_loop3A_620 = arith.index_cast %parallel_loop3A_588 : i32 to index
      %parallel_loop3A_621 = arith.constant 48 : index
      %parallel_loop3A_622 = tpu.vector_load %arg5[%parallel_loop3A_620, %parallel_loop3A_621] {strides = array<i32>} : memref<80x256xf32, #tpu.memory_space<vmem>>, vector<16xf32>,
      %parallel_loop3A_623 = arith.constant 48 : i32
      %parallel_loop3A_624 = vector.broadcast %parallel_loop3A_623 : i32 to vector<16xi32>
      %parallel_loop3A_625 = arith.addi %iota3A, %parallel_loop3A_624 : vector<16xi32>
      %parallel_loop3A_626 = arith.constant 0 : i32
      %parallel_loop3A_627 = arith.constant 0 : i32
      %parallel_loop3A_628 = tpu.memref_slice %arg9[%parallel_loop3A_626, %parallel_loop3A_627] : memref<8x256xf32, #tpu.memory_space<vmem>> -> memref<8x256xf32, #tpu.memory_space<vmem>>
      tpu.vector_store_idx %parallel_loop3A_628[%parallel_loop3A_592, %parallel_loop3A_625], %parallel_loop3A_622 {add = true} : memref<8x256xf32, #tpu.memory_space<vmem>>[vector<16xi32>, vector<16xi32>], vector<16xf32>,
      %parallel_loop3A_629 = arith.index_cast %parallel_loop3A_588 : i32 to index
      %parallel_loop3A_630 = arith.constant 64 : index
      %parallel_loop3A_631 = tpu.vector_load %arg5[%parallel_loop3A_629, %parallel_loop3A_630] {strides = array<i32>} : memref<80x256xf32, #tpu.memory_space<vmem>>, vector<16xf32>,
      %parallel_loop3A_632 = arith.constant 64 : i32
      %parallel_loop3A_633 = vector.broadcast %parallel_loop3A_632 : i32 to vector<16xi32>
      %parallel_loop3A_634 = arith.addi %iota3A, %parallel_loop3A_633 : vector<16xi32>
      %parallel_loop3A_635 = arith.constant 0 : i32
      %parallel_loop3A_636 = arith.constant 0 : i32
      %parallel_loop3A_637 = tpu.memref_slice %arg9[%parallel_loop3A_635, %parallel_loop3A_636] : memref<8x256xf32, #tpu.memory_space<vmem>> -> memref<8x256xf32, #tpu.memory_space<vmem>>
      tpu.vector_store_idx %parallel_loop3A_637[%parallel_loop3A_592, %parallel_loop3A_634], %parallel_loop3A_631 {add = true} : memref<8x256xf32, #tpu.memory_space<vmem>>[vector<16xi32>, vector<16xi32>], vector<16xf32>,
      %parallel_loop3A_638 = arith.index_cast %parallel_loop3A_588 : i32 to index
      %parallel_loop3A_639 = arith.constant 80 : index
      %parallel_loop3A_640 = tpu.vector_load %arg5[%parallel_loop3A_638, %parallel_loop3A_639] {strides = array<i32>} : memref<80x256xf32, #tpu.memory_space<vmem>>, vector<16xf32>,
      %parallel_loop3A_641 = arith.constant 80 : i32
      %parallel_loop3A_642 = vector.broadcast %parallel_loop3A_641 : i32 to vector<16xi32>
      %parallel_loop3A_643 = arith.addi %iota3A, %parallel_loop3A_642 : vector<16xi32>
      %parallel_loop3A_644 = arith.constant 0 : i32
      %parallel_loop3A_645 = arith.constant 0 : i32
      %parallel_loop3A_646 = tpu.memref_slice %arg9[%parallel_loop3A_644, %parallel_loop3A_645] : memref<8x256xf32, #tpu.memory_space<vmem>> -> memref<8x256xf32, #tpu.memory_space<vmem>>
      tpu.vector_store_idx %parallel_loop3A_646[%parallel_loop3A_592, %parallel_loop3A_643], %parallel_loop3A_640 {add = true} : memref<8x256xf32, #tpu.memory_space<vmem>>[vector<16xi32>, vector<16xi32>], vector<16xf32>,
      %parallel_loop3A_647 = arith.index_cast %parallel_loop3A_588 : i32 to index
      %parallel_loop3A_648 = arith.constant 96 : index
      %parallel_loop3A_649 = tpu.vector_load %arg5[%parallel_loop3A_647, %parallel_loop3A_648] {strides = array<i32>} : memref<80x256xf32, #tpu.memory_space<vmem>>, vector<16xf32>,
      %parallel_loop3A_650 = arith.constant 96 : i32
      %parallel_loop3A_651 = vector.broadcast %parallel_loop3A_650 : i32 to vector<16xi32>
      %parallel_loop3A_652 = arith.addi %iota3A, %parallel_loop3A_651 : vector<16xi32>
      %parallel_loop3A_653 = arith.constant 0 : i32
      %parallel_loop3A_654 = arith.constant 0 : i32
      %parallel_loop3A_655 = tpu.memref_slice %arg9[%parallel_loop3A_653, %parallel_loop3A_654] : memref<8x256xf32, #tpu.memory_space<vmem>> -> memref<8x256xf32, #tpu.memory_space<vmem>>
      tpu.vector_store_idx %parallel_loop3A_655[%parallel_loop3A_592, %parallel_loop3A_652], %parallel_loop3A_649 {add = true} : memref<8x256xf32, #tpu.memory_space<vmem>>[vector<16xi32>, vector<16xi32>], vector<16xf32>,
      %parallel_loop3A_656 = arith.index_cast %parallel_loop3A_588 : i32 to index
      %parallel_loop3A_657 = arith.constant 112 : index
      %parallel_loop3A_658 = tpu.vector_load %arg5[%parallel_loop3A_656, %parallel_loop3A_657] {strides = array<i32>} : memref<80x256xf32, #tpu.memory_space<vmem>>, vector<16xf32>,
      %parallel_loop3A_659 = arith.constant 112 : i32
      %parallel_loop3A_660 = vector.broadcast %parallel_loop3A_659 : i32 to vector<16xi32>
      %parallel_loop3A_661 = arith.addi %iota3A, %parallel_loop3A_660 : vector<16xi32>
      %parallel_loop3A_662 = arith.constant 0 : i32
      %parallel_loop3A_663 = arith.constant 0 : i32
      %parallel_loop3A_664 = tpu.memref_slice %arg9[%parallel_loop3A_662, %parallel_loop3A_663] : memref<8x256xf32, #tpu.memory_space<vmem>> -> memref<8x256xf32, #tpu.memory_space<vmem>>
      tpu.vector_store_idx %parallel_loop3A_664[%parallel_loop3A_592, %parallel_loop3A_661], %parallel_loop3A_658 {add = true} : memref<8x256xf32, #tpu.memory_space<vmem>>[vector<16xi32>, vector<16xi32>], vector<16xf32>,
      %parallel_loop3A_665 = arith.index_cast %parallel_loop3A_588 : i32 to index
      %parallel_loop3A_666 = arith.constant 128 : index
      %parallel_loop3A_667 = tpu.vector_load %arg5[%parallel_loop3A_665, %parallel_loop3A_666] {strides = array<i32>} : memref<80x256xf32, #tpu.memory_space<vmem>>, vector<16xf32>,
      %parallel_loop3A_668 = arith.constant 128 : i32
      %parallel_loop3A_669 = vector.broadcast %parallel_loop3A_668 : i32 to vector<16xi32>
      %parallel_loop3A_670 = arith.addi %iota3A, %parallel_loop3A_669 : vector<16xi32>
      %parallel_loop3A_671 = arith.constant 0 : i32
      %parallel_loop3A_672 = arith.constant 0 : i32
      %parallel_loop3A_673 = tpu.memref_slice %arg9[%parallel_loop3A_671, %parallel_loop3A_672] : memref<8x256xf32, #tpu.memory_space<vmem>> -> memref<8x256xf32, #tpu.memory_space<vmem>>
      tpu.vector_store_idx %parallel_loop3A_673[%parallel_loop3A_592, %parallel_loop3A_670], %parallel_loop3A_667 {add = true} : memref<8x256xf32, #tpu.memory_space<vmem>>[vector<16xi32>, vector<16xi32>], vector<16xf32>,
      %parallel_loop3A_674 = arith.index_cast %parallel_loop3A_588 : i32 to index
      %parallel_loop3A_675 = arith.constant 144 : index
      %parallel_loop3A_676 = tpu.vector_load %arg5[%parallel_loop3A_674, %parallel_loop3A_675] {strides = array<i32>} : memref<80x256xf32, #tpu.memory_space<vmem>>, vector<16xf32>,
      %parallel_loop3A_677 = arith.constant 144 : i32
      %parallel_loop3A_678 = vector.broadcast %parallel_loop3A_677 : i32 to vector<16xi32>
      %parallel_loop3A_679 = arith.addi %iota3A, %parallel_loop3A_678 : vector<16xi32>
      %parallel_loop3A_680 = arith.constant 0 : i32
      %parallel_loop3A_681 = arith.constant 0 : i32
      %parallel_loop3A_682 = tpu.memref_slice %arg9[%parallel_loop3A_680, %parallel_loop3A_681] : memref<8x256xf32, #tpu.memory_space<vmem>> -> memref<8x256xf32, #tpu.memory_space<vmem>>
      tpu.vector_store_idx %parallel_loop3A_682[%parallel_loop3A_592, %parallel_loop3A_679], %parallel_loop3A_676 {add = true} : memref<8x256xf32, #tpu.memory_space<vmem>>[vector<16xi32>, vector<16xi32>], vector<16xf32>,
      %parallel_loop3A_683 = arith.index_cast %parallel_loop3A_588 : i32 to index
      %parallel_loop3A_684 = arith.constant 160 : index
      %parallel_loop3A_685 = tpu.vector_load %arg5[%parallel_loop3A_683, %parallel_loop3A_684] {strides = array<i32>} : memref<80x256xf32, #tpu.memory_space<vmem>>, vector<16xf32>,
      %parallel_loop3A_686 = arith.constant 160 : i32
      %parallel_loop3A_687 = vector.broadcast %parallel_loop3A_686 : i32 to vector<16xi32>
      %parallel_loop3A_688 = arith.addi %iota3A, %parallel_loop3A_687 : vector<16xi32>
      %parallel_loop3A_689 = arith.constant 0 : i32
      %parallel_loop3A_690 = arith.constant 0 : i32
      %parallel_loop3A_691 = tpu.memref_slice %arg9[%parallel_loop3A_689, %parallel_loop3A_690] : memref<8x256xf32, #tpu.memory_space<vmem>> -> memref<8x256xf32, #tpu.memory_space<vmem>>
      tpu.vector_store_idx %parallel_loop3A_691[%parallel_loop3A_592, %parallel_loop3A_688], %parallel_loop3A_685 {add = true} : memref<8x256xf32, #tpu.memory_space<vmem>>[vector<16xi32>, vector<16xi32>], vector<16xf32>,
      %parallel_loop3A_692 = arith.index_cast %parallel_loop3A_588 : i32 to index
      %parallel_loop3A_693 = arith.constant 176 : index
      %parallel_loop3A_694 = tpu.vector_load %arg5[%parallel_loop3A_692, %parallel_loop3A_693] {strides = array<i32>} : memref<80x256xf32, #tpu.memory_space<vmem>>, vector<16xf32>,
      %parallel_loop3A_695 = arith.constant 176 : i32
      %parallel_loop3A_696 = vector.broadcast %parallel_loop3A_695 : i32 to vector<16xi32>
      %parallel_loop3A_697 = arith.addi %iota3A, %parallel_loop3A_696 : vector<16xi32>
      %parallel_loop3A_698 = arith.constant 0 : i32
      %parallel_loop3A_699 = arith.constant 0 : i32
      %parallel_loop3A_700 = tpu.memref_slice %arg9[%parallel_loop3A_698, %parallel_loop3A_699] : memref<8x256xf32, #tpu.memory_space<vmem>> -> memref<8x256xf32, #tpu.memory_space<vmem>>
      tpu.vector_store_idx %parallel_loop3A_700[%parallel_loop3A_592, %parallel_loop3A_697], %parallel_loop3A_694 {add = true} : memref<8x256xf32, #tpu.memory_space<vmem>>[vector<16xi32>, vector<16xi32>], vector<16xf32>,
      %parallel_loop3A_701 = arith.index_cast %parallel_loop3A_588 : i32 to index
      %parallel_loop3A_702 = arith.constant 192 : index
      %parallel_loop3A_703 = tpu.vector_load %arg5[%parallel_loop3A_701, %parallel_loop3A_702] {strides = array<i32>} : memref<80x256xf32, #tpu.memory_space<vmem>>, vector<16xf32>,
      %parallel_loop3A_704 = arith.constant 192 : i32
      %parallel_loop3A_705 = vector.broadcast %parallel_loop3A_704 : i32 to vector<16xi32>
      %parallel_loop3A_706 = arith.addi %iota3A, %parallel_loop3A_705 : vector<16xi32>
      %parallel_loop3A_707 = arith.constant 0 : i32
      %parallel_loop3A_708 = arith.constant 0 : i32
      %parallel_loop3A_709 = tpu.memref_slice %arg9[%parallel_loop3A_707, %parallel_loop3A_708] : memref<8x256xf32, #tpu.memory_space<vmem>> -> memref<8x256xf32, #tpu.memory_space<vmem>>
      tpu.vector_store_idx %parallel_loop3A_709[%parallel_loop3A_592, %parallel_loop3A_706], %parallel_loop3A_703 {add = true} : memref<8x256xf32, #tpu.memory_space<vmem>>[vector<16xi32>, vector<16xi32>], vector<16xf32>,
      %parallel_loop3A_710 = arith.index_cast %parallel_loop3A_588 : i32 to index
      %parallel_loop3A_711 = arith.constant 208 : index
      %parallel_loop3A_712 = tpu.vector_load %arg5[%parallel_loop3A_710, %parallel_loop3A_711] {strides = array<i32>} : memref<80x256xf32, #tpu.memory_space<vmem>>, vector<16xf32>,
      %parallel_loop3A_713 = arith.constant 208 : i32
      %parallel_loop3A_714 = vector.broadcast %parallel_loop3A_713 : i32 to vector<16xi32>
      %parallel_loop3A_715 = arith.addi %iota3A, %parallel_loop3A_714 : vector<16xi32>
      %parallel_loop3A_716 = arith.constant 0 : i32
      %parallel_loop3A_717 = arith.constant 0 : i32
      %parallel_loop3A_718 = tpu.memref_slice %arg9[%parallel_loop3A_716, %parallel_loop3A_717] : memref<8x256xf32, #tpu.memory_space<vmem>> -> memref<8x256xf32, #tpu.memory_space<vmem>>
      tpu.vector_store_idx %parallel_loop3A_718[%parallel_loop3A_592, %parallel_loop3A_715], %parallel_loop3A_712 {add = true} : memref<8x256xf32, #tpu.memory_space<vmem>>[vector<16xi32>, vector<16xi32>], vector<16xf32>,
      %parallel_loop3A_719 = arith.index_cast %parallel_loop3A_588 : i32 to index
      %parallel_loop3A_720 = arith.constant 224 : index
      %parallel_loop3A_721 = tpu.vector_load %arg5[%parallel_loop3A_719, %parallel_loop3A_720] {strides = array<i32>} : memref<80x256xf32, #tpu.memory_space<vmem>>, vector<16xf32>,
      %parallel_loop3A_722 = arith.constant 224 : i32
      %parallel_loop3A_723 = vector.broadcast %parallel_loop3A_722 : i32 to vector<16xi32>
      %parallel_loop3A_724 = arith.addi %iota3A, %parallel_loop3A_723 : vector<16xi32>
      %parallel_loop3A_725 = arith.constant 0 : i32
      %parallel_loop3A_726 = arith.constant 0 : i32
      %parallel_loop3A_727 = tpu.memref_slice %arg9[%parallel_loop3A_725, %parallel_loop3A_726] : memref<8x256xf32, #tpu.memory_space<vmem>> -> memref<8x256xf32, #tpu.memory_space<vmem>>
      tpu.vector_store_idx %parallel_loop3A_727[%parallel_loop3A_592, %parallel_loop3A_724], %parallel_loop3A_721 {add = true} : memref<8x256xf32, #tpu.memory_space<vmem>>[vector<16xi32>, vector<16xi32>], vector<16xf32>,
      %parallel_loop3A_728 = arith.index_cast %parallel_loop3A_588 : i32 to index
      %parallel_loop3A_729 = arith.constant 240 : index
      %parallel_loop3A_730 = tpu.vector_load %arg5[%parallel_loop3A_728, %parallel_loop3A_729] {strides = array<i32>} : memref<80x256xf32, #tpu.memory_space<vmem>>, vector<16xf32>,
      %parallel_loop3A_731 = arith.constant 240 : i32
      %parallel_loop3A_732 = vector.broadcast %parallel_loop3A_731 : i32 to vector<16xi32>
      %parallel_loop3A_733 = arith.addi %iota3A, %parallel_loop3A_732 : vector<16xi32>
      %parallel_loop3A_734 = arith.constant 0 : i32
      %parallel_loop3A_735 = arith.constant 0 : i32
      %parallel_loop3A_736 = tpu.memref_slice %arg9[%parallel_loop3A_734, %parallel_loop3A_735] : memref<8x256xf32, #tpu.memory_space<vmem>> -> memref<8x256xf32, #tpu.memory_space<vmem>>
      tpu.vector_store_idx %parallel_loop3A_736[%parallel_loop3A_592, %parallel_loop3A_733], %parallel_loop3A_730 {add = true} : memref<8x256xf32, #tpu.memory_space<vmem>>[vector<16xi32>, vector<16xi32>], vector<16xf32>,
    } {sc.loop_unroll_factor = 2 : i64, sc.parallel_access}
    %lt3A_581 = arith.constant 29 : i32
    %lt3A_582 = arith.cmpi slt, %add3A, %lt3A_581 : i32
    %convert_element_type3A_583 = arith.extui %lt3A_582 : i1 to i32
    %cond3A_584 = arith.constant 0 : i32
    %cond3A_585 = arith.cmpi ne, %convert_element_type3A_583, %cond3A_584 : i32
    scf.if %cond3A_585 {
      %add3A_588 = arith.constant 96 : i32
      %add3A_589 = arith.addi %add3A, %add3A_588 : i32
      %mul3A_590 = arith.constant 80 : i32
      %mul3A_591 = arith.muli %add3A_589, %mul3A_590 : i32
      %dma_wait3A_592 = arith.constant 0 : i32
      %dma_wait3A_593 = tpu.memref_slice %arg2[%mul3A_591, %dma_wait3A_592] : memref<10000x256xf32, #tpu.memory_space<hbm>> -> memref<80x256xf32, #tpu.memory_space<hbm>>
      %dma_wait3A_594 = arith.constant 0 : i32
      %dma_wait3A_595 = tpu.memref_slice %arg2[%mul3A_591, %dma_wait3A_594] : memref<10000x256xf32, #tpu.memory_space<hbm>> -> memref<80x256xf32, #tpu.memory_space<hbm>>
      tpu.wait_dma2 semaphore(%arg11 : memref<!tpu.dma_semaphore, #tpu.memory_space<semaphore_mem>>) src(%dma_wait3A_595 : memref<80x256xf32, #tpu.memory_space<hbm>>) dst(%arg6 : memref<80x256xf32, #tpu.memory_space<vmem>>)
      %dma_wait3A_596 = tpu.memref_slice %arg3[%mul3A_591] : memref<10000xi32, #tpu.memory_space<hbm>> -> memref<80xi32, #tpu.memory_space<hbm>>
      %dma_wait3A_597 = tpu.memref_slice %arg3[%mul3A_591] : memref<10000xi32, #tpu.memory_space<hbm>> -> memref<80xi32, #tpu.memory_space<hbm>>
      tpu.wait_dma2 semaphore(%arg13 : memref<!tpu.dma_semaphore, #tpu.memory_space<semaphore_mem>>) src(%dma_wait3A_597 : memref<80xi32, #tpu.memory_space<hbm>>) dst(%arg8 : memref<80xi32, #tpu.memory_space<vmem>>)
      %parallel_loop3A_598 = arith.constant 0 : i32
      %parallel_loop3A_599 = arith.constant 80 : i32
      %parallel_loop3A_600 = arith.constant 1 : i32
      scf.for %parallel_loop3A_601 = %parallel_loop3A_598 to %parallel_loop3A_599 step %parallel_loop3A_600  : i32 {
        %parallel_loop3A_602 = vector.broadcast %parallel_loop3A_601 : i32 to vector<16xi32>
        %parallel_loop3A_603 = arith.constant 0 : i32
        %parallel_loop3A_604 = tpu.memref_slice %arg8[%parallel_loop3A_603] : memref<80xi32, #tpu.memory_space<vmem>> -> memref<80xi32, #tpu.memory_space<vmem>>
        %parallel_loop3A_605 = tpu.vector_load_idx %parallel_loop3A_604[%parallel_loop3A_602] : memref<80xi32, #tpu.memory_space<vmem>>[vector<16xi32>], vector<16xi32>,
        %parallel_loop3A_606 = arith.index_cast %parallel_loop3A_601 : i32 to index
        %parallel_loop3A_607 = arith.constant 0 : index
        %parallel_loop3A_608 = tpu.vector_load %arg6[%parallel_loop3A_606, %parallel_loop3A_607] {strides = array<i32>} : memref<80x256xf32, #tpu.memory_space<vmem>>, vector<16xf32>,
        %parallel_loop3A_609 = arith.constant 0 : i32
        %parallel_loop3A_610 = vector.broadcast %parallel_loop3A_609 : i32 to vector<16xi32>
        %parallel_loop3A_611 = arith.addi %iota3A, %parallel_loop3A_610 : vector<16xi32>
        %parallel_loop3A_612 = arith.constant 0 : i32
        %parallel_loop3A_613 = arith.constant 0 : i32
        %parallel_loop3A_614 = tpu.memref_slice %arg9[%parallel_loop3A_612, %parallel_loop3A_613] : memref<8x256xf32, #tpu.memory_space<vmem>> -> memref<8x256xf32, #tpu.memory_space<vmem>>
        tpu.vector_store_idx %parallel_loop3A_614[%parallel_loop3A_605, %parallel_loop3A_611], %parallel_loop3A_608 {add = true} : memref<8x256xf32, #tpu.memory_space<vmem>>[vector<16xi32>, vector<16xi32>], vector<16xf32>,
        %parallel_loop3A_615 = arith.index_cast %parallel_loop3A_601 : i32 to index
        %parallel_loop3A_616 = arith.constant 16 : index
        %parallel_loop3A_617 = tpu.vector_load %arg6[%parallel_loop3A_615, %parallel_loop3A_616] {strides = array<i32>} : memref<80x256xf32, #tpu.memory_space<vmem>>, vector<16xf32>,
        %parallel_loop3A_618 = arith.constant 16 : i32
        %parallel_loop3A_619 = vector.broadcast %parallel_loop3A_618 : i32 to vector<16xi32>
        %parallel_loop3A_620 = arith.addi %iota3A, %parallel_loop3A_619 : vector<16xi32>
        %parallel_loop3A_621 = arith.constant 0 : i32
        %parallel_loop3A_622 = arith.constant 0 : i32
        %parallel_loop3A_623 = tpu.memref_slice %arg9[%parallel_loop3A_621, %parallel_loop3A_622] : memref<8x256xf32, #tpu.memory_space<vmem>> -> memref<8x256xf32, #tpu.memory_space<vmem>>
        tpu.vector_store_idx %parallel_loop3A_623[%parallel_loop3A_605, %parallel_loop3A_620], %parallel_loop3A_617 {add = true} : memref<8x256xf32, #tpu.memory_space<vmem>>[vector<16xi32>, vector<16xi32>], vector<16xf32>,
        %parallel_loop3A_624 = arith.index_cast %parallel_loop3A_601 : i32 to index
        %parallel_loop3A_625 = arith.constant 32 : index
        %parallel_loop3A_626 = tpu.vector_load %arg6[%parallel_loop3A_624, %parallel_loop3A_625] {strides = array<i32>} : memref<80x256xf32, #tpu.memory_space<vmem>>, vector<16xf32>,
        %parallel_loop3A_627 = arith.constant 32 : i32
        %parallel_loop3A_628 = vector.broadcast %parallel_loop3A_627 : i32 to vector<16xi32>
        %parallel_loop3A_629 = arith.addi %iota3A, %parallel_loop3A_628 : vector<16xi32>
        %parallel_loop3A_630 = arith.constant 0 : i32
        %parallel_loop3A_631 = arith.constant 0 : i32
        %parallel_loop3A_632 = tpu.memref_slice %arg9[%parallel_loop3A_630, %parallel_loop3A_631] : memref<8x256xf32, #tpu.memory_space<vmem>> -> memref<8x256xf32, #tpu.memory_space<vmem>>
        tpu.vector_store_idx %parallel_loop3A_632[%parallel_loop3A_605, %parallel_loop3A_629], %parallel_loop3A_626 {add = true} : memref<8x256xf32, #tpu.memory_space<vmem>>[vector<16xi32>, vector<16xi32>], vector<16xf32>,
        %parallel_loop3A_633 = arith.index_cast %parallel_loop3A_601 : i32 to index
        %parallel_loop3A_634 = arith.constant 48 : index
        %parallel_loop3A_635 = tpu.vector_load %arg6[%parallel_loop3A_633, %parallel_loop3A_634] {strides = array<i32>} : memref<80x256xf32, #tpu.memory_space<vmem>>, vector<16xf32>,
        %parallel_loop3A_636 = arith.constant 48 : i32
        %parallel_loop3A_637 = vector.broadcast %parallel_loop3A_636 : i32 to vector<16xi32>
        %parallel_loop3A_638 = arith.addi %iota3A, %parallel_loop3A_637 : vector<16xi32>
        %parallel_loop3A_639 = arith.constant 0 : i32
        %parallel_loop3A_640 = arith.constant 0 : i32
        %parallel_loop3A_641 = tpu.memref_slice %arg9[%parallel_loop3A_639, %parallel_loop3A_640] : memref<8x256xf32, #tpu.memory_space<vmem>> -> memref<8x256xf32, #tpu.memory_space<vmem>>
        tpu.vector_store_idx %parallel_loop3A_641[%parallel_loop3A_605, %parallel_loop3A_638], %parallel_loop3A_635 {add = true} : memref<8x256xf32, #tpu.memory_space<vmem>>[vector<16xi32>, vector<16xi32>], vector<16xf32>,
        %parallel_loop3A_642 = arith.index_cast %parallel_loop3A_601 : i32 to index
        %parallel_loop3A_643 = arith.constant 64 : index
        %parallel_loop3A_644 = tpu.vector_load %arg6[%parallel_loop3A_642, %parallel_loop3A_643] {strides = array<i32>} : memref<80x256xf32, #tpu.memory_space<vmem>>, vector<16xf32>,
        %parallel_loop3A_645 = arith.constant 64 : i32
        %parallel_loop3A_646 = vector.broadcast %parallel_loop3A_645 : i32 to vector<16xi32>
        %parallel_loop3A_647 = arith.addi %iota3A, %parallel_loop3A_646 : vector<16xi32>
        %parallel_loop3A_648 = arith.constant 0 : i32
        %parallel_loop3A_649 = arith.constant 0 : i32
        %parallel_loop3A_650 = tpu.memref_slice %arg9[%parallel_loop3A_648, %parallel_loop3A_649] : memref<8x256xf32, #tpu.memory_space<vmem>> -> memref<8x256xf32, #tpu.memory_space<vmem>>
        tpu.vector_store_idx %parallel_loop3A_650[%parallel_loop3A_605, %parallel_loop3A_647], %parallel_loop3A_644 {add = true} : memref<8x256xf32, #tpu.memory_space<vmem>>[vector<16xi32>, vector<16xi32>], vector<16xf32>,
        %parallel_loop3A_651 = arith.index_cast %parallel_loop3A_601 : i32 to index
        %parallel_loop3A_652 = arith.constant 80 : index
        %parallel_loop3A_653 = tpu.vector_load %arg6[%parallel_loop3A_651, %parallel_loop3A_652] {strides = array<i32>} : memref<80x256xf32, #tpu.memory_space<vmem>>, vector<16xf32>,
        %parallel_loop3A_654 = arith.constant 80 : i32
        %parallel_loop3A_655 = vector.broadcast %parallel_loop3A_654 : i32 to vector<16xi32>
        %parallel_loop3A_656 = arith.addi %iota3A, %parallel_loop3A_655 : vector<16xi32>
        %parallel_loop3A_657 = arith.constant 0 : i32
        %parallel_loop3A_658 = arith.constant 0 : i32
        %parallel_loop3A_659 = tpu.memref_slice %arg9[%parallel_loop3A_657, %parallel_loop3A_658] : memref<8x256xf32, #tpu.memory_space<vmem>> -> memref<8x256xf32, #tpu.memory_space<vmem>>
        tpu.vector_store_idx %parallel_loop3A_659[%parallel_loop3A_605, %parallel_loop3A_656], %parallel_loop3A_653 {add = true} : memref<8x256xf32, #tpu.memory_space<vmem>>[vector<16xi32>, vector<16xi32>], vector<16xf32>,
        %parallel_loop3A_660 = arith.index_cast %parallel_loop3A_601 : i32 to index
        %parallel_loop3A_661 = arith.constant 96 : index
        %parallel_loop3A_662 = tpu.vector_load %arg6[%parallel_loop3A_660, %parallel_loop3A_661] {strides = array<i32>} : memref<80x256xf32, #tpu.memory_space<vmem>>, vector<16xf32>,
        %parallel_loop3A_663 = arith.constant 96 : i32
        %parallel_loop3A_664 = vector.broadcast %parallel_loop3A_663 : i32 to vector<16xi32>
        %parallel_loop3A_665 = arith.addi %iota3A, %parallel_loop3A_664 : vector<16xi32>
        %parallel_loop3A_666 = arith.constant 0 : i32
        %parallel_loop3A_667 = arith.constant 0 : i32
        %parallel_loop3A_668 = tpu.memref_slice %arg9[%parallel_loop3A_666, %parallel_loop3A_667] : memref<8x256xf32, #tpu.memory_space<vmem>> -> memref<8x256xf32, #tpu.memory_space<vmem>>
        tpu.vector_store_idx %parallel_loop3A_668[%parallel_loop3A_605, %parallel_loop3A_665], %parallel_loop3A_662 {add = true} : memref<8x256xf32, #tpu.memory_space<vmem>>[vector<16xi32>, vector<16xi32>], vector<16xf32>,
        %parallel_loop3A_669 = arith.index_cast %parallel_loop3A_601 : i32 to index
        %parallel_loop3A_670 = arith.constant 112 : index
        %parallel_loop3A_671 = tpu.vector_load %arg6[%parallel_loop3A_669, %parallel_loop3A_670] {strides = array<i32>} : memref<80x256xf32, #tpu.memory_space<vmem>>, vector<16xf32>,
        %parallel_loop3A_672 = arith.constant 112 : i32
        %parallel_loop3A_673 = vector.broadcast %parallel_loop3A_672 : i32 to vector<16xi32>
        %parallel_loop3A_674 = arith.addi %iota3A, %parallel_loop3A_673 : vector<16xi32>
        %parallel_loop3A_675 = arith.constant 0 : i32
        %parallel_loop3A_676 = arith.constant 0 : i32
        %parallel_loop3A_677 = tpu.memref_slice %arg9[%parallel_loop3A_675, %parallel_loop3A_676] : memref<8x256xf32, #tpu.memory_space<vmem>> -> memref<8x256xf32, #tpu.memory_space<vmem>>
        tpu.vector_store_idx %parallel_loop3A_677[%parallel_loop3A_605, %parallel_loop3A_674], %parallel_loop3A_671 {add = true} : memref<8x256xf32, #tpu.memory_space<vmem>>[vector<16xi32>, vector<16xi32>], vector<16xf32>,
        %parallel_loop3A_678 = arith.index_cast %parallel_loop3A_601 : i32 to index
        %parallel_loop3A_679 = arith.constant 128 : index
        %parallel_loop3A_680 = tpu.vector_load %arg6[%parallel_loop3A_678, %parallel_loop3A_679] {strides = array<i32>} : memref<80x256xf32, #tpu.memory_space<vmem>>, vector<16xf32>,
        %parallel_loop3A_681 = arith.constant 128 : i32
        %parallel_loop3A_682 = vector.broadcast %parallel_loop3A_681 : i32 to vector<16xi32>
        %parallel_loop3A_683 = arith.addi %iota3A, %parallel_loop3A_682 : vector<16xi32>
        %parallel_loop3A_684 = arith.constant 0 : i32
        %parallel_loop3A_685 = arith.constant 0 : i32
        %parallel_loop3A_686 = tpu.memref_slice %arg9[%parallel_loop3A_684, %parallel_loop3A_685] : memref<8x256xf32, #tpu.memory_space<vmem>> -> memref<8x256xf32, #tpu.memory_space<vmem>>
        tpu.vector_store_idx %parallel_loop3A_686[%parallel_loop3A_605, %parallel_loop3A_683], %parallel_loop3A_680 {add = true} : memref<8x256xf32, #tpu.memory_space<vmem>>[vector<16xi32>, vector<16xi32>], vector<16xf32>,
        %parallel_loop3A_687 = arith.index_cast %parallel_loop3A_601 : i32 to index
        %parallel_loop3A_688 = arith.constant 144 : index
        %parallel_loop3A_689 = tpu.vector_load %arg6[%parallel_loop3A_687, %parallel_loop3A_688] {strides = array<i32>} : memref<80x256xf32, #tpu.memory_space<vmem>>, vector<16xf32>,
        %parallel_loop3A_690 = arith.constant 144 : i32
        %parallel_loop3A_691 = vector.broadcast %parallel_loop3A_690 : i32 to vector<16xi32>
        %parallel_loop3A_692 = arith.addi %iota3A, %parallel_loop3A_691 : vector<16xi32>
        %parallel_loop3A_693 = arith.constant 0 : i32
        %parallel_loop3A_694 = arith.constant 0 : i32
        %parallel_loop3A_695 = tpu.memref_slice %arg9[%parallel_loop3A_693, %parallel_loop3A_694] : memref<8x256xf32, #tpu.memory_space<vmem>> -> memref<8x256xf32, #tpu.memory_space<vmem>>
        tpu.vector_store_idx %parallel_loop3A_695[%parallel_loop3A_605, %parallel_loop3A_692], %parallel_loop3A_689 {add = true} : memref<8x256xf32, #tpu.memory_space<vmem>>[vector<16xi32>, vector<16xi32>], vector<16xf32>,
        %parallel_loop3A_696 = arith.index_cast %parallel_loop3A_601 : i32 to index
        %parallel_loop3A_697 = arith.constant 160 : index
        %parallel_loop3A_698 = tpu.vector_load %arg6[%parallel_loop3A_696, %parallel_loop3A_697] {strides = array<i32>} : memref<80x256xf32, #tpu.memory_space<vmem>>, vector<16xf32>,
        %parallel_loop3A_699 = arith.constant 160 : i32
        %parallel_loop3A_700 = vector.broadcast %parallel_loop3A_699 : i32 to vector<16xi32>
        %parallel_loop3A_701 = arith.addi %iota3A, %parallel_loop3A_700 : vector<16xi32>
        %parallel_loop3A_702 = arith.constant 0 : i32
        %parallel_loop3A_703 = arith.constant 0 : i32
        %parallel_loop3A_704 = tpu.memref_slice %arg9[%parallel_loop3A_702, %parallel_loop3A_703] : memref<8x256xf32, #tpu.memory_space<vmem>> -> memref<8x256xf32, #tpu.memory_space<vmem>>
        tpu.vector_store_idx %parallel_loop3A_704[%parallel_loop3A_605, %parallel_loop3A_701], %parallel_loop3A_698 {add = true} : memref<8x256xf32, #tpu.memory_space<vmem>>[vector<16xi32>, vector<16xi32>], vector<16xf32>,
        %parallel_loop3A_705 = arith.index_cast %parallel_loop3A_601 : i32 to index
        %parallel_loop3A_706 = arith.constant 176 : index
        %parallel_loop3A_707 = tpu.vector_load %arg6[%parallel_loop3A_705, %parallel_loop3A_706] {strides = array<i32>} : memref<80x256xf32, #tpu.memory_space<vmem>>, vector<16xf32>,
        %parallel_loop3A_708 = arith.constant 176 : i32
        %parallel_loop3A_709 = vector.broadcast %parallel_loop3A_708 : i32 to vector<16xi32>
        %parallel_loop3A_710 = arith.addi %iota3A, %parallel_loop3A_709 : vector<16xi32>
        %parallel_loop3A_711 = arith.constant 0 : i32
        %parallel_loop3A_712 = arith.constant 0 : i32
        %parallel_loop3A_713 = tpu.memref_slice %arg9[%parallel_loop3A_711, %parallel_loop3A_712] : memref<8x256xf32, #tpu.memory_space<vmem>> -> memref<8x256xf32, #tpu.memory_space<vmem>>
        tpu.vector_store_idx %parallel_loop3A_713[%parallel_loop3A_605, %parallel_loop3A_710], %parallel_loop3A_707 {add = true} : memref<8x256xf32, #tpu.memory_space<vmem>>[vector<16xi32>, vector<16xi32>], vector<16xf32>,
        %parallel_loop3A_714 = arith.index_cast %parallel_loop3A_601 : i32 to index
        %parallel_loop3A_715 = arith.constant 192 : index
        %parallel_loop3A_716 = tpu.vector_load %arg6[%parallel_loop3A_714, %parallel_loop3A_715] {strides = array<i32>} : memref<80x256xf32, #tpu.memory_space<vmem>>, vector<16xf32>,
        %parallel_loop3A_717 = arith.constant 192 : i32
        %parallel_loop3A_718 = vector.broadcast %parallel_loop3A_717 : i32 to vector<16xi32>
        %parallel_loop3A_719 = arith.addi %iota3A, %parallel_loop3A_718 : vector<16xi32>
        %parallel_loop3A_720 = arith.constant 0 : i32
        %parallel_loop3A_721 = arith.constant 0 : i32
        %parallel_loop3A_722 = tpu.memref_slice %arg9[%parallel_loop3A_720, %parallel_loop3A_721] : memref<8x256xf32, #tpu.memory_space<vmem>> -> memref<8x256xf32, #tpu.memory_space<vmem>>
        tpu.vector_store_idx %parallel_loop3A_722[%parallel_loop3A_605, %parallel_loop3A_719], %parallel_loop3A_716 {add = true} : memref<8x256xf32, #tpu.memory_space<vmem>>[vector<16xi32>, vector<16xi32>], vector<16xf32>,
        %parallel_loop3A_723 = arith.index_cast %parallel_loop3A_601 : i32 to index
        %parallel_loop3A_724 = arith.constant 208 : index
        %parallel_loop3A_725 = tpu.vector_load %arg6[%parallel_loop3A_723, %parallel_loop3A_724] {strides = array<i32>} : memref<80x256xf32, #tpu.memory_space<vmem>>, vector<16xf32>,
        %parallel_loop3A_726 = arith.constant 208 : i32
        %parallel_loop3A_727 = vector.broadcast %parallel_loop3A_726 : i32 to vector<16xi32>
        %parallel_loop3A_728 = arith.addi %iota3A, %parallel_loop3A_727 : vector<16xi32>
        %parallel_loop3A_729 = arith.constant 0 : i32
        %parallel_loop3A_730 = arith.constant 0 : i32
        %parallel_loop3A_731 = tpu.memref_slice %arg9[%parallel_loop3A_729, %parallel_loop3A_730] : memref<8x256xf32, #tpu.memory_space<vmem>> -> memref<8x256xf32, #tpu.memory_space<vmem>>
        tpu.vector_store_idx %parallel_loop3A_731[%parallel_loop3A_605, %parallel_loop3A_728], %parallel_loop3A_725 {add = true} : memref<8x256xf32, #tpu.memory_space<vmem>>[vector<16xi32>, vector<16xi32>], vector<16xf32>,
        %parallel_loop3A_732 = arith.index_cast %parallel_loop3A_601 : i32 to index
        %parallel_loop3A_733 = arith.constant 224 : index
        %parallel_loop3A_734 = tpu.vector_load %arg6[%parallel_loop3A_732, %parallel_loop3A_733] {strides = array<i32>} : memref<80x256xf32, #tpu.memory_space<vmem>>, vector<16xf32>,
        %parallel_loop3A_735 = arith.constant 224 : i32
        %parallel_loop3A_736 = vector.broadcast %parallel_loop3A_735 : i32 to vector<16xi32>
        %parallel_loop3A_737 = arith.addi %iota3A, %parallel_loop3A_736 : vector<16xi32>
        %parallel_loop3A_738 = arith.constant 0 : i32
        %parallel_loop3A_739 = arith.constant 0 : i32
        %parallel_loop3A_740 = tpu.memref_slice %arg9[%parallel_loop3A_738, %parallel_loop3A_739] : memref<8x256xf32, #tpu.memory_space<vmem>> -> memref<8x256xf32, #tpu.memory_space<vmem>>
        tpu.vector_store_idx %parallel_loop3A_740[%parallel_loop3A_605, %parallel_loop3A_737], %parallel_loop3A_734 {add = true} : memref<8x256xf32, #tpu.memory_space<vmem>>[vector<16xi32>, vector<16xi32>], vector<16xf32>,
        %parallel_loop3A_741 = arith.index_cast %parallel_loop3A_601 : i32 to index
        %parallel_loop3A_742 = arith.constant 240 : index
        %parallel_loop3A_743 = tpu.vector_load %arg6[%parallel_loop3A_741, %parallel_loop3A_742] {strides = array<i32>} : memref<80x256xf32, #tpu.memory_space<vmem>>, vector<16xf32>,
        %parallel_loop3A_744 = arith.constant 240 : i32
        %parallel_loop3A_745 = vector.broadcast %parallel_loop3A_744 : i32 to vector<16xi32>
        %parallel_loop3A_746 = arith.addi %iota3A, %parallel_loop3A_745 : vector<16xi32>
        %parallel_loop3A_747 = arith.constant 0 : i32
        %parallel_loop3A_748 = arith.constant 0 : i32
        %parallel_loop3A_749 = tpu.memref_slice %arg9[%parallel_loop3A_747, %parallel_loop3A_748] : memref<8x256xf32, #tpu.memory_space<vmem>> -> memref<8x256xf32, #tpu.memory_space<vmem>>
        tpu.vector_store_idx %parallel_loop3A_749[%parallel_loop3A_605, %parallel_loop3A_746], %parallel_loop3A_743 {add = true} : memref<8x256xf32, #tpu.memory_space<vmem>>[vector<16xi32>, vector<16xi32>], vector<16xf32>,
      } {sc.loop_unroll_factor = 2 : i64, sc.parallel_access}
    } else {
    }
    %mul3A_586 = arith.constant 8 : i32
    %mul3A_587 = arith.muli %add3A, %mul3A_586 : i32
    "tpu.region"() ({
      %run_scoped3A = tpu.sem_alloc : memref<!tpu.dma_semaphore, #tpu.memory_space<semaphore_mem>>
      %dma_start3A_588 = arith.constant 0 : i32
      %dma_start3A_589 = tpu.memref_slice %arg4[%mul3A_587, %dma_start3A_588] : memref<256x256xf32, #tpu.memory_space<hbm>> -> memref<8x256xf32, #tpu.memory_space<hbm>>
      %dma_start3A_590 = arith.constant 0 : i32
      %dma_start3A_591 = tpu.memref_slice %arg4[%mul3A_587, %dma_start3A_590] : memref<256x256xf32, #tpu.memory_space<hbm>> -> memref<8x256xf32, #tpu.memory_space<hbm>>
      tpu.enqueue_dma source(%arg9 : memref<8x256xf32, #tpu.memory_space<vmem>>) target(%dma_start3A_591 : memref<8x256xf32, #tpu.memory_space<hbm>>) target_semaphore(%run_scoped3A : memref<!tpu.dma_semaphore, #tpu.memory_space<semaphore_mem>>)
      %dma_wait3A_592 = arith.constant 0 : i32
      %dma_wait3A_593 = tpu.memref_slice %arg4[%mul3A_587, %dma_wait3A_592] : memref<256x256xf32, #tpu.memory_space<hbm>> -> memref<8x256xf32, #tpu.memory_space<hbm>>
      %dma_wait3A_594 = arith.constant 0 : i32
      %dma_wait3A_595 = tpu.memref_slice %arg4[%mul3A_587, %dma_wait3A_594] : memref<256x256xf32, #tpu.memory_space<hbm>> -> memref<8x256xf32, #tpu.memory_space<hbm>>
      tpu.wait_dma2 semaphore(%run_scoped3A : memref<!tpu.dma_semaphore, #tpu.memory_space<semaphore_mem>>) src(%arg9 : memref<8x256xf32, #tpu.memory_space<vmem>>) dst(%dma_wait3A_595 : memref<8x256xf32, #tpu.memory_space<hbm>>)
      tpu.yield
    }) : () -> ()
    return
  }
}

module attributes {stable_mosaic.version = 14 : i64} {
  func.func @_head_body(%arg0: i32, %arg1: memref<2000x256xf32, #tpu.memory_space<vmem>>, %arg2: memref<256x256xf32, #tpu.memory_space<vmem>>, %arg3: memref<625x16xi32, #tpu.memory_space<vmem>>, %arg4: memref<1x7x2000xf32, #tpu.memory_space<vmem>>, %arg5: memref<7x256xf32, #tpu.memory_space<vmem>>) attributes {dimension_semantics = [#tpu.dimension_semantics<arbitrary>], iteration_bounds = array<i64: 5>, scalar_prefetch = 0 : i64, scratch_operands = 1 : i64, tpu.core_type = #tpu.core_type<tc>, window_params = [{transform_indices = @transform_0, window_bounds = array<i64: 2000, 256>}, {pipeline_mode = #tpu.pipeline_mode<synchronous>, transform_indices = @transform_1, window_bounds = array<i64: 256, 256>}, {pipeline_mode = #tpu.pipeline_mode<synchronous>, transform_indices = @transform_2, window_bounds = array<i64: 625, 16>}, {transform_indices = @transform_3, window_bounds = array<i64: 1, 7, 2000>}]} {
    %eq3A = arith.constant 0 : i32
    %eq3A_0 = arith.cmpi eq, %arg0, %eq3A : i32
    %convert_element_type3A = arith.extui %eq3A_0 : i1 to i32
    %cond3A = arith.constant 0 : i32
    %cond3A_1 = arith.cmpi ne, %convert_element_type3A, %cond3A : i32
    scf.if %cond3A_1 {
      %get3A_25 = arith.constant 0 : index
      %get3A_26 = arith.constant 0 : index
      %get3A_27 = vector.load %arg2[%get3A_25, %get3A_26] : memref<256x256xf32, #tpu.memory_space<vmem>>, vector<256x256xf32>
      %get3A_28 = arith.constant 0 : index
      %get3A_29 = arith.constant 0 : index
      %get3A_30 = vector.load %arg3[%get3A_28, %get3A_29] : memref<625x16xi32, #tpu.memory_space<vmem>>, vector<625x16xi32>
      %slice3A_31 = vector.extract_strided_slice %get3A_27 {offsets = [0, 0], sizes = [7, 256], strides = [1, 1]} : vector<256x256xf32> to vector<7x256xf32>
      %slice3A_32 = vector.extract_strided_slice %get3A_27 {offsets = [8, 0], sizes = [7, 256], strides = [1, 1]} : vector<256x256xf32> to vector<7x256xf32>
      %add3A = arith.addf %slice3A_31, %slice3A_32 : vector<7x256xf32>
      %slice3A_33 = vector.extract_strided_slice %get3A_27 {offsets = [16, 0], sizes = [7, 256], strides = [1, 1]} : vector<256x256xf32> to vector<7x256xf32>
      %add3A_34 = arith.addf %add3A, %slice3A_33 : vector<7x256xf32>
      %slice3A_35 = vector.extract_strided_slice %get3A_27 {offsets = [24, 0], sizes = [7, 256], strides = [1, 1]} : vector<256x256xf32> to vector<7x256xf32>
      %add3A_36 = arith.addf %add3A_34, %slice3A_35 : vector<7x256xf32>
      %slice3A_37 = vector.extract_strided_slice %get3A_27 {offsets = [32, 0], sizes = [7, 256], strides = [1, 1]} : vector<256x256xf32> to vector<7x256xf32>
      %add3A_38 = arith.addf %add3A_36, %slice3A_37 : vector<7x256xf32>
      %slice3A_39 = vector.extract_strided_slice %get3A_27 {offsets = [40, 0], sizes = [7, 256], strides = [1, 1]} : vector<256x256xf32> to vector<7x256xf32>
      %add3A_40 = arith.addf %add3A_38, %slice3A_39 : vector<7x256xf32>
      %slice3A_41 = vector.extract_strided_slice %get3A_27 {offsets = [48, 0], sizes = [7, 256], strides = [1, 1]} : vector<256x256xf32> to vector<7x256xf32>
      %add3A_42 = arith.addf %add3A_40, %slice3A_41 : vector<7x256xf32>
      %slice3A_43 = vector.extract_strided_slice %get3A_27 {offsets = [56, 0], sizes = [7, 256], strides = [1, 1]} : vector<256x256xf32> to vector<7x256xf32>
      %add3A_44 = arith.addf %add3A_42, %slice3A_43 : vector<7x256xf32>
      %slice3A_45 = vector.extract_strided_slice %get3A_27 {offsets = [64, 0], sizes = [7, 256], strides = [1, 1]} : vector<256x256xf32> to vector<7x256xf32>
      %add3A_46 = arith.addf %add3A_44, %slice3A_45 : vector<7x256xf32>
      %slice3A_47 = vector.extract_strided_slice %get3A_27 {offsets = [72, 0], sizes = [7, 256], strides = [1, 1]} : vector<256x256xf32> to vector<7x256xf32>
      %add3A_48 = arith.addf %add3A_46, %slice3A_47 : vector<7x256xf32>
      %slice3A_49 = vector.extract_strided_slice %get3A_27 {offsets = [80, 0], sizes = [7, 256], strides = [1, 1]} : vector<256x256xf32> to vector<7x256xf32>
      %add3A_50 = arith.addf %add3A_48, %slice3A_49 : vector<7x256xf32>
      %slice3A_51 = vector.extract_strided_slice %get3A_27 {offsets = [88, 0], sizes = [7, 256], strides = [1, 1]} : vector<256x256xf32> to vector<7x256xf32>
      %add3A_52 = arith.addf %add3A_50, %slice3A_51 : vector<7x256xf32>
      %slice3A_53 = vector.extract_strided_slice %get3A_27 {offsets = [96, 0], sizes = [7, 256], strides = [1, 1]} : vector<256x256xf32> to vector<7x256xf32>
      %add3A_54 = arith.addf %add3A_52, %slice3A_53 : vector<7x256xf32>
      %slice3A_55 = vector.extract_strided_slice %get3A_27 {offsets = [104, 0], sizes = [7, 256], strides = [1, 1]} : vector<256x256xf32> to vector<7x256xf32>
      %add3A_56 = arith.addf %add3A_54, %slice3A_55 : vector<7x256xf32>
      %slice3A_57 = vector.extract_strided_slice %get3A_27 {offsets = [112, 0], sizes = [7, 256], strides = [1, 1]} : vector<256x256xf32> to vector<7x256xf32>
      %add3A_58 = arith.addf %add3A_56, %slice3A_57 : vector<7x256xf32>
      %slice3A_59 = vector.extract_strided_slice %get3A_27 {offsets = [120, 0], sizes = [7, 256], strides = [1, 1]} : vector<256x256xf32> to vector<7x256xf32>
      %add3A_60 = arith.addf %add3A_58, %slice3A_59 : vector<7x256xf32>
      %slice3A_61 = vector.extract_strided_slice %get3A_27 {offsets = [128, 0], sizes = [7, 256], strides = [1, 1]} : vector<256x256xf32> to vector<7x256xf32>
      %add3A_62 = arith.addf %add3A_60, %slice3A_61 : vector<7x256xf32>
      %slice3A_63 = vector.extract_strided_slice %get3A_27 {offsets = [136, 0], sizes = [7, 256], strides = [1, 1]} : vector<256x256xf32> to vector<7x256xf32>
      %add3A_64 = arith.addf %add3A_62, %slice3A_63 : vector<7x256xf32>
      %slice3A_65 = vector.extract_strided_slice %get3A_27 {offsets = [144, 0], sizes = [7, 256], strides = [1, 1]} : vector<256x256xf32> to vector<7x256xf32>
      %add3A_66 = arith.addf %add3A_64, %slice3A_65 : vector<7x256xf32>
      %slice3A_67 = vector.extract_strided_slice %get3A_27 {offsets = [152, 0], sizes = [7, 256], strides = [1, 1]} : vector<256x256xf32> to vector<7x256xf32>
      %add3A_68 = arith.addf %add3A_66, %slice3A_67 : vector<7x256xf32>
      %slice3A_69 = vector.extract_strided_slice %get3A_27 {offsets = [160, 0], sizes = [7, 256], strides = [1, 1]} : vector<256x256xf32> to vector<7x256xf32>
      %add3A_70 = arith.addf %add3A_68, %slice3A_69 : vector<7x256xf32>
      %slice3A_71 = vector.extract_strided_slice %get3A_27 {offsets = [168, 0], sizes = [7, 256], strides = [1, 1]} : vector<256x256xf32> to vector<7x256xf32>
      %add3A_72 = arith.addf %add3A_70, %slice3A_71 : vector<7x256xf32>
      %slice3A_73 = vector.extract_strided_slice %get3A_27 {offsets = [176, 0], sizes = [7, 256], strides = [1, 1]} : vector<256x256xf32> to vector<7x256xf32>
      %add3A_74 = arith.addf %add3A_72, %slice3A_73 : vector<7x256xf32>
      %slice3A_75 = vector.extract_strided_slice %get3A_27 {offsets = [184, 0], sizes = [7, 256], strides = [1, 1]} : vector<256x256xf32> to vector<7x256xf32>
      %add3A_76 = arith.addf %add3A_74, %slice3A_75 : vector<7x256xf32>
      %slice3A_77 = vector.extract_strided_slice %get3A_27 {offsets = [192, 0], sizes = [7, 256], strides = [1, 1]} : vector<256x256xf32> to vector<7x256xf32>
      %add3A_78 = arith.addf %add3A_76, %slice3A_77 : vector<7x256xf32>
      %slice3A_79 = vector.extract_strided_slice %get3A_27 {offsets = [200, 0], sizes = [7, 256], strides = [1, 1]} : vector<256x256xf32> to vector<7x256xf32>
      %add3A_80 = arith.addf %add3A_78, %slice3A_79 : vector<7x256xf32>
      %slice3A_81 = vector.extract_strided_slice %get3A_27 {offsets = [208, 0], sizes = [7, 256], strides = [1, 1]} : vector<256x256xf32> to vector<7x256xf32>
      %add3A_82 = arith.addf %add3A_80, %slice3A_81 : vector<7x256xf32>
      %slice3A_83 = vector.extract_strided_slice %get3A_27 {offsets = [216, 0], sizes = [7, 256], strides = [1, 1]} : vector<256x256xf32> to vector<7x256xf32>
      %add3A_84 = arith.addf %add3A_82, %slice3A_83 : vector<7x256xf32>
      %slice3A_85 = vector.extract_strided_slice %get3A_27 {offsets = [224, 0], sizes = [7, 256], strides = [1, 1]} : vector<256x256xf32> to vector<7x256xf32>
      %add3A_86 = arith.addf %add3A_84, %slice3A_85 : vector<7x256xf32>
      %slice3A_87 = vector.extract_strided_slice %get3A_27 {offsets = [232, 0], sizes = [7, 256], strides = [1, 1]} : vector<256x256xf32> to vector<7x256xf32>
      %add3A_88 = arith.addf %add3A_86, %slice3A_87 : vector<7x256xf32>
      %slice3A_89 = vector.extract_strided_slice %get3A_27 {offsets = [240, 0], sizes = [7, 256], strides = [1, 1]} : vector<256x256xf32> to vector<7x256xf32>
      %add3A_90 = arith.addf %add3A_88, %slice3A_89 : vector<7x256xf32>
      %slice3A_91 = vector.extract_strided_slice %get3A_27 {offsets = [248, 0], sizes = [7, 256], strides = [1, 1]} : vector<256x256xf32> to vector<7x256xf32>
      %add3A_92 = arith.addf %add3A_90, %slice3A_91 : vector<7x256xf32>
      %iota3A = tpu.iota {dimensions = array<i32: 0>} : vector<7x1xi32>
      %broadcast_in_dim3A_93 = arith.constant 0.000000e+00 : f32
      %broadcast_in_dim3A_94 = vector.broadcast %broadcast_in_dim3A_93 : f32 to vector<7x1xf32>
      %eq3A_95 = arith.constant 0 : i32
      %eq3A_96 = vector.broadcast %eq3A_95 : i32 to vector<625x16xi32>
      %eq3A_97 = arith.cmpi eq, %get3A_30, %eq3A_96 : vector<625x16xi32>
      %jit3A = arith.constant 1.000000e+00 : f32
      %jit3A_98 = arith.constant 0.000000e+00 : f32
      %broadcast_in_dim3A_99 = vector.broadcast %jit3A : f32 to vector<625x16xf32>
      %broadcast_in_dim3A_100 = vector.broadcast %jit3A_98 : f32 to vector<625x16xf32>
      %select_n3A = arith.select %eq3A_97, %broadcast_in_dim3A_99, %broadcast_in_dim3A_100 : vector<625x16xi1>, vector<625x16xf32>
      %reduce_sum3A_101 = vector.shape_cast %select_n3A : vector<625x16xf32> to vector<1x625x16xf32>
      %reduce_sum3A_102 = arith.constant dense<0.000000e+00> : vector<1xf32>
      %reduce_sum3A_103 = vector.multi_reduction <add>, %reduce_sum3A_101, %reduce_sum3A_102 [1, 2] : vector<1x625x16xf32> to vector<1xf32>
      %reduce_sum3A_104 = vector.shape_cast %reduce_sum3A_103 : vector<1xf32> to vector<1x1x1xf32>
      %reduce_sum3A_105 = vector.extract %reduce_sum3A_104[0, 0, 0] : f32 from vector<1x1x1xf32>
      %eq3A_106 = arith.constant 0 : i32
      %eq3A_107 = vector.broadcast %eq3A_106 : i32 to vector<7x1xi32>
      %eq3A_108 = arith.cmpi eq, %iota3A, %eq3A_107 : vector<7x1xi32>
      %jit3A_109 = arith.constant 0.000000e+00 : f32
      %broadcast_in_dim3A_110 = vector.broadcast %reduce_sum3A_105 : f32 to vector<7x1xf32>
      %broadcast_in_dim3A_111 = vector.broadcast %jit3A_109 : f32 to vector<7x1xf32>
      %select_n3A_112 = arith.select %eq3A_108, %broadcast_in_dim3A_110, %broadcast_in_dim3A_111 : vector<7x1xi1>, vector<7x1xf32>
      %add3A_113 = arith.addf %broadcast_in_dim3A_94, %select_n3A_112 : vector<7x1xf32>
      %eq3A_114 = arith.constant 1 : i32
      %eq3A_115 = vector.broadcast %eq3A_114 : i32 to vector<625x16xi32>
      %eq3A_116 = arith.cmpi eq, %get3A_30, %eq3A_115 : vector<625x16xi32>
      %jit3A_117 = arith.constant 1.000000e+00 : f32
      %jit3A_118 = arith.constant 0.000000e+00 : f32
      %broadcast_in_dim3A_119 = vector.broadcast %jit3A_117 : f32 to vector<625x16xf32>
      %broadcast_in_dim3A_120 = vector.broadcast %jit3A_118 : f32 to vector<625x16xf32>
      %select_n3A_121 = arith.select %eq3A_116, %broadcast_in_dim3A_119, %broadcast_in_dim3A_120 : vector<625x16xi1>, vector<625x16xf32>
      %reduce_sum3A_122 = vector.shape_cast %select_n3A_121 : vector<625x16xf32> to vector<1x625x16xf32>
      %reduce_sum3A_123 = arith.constant dense<0.000000e+00> : vector<1xf32>
      %reduce_sum3A_124 = vector.multi_reduction <add>, %reduce_sum3A_122, %reduce_sum3A_123 [1, 2] : vector<1x625x16xf32> to vector<1xf32>
      %reduce_sum3A_125 = vector.shape_cast %reduce_sum3A_124 : vector<1xf32> to vector<1x1x1xf32>
      %reduce_sum3A_126 = vector.extract %reduce_sum3A_125[0, 0, 0] : f32 from vector<1x1x1xf32>
      %eq3A_127 = arith.constant 1 : i32
      %eq3A_128 = vector.broadcast %eq3A_127 : i32 to vector<7x1xi32>
      %eq3A_129 = arith.cmpi eq, %iota3A, %eq3A_128 : vector<7x1xi32>
      %jit3A_130 = arith.constant 0.000000e+00 : f32
      %broadcast_in_dim3A_131 = vector.broadcast %reduce_sum3A_126 : f32 to vector<7x1xf32>
      %broadcast_in_dim3A_132 = vector.broadcast %jit3A_130 : f32 to vector<7x1xf32>
      %select_n3A_133 = arith.select %eq3A_129, %broadcast_in_dim3A_131, %broadcast_in_dim3A_132 : vector<7x1xi1>, vector<7x1xf32>
      %add3A_134 = arith.addf %add3A_113, %select_n3A_133 : vector<7x1xf32>
      %eq3A_135 = arith.constant 2 : i32
      %eq3A_136 = vector.broadcast %eq3A_135 : i32 to vector<625x16xi32>
      %eq3A_137 = arith.cmpi eq, %get3A_30, %eq3A_136 : vector<625x16xi32>
      %jit3A_138 = arith.constant 1.000000e+00 : f32
      %jit3A_139 = arith.constant 0.000000e+00 : f32
      %broadcast_in_dim3A_140 = vector.broadcast %jit3A_138 : f32 to vector<625x16xf32>
      %broadcast_in_dim3A_141 = vector.broadcast %jit3A_139 : f32 to vector<625x16xf32>
      %select_n3A_142 = arith.select %eq3A_137, %broadcast_in_dim3A_140, %broadcast_in_dim3A_141 : vector<625x16xi1>, vector<625x16xf32>
      %reduce_sum3A_143 = vector.shape_cast %select_n3A_142 : vector<625x16xf32> to vector<1x625x16xf32>
      %reduce_sum3A_144 = arith.constant dense<0.000000e+00> : vector<1xf32>
      %reduce_sum3A_145 = vector.multi_reduction <add>, %reduce_sum3A_143, %reduce_sum3A_144 [1, 2] : vector<1x625x16xf32> to vector<1xf32>
      %reduce_sum3A_146 = vector.shape_cast %reduce_sum3A_145 : vector<1xf32> to vector<1x1x1xf32>
      %reduce_sum3A_147 = vector.extract %reduce_sum3A_146[0, 0, 0] : f32 from vector<1x1x1xf32>
      %eq3A_148 = arith.constant 2 : i32
      %eq3A_149 = vector.broadcast %eq3A_148 : i32 to vector<7x1xi32>
      %eq3A_150 = arith.cmpi eq, %iota3A, %eq3A_149 : vector<7x1xi32>
      %jit3A_151 = arith.constant 0.000000e+00 : f32
      %broadcast_in_dim3A_152 = vector.broadcast %reduce_sum3A_147 : f32 to vector<7x1xf32>
      %broadcast_in_dim3A_153 = vector.broadcast %jit3A_151 : f32 to vector<7x1xf32>
      %select_n3A_154 = arith.select %eq3A_150, %broadcast_in_dim3A_152, %broadcast_in_dim3A_153 : vector<7x1xi1>, vector<7x1xf32>
      %add3A_155 = arith.addf %add3A_134, %select_n3A_154 : vector<7x1xf32>
      %eq3A_156 = arith.constant 3 : i32
      %eq3A_157 = vector.broadcast %eq3A_156 : i32 to vector<625x16xi32>
      %eq3A_158 = arith.cmpi eq, %get3A_30, %eq3A_157 : vector<625x16xi32>
      %jit3A_159 = arith.constant 1.000000e+00 : f32
      %jit3A_160 = arith.constant 0.000000e+00 : f32
      %broadcast_in_dim3A_161 = vector.broadcast %jit3A_159 : f32 to vector<625x16xf32>
      %broadcast_in_dim3A_162 = vector.broadcast %jit3A_160 : f32 to vector<625x16xf32>
      %select_n3A_163 = arith.select %eq3A_158, %broadcast_in_dim3A_161, %broadcast_in_dim3A_162 : vector<625x16xi1>, vector<625x16xf32>
      %reduce_sum3A_164 = vector.shape_cast %select_n3A_163 : vector<625x16xf32> to vector<1x625x16xf32>
      %reduce_sum3A_165 = arith.constant dense<0.000000e+00> : vector<1xf32>
      %reduce_sum3A_166 = vector.multi_reduction <add>, %reduce_sum3A_164, %reduce_sum3A_165 [1, 2] : vector<1x625x16xf32> to vector<1xf32>
      %reduce_sum3A_167 = vector.shape_cast %reduce_sum3A_166 : vector<1xf32> to vector<1x1x1xf32>
      %reduce_sum3A_168 = vector.extract %reduce_sum3A_167[0, 0, 0] : f32 from vector<1x1x1xf32>
      %eq3A_169 = arith.constant 3 : i32
      %eq3A_170 = vector.broadcast %eq3A_169 : i32 to vector<7x1xi32>
      %eq3A_171 = arith.cmpi eq, %iota3A, %eq3A_170 : vector<7x1xi32>
      %jit3A_172 = arith.constant 0.000000e+00 : f32
      %broadcast_in_dim3A_173 = vector.broadcast %reduce_sum3A_168 : f32 to vector<7x1xf32>
      %broadcast_in_dim3A_174 = vector.broadcast %jit3A_172 : f32 to vector<7x1xf32>
      %select_n3A_175 = arith.select %eq3A_171, %broadcast_in_dim3A_173, %broadcast_in_dim3A_174 : vector<7x1xi1>, vector<7x1xf32>
      %add3A_176 = arith.addf %add3A_155, %select_n3A_175 : vector<7x1xf32>
      %eq3A_177 = arith.constant 4 : i32
      %eq3A_178 = vector.broadcast %eq3A_177 : i32 to vector<625x16xi32>
      %eq3A_179 = arith.cmpi eq, %get3A_30, %eq3A_178 : vector<625x16xi32>
      %jit3A_180 = arith.constant 1.000000e+00 : f32
      %jit3A_181 = arith.constant 0.000000e+00 : f32
      %broadcast_in_dim3A_182 = vector.broadcast %jit3A_180 : f32 to vector<625x16xf32>
      %broadcast_in_dim3A_183 = vector.broadcast %jit3A_181 : f32 to vector<625x16xf32>
      %select_n3A_184 = arith.select %eq3A_179, %broadcast_in_dim3A_182, %broadcast_in_dim3A_183 : vector<625x16xi1>, vector<625x16xf32>
      %reduce_sum3A_185 = vector.shape_cast %select_n3A_184 : vector<625x16xf32> to vector<1x625x16xf32>
      %reduce_sum3A_186 = arith.constant dense<0.000000e+00> : vector<1xf32>
      %reduce_sum3A_187 = vector.multi_reduction <add>, %reduce_sum3A_185, %reduce_sum3A_186 [1, 2] : vector<1x625x16xf32> to vector<1xf32>
      %reduce_sum3A_188 = vector.shape_cast %reduce_sum3A_187 : vector<1xf32> to vector<1x1x1xf32>
      %reduce_sum3A_189 = vector.extract %reduce_sum3A_188[0, 0, 0] : f32 from vector<1x1x1xf32>
      %eq3A_190 = arith.constant 4 : i32
      %eq3A_191 = vector.broadcast %eq3A_190 : i32 to vector<7x1xi32>
      %eq3A_192 = arith.cmpi eq, %iota3A, %eq3A_191 : vector<7x1xi32>
      %jit3A_193 = arith.constant 0.000000e+00 : f32
      %broadcast_in_dim3A_194 = vector.broadcast %reduce_sum3A_189 : f32 to vector<7x1xf32>
      %broadcast_in_dim3A_195 = vector.broadcast %jit3A_193 : f32 to vector<7x1xf32>
      %select_n3A_196 = arith.select %eq3A_192, %broadcast_in_dim3A_194, %broadcast_in_dim3A_195 : vector<7x1xi1>, vector<7x1xf32>
      %add3A_197 = arith.addf %add3A_176, %select_n3A_196 : vector<7x1xf32>
      %eq3A_198 = arith.constant 5 : i32
      %eq3A_199 = vector.broadcast %eq3A_198 : i32 to vector<625x16xi32>
      %eq3A_200 = arith.cmpi eq, %get3A_30, %eq3A_199 : vector<625x16xi32>
      %jit3A_201 = arith.constant 1.000000e+00 : f32
      %jit3A_202 = arith.constant 0.000000e+00 : f32
      %broadcast_in_dim3A_203 = vector.broadcast %jit3A_201 : f32 to vector<625x16xf32>
      %broadcast_in_dim3A_204 = vector.broadcast %jit3A_202 : f32 to vector<625x16xf32>
      %select_n3A_205 = arith.select %eq3A_200, %broadcast_in_dim3A_203, %broadcast_in_dim3A_204 : vector<625x16xi1>, vector<625x16xf32>
      %reduce_sum3A_206 = vector.shape_cast %select_n3A_205 : vector<625x16xf32> to vector<1x625x16xf32>
      %reduce_sum3A_207 = arith.constant dense<0.000000e+00> : vector<1xf32>
      %reduce_sum3A_208 = vector.multi_reduction <add>, %reduce_sum3A_206, %reduce_sum3A_207 [1, 2] : vector<1x625x16xf32> to vector<1xf32>
      %reduce_sum3A_209 = vector.shape_cast %reduce_sum3A_208 : vector<1xf32> to vector<1x1x1xf32>
      %reduce_sum3A_210 = vector.extract %reduce_sum3A_209[0, 0, 0] : f32 from vector<1x1x1xf32>
      %eq3A_211 = arith.constant 5 : i32
      %eq3A_212 = vector.broadcast %eq3A_211 : i32 to vector<7x1xi32>
      %eq3A_213 = arith.cmpi eq, %iota3A, %eq3A_212 : vector<7x1xi32>
      %jit3A_214 = arith.constant 0.000000e+00 : f32
      %broadcast_in_dim3A_215 = vector.broadcast %reduce_sum3A_210 : f32 to vector<7x1xf32>
      %broadcast_in_dim3A_216 = vector.broadcast %jit3A_214 : f32 to vector<7x1xf32>
      %select_n3A_217 = arith.select %eq3A_213, %broadcast_in_dim3A_215, %broadcast_in_dim3A_216 : vector<7x1xi1>, vector<7x1xf32>
      %add3A_218 = arith.addf %add3A_197, %select_n3A_217 : vector<7x1xf32>
      %eq3A_219 = arith.constant 6 : i32
      %eq3A_220 = vector.broadcast %eq3A_219 : i32 to vector<625x16xi32>
      %eq3A_221 = arith.cmpi eq, %get3A_30, %eq3A_220 : vector<625x16xi32>
      %jit3A_222 = arith.constant 1.000000e+00 : f32
      %jit3A_223 = arith.constant 0.000000e+00 : f32
      %broadcast_in_dim3A_224 = vector.broadcast %jit3A_222 : f32 to vector<625x16xf32>
      %broadcast_in_dim3A_225 = vector.broadcast %jit3A_223 : f32 to vector<625x16xf32>
      %select_n3A_226 = arith.select %eq3A_221, %broadcast_in_dim3A_224, %broadcast_in_dim3A_225 : vector<625x16xi1>, vector<625x16xf32>
      %reduce_sum3A_227 = vector.shape_cast %select_n3A_226 : vector<625x16xf32> to vector<1x625x16xf32>
      %reduce_sum3A_228 = arith.constant dense<0.000000e+00> : vector<1xf32>
      %reduce_sum3A_229 = vector.multi_reduction <add>, %reduce_sum3A_227, %reduce_sum3A_228 [1, 2] : vector<1x625x16xf32> to vector<1xf32>
      %reduce_sum3A_230 = vector.shape_cast %reduce_sum3A_229 : vector<1xf32> to vector<1x1x1xf32>
      %reduce_sum3A_231 = vector.extract %reduce_sum3A_230[0, 0, 0] : f32 from vector<1x1x1xf32>
      %eq3A_232 = arith.constant 6 : i32
      %eq3A_233 = vector.broadcast %eq3A_232 : i32 to vector<7x1xi32>
      %eq3A_234 = arith.cmpi eq, %iota3A, %eq3A_233 : vector<7x1xi32>
      %jit3A_235 = arith.constant 0.000000e+00 : f32
      %broadcast_in_dim3A_236 = vector.broadcast %reduce_sum3A_231 : f32 to vector<7x1xf32>
      %broadcast_in_dim3A_237 = vector.broadcast %jit3A_235 : f32 to vector<7x1xf32>
      %select_n3A_238 = arith.select %eq3A_234, %broadcast_in_dim3A_236, %broadcast_in_dim3A_237 : vector<7x1xi1>, vector<7x1xf32>
      %add3A_239 = arith.addf %add3A_218, %select_n3A_238 : vector<7x1xf32>
      %max3A_240 = arith.constant 1.000000e+00 : f32
      %max3A_241 = vector.broadcast %max3A_240 : f32 to vector<7x1xf32>
      %max3A_242 = arith.maximumf %add3A_239, %max3A_241 : vector<7x1xf32>
      %div3A_243 = vector.broadcast %max3A_242 : vector<7x1xf32> to vector<7x256xf32>
      %div3A_244 = arith.divf %add3A_92, %div3A_243 : vector<7x256xf32>
      %mul3A_245 = arith.mulf %div3A_244, %div3A_244 : vector<7x256xf32>
      %reduce_sum3A_246 = arith.constant dense<0.000000e+00> : vector<7xf32>
      %reduce_sum3A_247 = vector.multi_reduction <add>, %mul3A_245, %reduce_sum3A_246 [1] : vector<7x256xf32> to vector<7xf32>
      %broadcast_in_dim3A_248 = vector.shape_cast %reduce_sum3A_247 : vector<7xf32> to vector<7x1xf32>
      %sqrt3A_249 = math.sqrt %broadcast_in_dim3A_248 : vector<7x1xf32>
      %max3A_250 = arith.constant 9.99999993E-9 : f32
      %max3A_251 = vector.broadcast %max3A_250 : f32 to vector<7x1xf32>
      %max3A_252 = arith.maximumf %sqrt3A_249, %max3A_251 : vector<7x1xf32>
      %div3A_253 = vector.broadcast %max3A_252 : vector<7x1xf32> to vector<7x256xf32>
      %div3A_254 = arith.divf %div3A_244, %div3A_253 : vector<7x256xf32>
      %swap3A_255 = arith.constant 0 : index
      %swap3A_256 = arith.constant 0 : index
      %swap3A_257 = vector.load %arg5[%swap3A_255, %swap3A_256] : memref<7x256xf32, #tpu.memory_space<vmem>>, vector<7x256xf32>
      tpu.vector_store %arg5[%swap3A_255, %swap3A_256], %div3A_254 {strides = array<i32>} : memref<7x256xf32, #tpu.memory_space<vmem>>, vector<7x256xf32>,
    } else {
    }
    %get3A = arith.constant 0 : index
    %get3A_2 = arith.constant 0 : index
    %get3A_3 = vector.load %arg1[%get3A, %get3A_2] : memref<2000x256xf32, #tpu.memory_space<vmem>>, vector<2000x256xf32>
    %get3A_4 = arith.constant 0 : index
    %get3A_5 = arith.constant 0 : index
    %get3A_6 = vector.load %arg5[%get3A_4, %get3A_5] : memref<7x256xf32, #tpu.memory_space<vmem>>, vector<7x256xf32>
    %broadcast_in_dim3A = arith.constant 1.000000e+00 : f32
    %broadcast_in_dim3A_7 = vector.broadcast %broadcast_in_dim3A : f32 to vector<8x256xf32>
    %mul3A = arith.mulf %get3A_3, %get3A_3 : vector<2000x256xf32>
    %dot_general3A = arith.constant dense<0.000000e+00> : vector<8x2000xf32>
    %dot_general3A_8 = tpu.matmul %broadcast_in_dim3A_7, %mul3A, %dot_general3A {dimension_numbers = #tpu.dot_dimension_numbers<[1], [1], [0], [0], [0, 0, 1, 0], [], []>, transpose_lhs_hint = false} : vector<8x256xf32>, vector<2000x256xf32>, vector<8x2000xf32> -> vector<8x2000xf32>
    %slice3A = vector.extract_strided_slice %dot_general3A_8 {offsets = [0, 0], sizes = [1, 2000], strides = [1, 1]} : vector<8x2000xf32> to vector<1x2000xf32>
    %sqrt3A = math.sqrt %slice3A : vector<1x2000xf32>
    %max3A = arith.constant 9.99999993E-9 : f32
    %max3A_9 = vector.broadcast %max3A : f32 to vector<1x2000xf32>
    %max3A_10 = arith.maximumf %sqrt3A, %max3A_9 : vector<1x2000xf32>
    %dot_general3A_11 = arith.constant dense<0.000000e+00> : vector<7x2000xf32>
    %dot_general3A_12 = tpu.matmul %get3A_6, %get3A_3, %dot_general3A_11 {dimension_numbers = #tpu.dot_dimension_numbers<[1], [1], [0], [0], [0, 0, 1, 0], [], []>, transpose_lhs_hint = false} : vector<7x256xf32>, vector<2000x256xf32>, vector<7x2000xf32> -> vector<7x2000xf32>
    %div3A = vector.broadcast %max3A_10 : vector<1x2000xf32> to vector<7x2000xf32>
    %div3A_13 = arith.divf %dot_general3A_12, %div3A : vector<7x2000xf32>
    %reduce_max3A = arith.constant dense<0xFF800000> : vector<2000xf32>
    %reduce_max3A_14 = vector.multi_reduction <maximumf>, %div3A_13, %reduce_max3A [0] : vector<7x2000xf32> to vector<2000xf32>
    %broadcast_in_dim3A_15 = vector.shape_cast %reduce_max3A_14 : vector<2000xf32> to vector<1x2000xf32>
    %sub3A = vector.broadcast %broadcast_in_dim3A_15 : vector<1x2000xf32> to vector<7x2000xf32>
    %sub3A_16 = arith.subf %div3A_13, %sub3A : vector<7x2000xf32>
    %exp3A = math.exp %sub3A_16 : vector<7x2000xf32>
    %reduce_sum3A = arith.constant dense<0.000000e+00> : vector<2000xf32>
    %reduce_sum3A_17 = vector.multi_reduction <add>, %exp3A, %reduce_sum3A [0] : vector<7x2000xf32> to vector<2000xf32>
    %broadcast_in_dim3A_18 = vector.shape_cast %reduce_sum3A_17 : vector<2000xf32> to vector<1x2000xf32>
    %div3A_19 = vector.broadcast %broadcast_in_dim3A_18 : vector<1x2000xf32> to vector<7x2000xf32>
    %div3A_20 = arith.divf %exp3A, %div3A_19 : vector<7x2000xf32>
    %broadcast_in_dim3A_21 = vector.shape_cast %div3A_20 : vector<7x2000xf32> to vector<1x7x2000xf32>
    %swap3A = arith.constant 0 : index
    %swap3A_22 = arith.constant 0 : index
    %swap3A_23 = arith.constant 0 : index
    %swap3A_24 = vector.load %arg4[%swap3A, %swap3A_22, %swap3A_23] : memref<1x7x2000xf32, #tpu.memory_space<vmem>>, vector<1x7x2000xf32>
    tpu.vector_store %arg4[%swap3A, %swap3A_22, %swap3A_23], %broadcast_in_dim3A_21 {strides = array<i32>} : memref<1x7x2000xf32, #tpu.memory_space<vmem>>, vector<1x7x2000xf32>,
    return
  }
  func.func @transform_0(%arg0: i32) -> (i32, i32) {
    %c0_i32 = arith.constant 0 : i32
    %c0_i32_0 = arith.constant 0 : i32
    return %arg0, %c0_i32 : i32, i32
  }
  func.func @transform_1(%arg0: i32) -> (i32, i32) {
    %c0_i32 = arith.constant 0 : i32
    %c0_i32_0 = arith.constant 0 : i32
    %c0_i32_1 = arith.constant 0 : i32
    return %c0_i32, %c0_i32_0 : i32, i32
  }
  func.func @transform_2(%arg0: i32) -> (i32, i32) {
    %c0_i32 = arith.constant 0 : i32
    %c0_i32_0 = arith.constant 0 : i32
    %c0_i32_1 = arith.constant 0 : i32
    return %c0_i32, %c0_i32_0 : i32, i32
  }
  func.func @transform_3(%arg0: i32) -> (i32, i32, i32) {
    %c0_i32 = arith.constant 0 : i32
    %c0_i32_0 = arith.constant 0 : i32
    %c0_i32_1 = arith.constant 0 : i32
    return %arg0, %c0_i32, %c0_i32_0 : i32, i32, i32
  }
}

module attributes {stable_mosaic.version = 14 : i64} {
  func.func @_ew_body(%arg0: i32, %arg1: memref<2000x256xf32, #tpu.memory_space<vmem>>, %arg2: memref<2000x256xf32, #tpu.memory_space<vmem>>, %arg3: memref<1x256xf32, #tpu.memory_space<vmem>>, %arg4: memref<1x256xf32, #tpu.memory_space<vmem>>, %arg5: memref<1x256xf32, #tpu.memory_space<vmem>>, %arg6: memref<1x3xf32, #tpu.memory_space<vmem>>, %arg7: memref<1x2xf32, #tpu.memory_space<vmem>>, %arg8: memref<1x256xf32, #tpu.memory_space<vmem>>, %arg9: memref<2000x256xf32, #tpu.memory_space<vmem>>) attributes {dimension_semantics = [#tpu.dimension_semantics<arbitrary>], iteration_bounds = array<i64: 5>, scalar_prefetch = 0 : i64, scratch_operands = 0 : i64, tpu.core_type = #tpu.core_type<tc>, window_params = [{transform_indices = @transform_0, window_bounds = array<i64: 2000, 256>}, {transform_indices = @transform_1, window_bounds = array<i64: 2000, 256>}, {pipeline_mode = #tpu.pipeline_mode<synchronous>, transform_indices = @transform_2, window_bounds = array<i64: 1, 256>}, {pipeline_mode = #tpu.pipeline_mode<synchronous>, transform_indices = @transform_3, window_bounds = array<i64: 1, 256>}, {pipeline_mode = #tpu.pipeline_mode<synchronous>, transform_indices = @transform_4, window_bounds = array<i64: 1, 256>}, {pipeline_mode = #tpu.pipeline_mode<synchronous>, transform_indices = @transform_5, window_bounds = array<i64: 1, 3>}, {pipeline_mode = #tpu.pipeline_mode<synchronous>, transform_indices = @transform_6, window_bounds = array<i64: 1, 2>}, {pipeline_mode = #tpu.pipeline_mode<synchronous>, transform_indices = @transform_7, window_bounds = array<i64: 1, 256>}, {transform_indices = @transform_8, window_bounds = array<i64: 2000, 256>}]} {
    %get3A = arith.constant 0 : index
    %get3A_0 = arith.constant 0 : index
    %get3A_1 = vector.load %arg6[%get3A, %get3A_0] : memref<1x3xf32, #tpu.memory_space<vmem>>, vector<1x1xf32>
    %get3A_2 = vector.extract %get3A_1[0, 0] : f32 from vector<1x1xf32>
    %get3A_3 = arith.constant 0 : index
    %get3A_4 = arith.constant 1 : index
    %get3A_5 = vector.load %arg6[%get3A_3, %get3A_4] : memref<1x3xf32, #tpu.memory_space<vmem>>, vector<1x1xf32>
    %get3A_6 = vector.extract %get3A_5[0, 0] : f32 from vector<1x1xf32>
    %get3A_7 = arith.constant 0 : index
    %get3A_8 = arith.constant 2 : index
    %get3A_9 = vector.load %arg6[%get3A_7, %get3A_8] : memref<1x3xf32, #tpu.memory_space<vmem>>, vector<1x1xf32>
    %get3A_10 = vector.extract %get3A_9[0, 0] : f32 from vector<1x1xf32>
    %get3A_11 = arith.constant 0 : index
    %get3A_12 = arith.constant 0 : index
    %get3A_13 = vector.load %arg7[%get3A_11, %get3A_12] : memref<1x2xf32, #tpu.memory_space<vmem>>, vector<1x1xf32>
    %get3A_14 = vector.extract %get3A_13[0, 0] : f32 from vector<1x1xf32>
    %get3A_15 = arith.constant 0 : index
    %get3A_16 = arith.constant 1 : index
    %get3A_17 = vector.load %arg7[%get3A_15, %get3A_16] : memref<1x2xf32, #tpu.memory_space<vmem>>, vector<1x1xf32>
    %get3A_18 = vector.extract %get3A_17[0, 0] : f32 from vector<1x1xf32>
    %get3A_19 = arith.constant 0 : index
    %get3A_20 = arith.constant 0 : index
    %get3A_21 = vector.load %arg3[%get3A_19, %get3A_20] : memref<1x256xf32, #tpu.memory_space<vmem>>, vector<1x256xf32>
    %mul3A = vector.broadcast %get3A_2 : f32 to vector<1x256xf32>
    %mul3A_22 = arith.mulf %mul3A, %get3A_21 : vector<1x256xf32>
    %get3A_23 = arith.constant 0 : index
    %get3A_24 = arith.constant 0 : index
    %get3A_25 = vector.load %arg4[%get3A_23, %get3A_24] : memref<1x256xf32, #tpu.memory_space<vmem>>, vector<1x256xf32>
    %mul3A_26 = vector.broadcast %get3A_6 : f32 to vector<1x256xf32>
    %mul3A_27 = arith.mulf %mul3A_26, %get3A_25 : vector<1x256xf32>
    %add3A = arith.addf %mul3A_22, %mul3A_27 : vector<1x256xf32>
    %get3A_28 = arith.constant 0 : index
    %get3A_29 = arith.constant 0 : index
    %get3A_30 = vector.load %arg5[%get3A_28, %get3A_29] : memref<1x256xf32, #tpu.memory_space<vmem>>, vector<1x256xf32>
    %mul3A_31 = vector.broadcast %get3A_10 : f32 to vector<1x256xf32>
    %mul3A_32 = arith.mulf %mul3A_31, %get3A_30 : vector<1x256xf32>
    %add3A_33 = arith.addf %add3A, %mul3A_32 : vector<1x256xf32>
    %min3A = arith.constant 0.000000e+00 : f32
    %min3A_34 = vector.broadcast %min3A : f32 to vector<1x256xf32>
    %min3A_35 = arith.minimumf %add3A_33, %min3A_34 : vector<1x256xf32>
    %exp3A = math.exp %min3A_35 : vector<1x256xf32>
    %sub3A = arith.constant 1.000000e+00 : f32
    %sub3A_36 = vector.broadcast %sub3A : f32 to vector<1x256xf32>
    %sub3A_37 = arith.subf %exp3A, %sub3A_36 : vector<1x256xf32>
    %gt3A = arith.constant 0.000000e+00 : f32
    %gt3A_38 = vector.broadcast %gt3A : f32 to vector<1x256xf32>
    %gt3A_39 = arith.cmpf ogt, %add3A_33, %gt3A_38 : vector<1x256xf32>
    %select_n3A = arith.select %gt3A_39, %add3A_33, %sub3A_37 : vector<1x256xi1>, vector<1x256xf32>
    %add3A_40 = arith.constant 1.000000e+00 : f32
    %add3A_41 = vector.broadcast %add3A_40 : f32 to vector<1x256xf32>
    %add3A_42 = arith.addf %add3A_41, %select_n3A : vector<1x256xf32>
    %mul3A_43 = vector.broadcast %get3A_14 : f32 to vector<1x256xf32>
    %mul3A_44 = arith.mulf %mul3A_43, %add3A_42 : vector<1x256xf32>
    %get3A_45 = arith.constant 0 : index
    %get3A_46 = arith.constant 0 : index
    %get3A_47 = vector.load %arg8[%get3A_45, %get3A_46] : memref<1x256xf32, #tpu.memory_space<vmem>>, vector<1x256xf32>
    %mul3A_48 = vector.broadcast %get3A_18 : f32 to vector<1x256xf32>
    %mul3A_49 = arith.mulf %mul3A_48, %get3A_47 : vector<1x256xf32>
    %add3A_50 = arith.addf %mul3A_44, %mul3A_49 : vector<1x256xf32>
    %get3A_51 = arith.constant 0 : index
    %get3A_52 = arith.constant 0 : index
    %get3A_53 = vector.load %arg1[%get3A_51, %get3A_52] : memref<2000x256xf32, #tpu.memory_space<vmem>>, vector<2000x256xf32>
    %mul3A_54 = vector.broadcast %add3A_50 : vector<1x256xf32> to vector<2000x256xf32>
    %mul3A_55 = arith.mulf %get3A_53, %mul3A_54 : vector<2000x256xf32>
    %min3A_56 = arith.constant 0.000000e+00 : f32
    %min3A_57 = vector.broadcast %min3A_56 : f32 to vector<2000x256xf32>
    %min3A_58 = arith.minimumf %mul3A_55, %min3A_57 : vector<2000x256xf32>
    %exp3A_59 = math.exp %min3A_58 : vector<2000x256xf32>
    %sub3A_60 = arith.constant 1.000000e+00 : f32
    %sub3A_61 = vector.broadcast %sub3A_60 : f32 to vector<2000x256xf32>
    %sub3A_62 = arith.subf %exp3A_59, %sub3A_61 : vector<2000x256xf32>
    %gt3A_63 = arith.constant 0.000000e+00 : f32
    %gt3A_64 = vector.broadcast %gt3A_63 : f32 to vector<2000x256xf32>
    %gt3A_65 = arith.cmpf ogt, %mul3A_55, %gt3A_64 : vector<2000x256xf32>
    %select_n3A_66 = arith.select %gt3A_65, %mul3A_55, %sub3A_62 : vector<2000x256xi1>, vector<2000x256xf32>
    %get3A_67 = arith.constant 0 : index
    %get3A_68 = arith.constant 0 : index
    %get3A_69 = vector.load %arg2[%get3A_67, %get3A_68] : memref<2000x256xf32, #tpu.memory_space<vmem>>, vector<2000x256xf32>
    %mul3A_70 = arith.constant 1.000000e-01 : f32
    %mul3A_71 = vector.broadcast %mul3A_70 : f32 to vector<2000x256xf32>
    %mul3A_72 = arith.mulf %mul3A_71, %get3A_69 : vector<2000x256xf32>
    %add3A_73 = arith.addf %select_n3A_66, %mul3A_72 : vector<2000x256xf32>
    %swap3A = arith.constant 0 : index
    %swap3A_74 = arith.constant 0 : index
    %swap3A_75 = vector.load %arg9[%swap3A, %swap3A_74] : memref<2000x256xf32, #tpu.memory_space<vmem>>, vector<2000x256xf32>
    tpu.vector_store %arg9[%swap3A, %swap3A_74], %add3A_73 {strides = array<i32>} : memref<2000x256xf32, #tpu.memory_space<vmem>>, vector<2000x256xf32>,
    return
  }
  func.func @transform_0(%arg0: i32) -> (i32, i32) {
    %c0_i32 = arith.constant 0 : i32
    %c0_i32_0 = arith.constant 0 : i32
    return %arg0, %c0_i32 : i32, i32
  }
  func.func @transform_1(%arg0: i32) -> (i32, i32) {
    %c0_i32 = arith.constant 0 : i32
    %c0_i32_0 = arith.constant 0 : i32
    return %arg0, %c0_i32 : i32, i32
  }
  func.func @transform_2(%arg0: i32) -> (i32, i32) {
    %c0_i32 = arith.constant 0 : i32
    %c0_i32_0 = arith.constant 0 : i32
    %c0_i32_1 = arith.constant 0 : i32
    return %c0_i32, %c0_i32_0 : i32, i32
  }
  func.func @transform_3(%arg0: i32) -> (i32, i32) {
    %c0_i32 = arith.constant 0 : i32
    %c0_i32_0 = arith.constant 0 : i32
    %c0_i32_1 = arith.constant 0 : i32
    return %c0_i32, %c0_i32_0 : i32, i32
  }
  func.func @transform_4(%arg0: i32) -> (i32, i32) {
    %c0_i32 = arith.constant 0 : i32
    %c0_i32_0 = arith.constant 0 : i32
    %c0_i32_1 = arith.constant 0 : i32
    return %c0_i32, %c0_i32_0 : i32, i32
  }
  func.func @transform_5(%arg0: i32) -> (i32, i32) {
    %c0_i32 = arith.constant 0 : i32
    %c0_i32_0 = arith.constant 0 : i32
    %c0_i32_1 = arith.constant 0 : i32
    return %c0_i32, %c0_i32_0 : i32, i32
  }
  func.func @transform_6(%arg0: i32) -> (i32, i32) {
    %c0_i32 = arith.constant 0 : i32
    %c0_i32_0 = arith.constant 0 : i32
    %c0_i32_1 = arith.constant 0 : i32
    return %c0_i32, %c0_i32_0 : i32, i32
  }
  func.func @transform_7(%arg0: i32) -> (i32, i32) {
    %c0_i32 = arith.constant 0 : i32
    %c0_i32_0 = arith.constant 0 : i32
    %c0_i32_1 = arith.constant 0 : i32
    return %c0_i32, %c0_i32_0 : i32, i32
  }
  func.func @transform_8(%arg0: i32) -> (i32, i32) {
    %c0_i32 = arith.constant 0 : i32
    %c0_i32_0 = arith.constant 0 : i32
    return %arg0, %c0_i32 : i32, i32
  }
}

</mosaic_0001>

<sc_bundles>
// kernel: kernel.5.cloned.1.call-start
scs
__scs_entry_jumppad:
0x0: {  	(pc) =	sbr.rel $0x88, $3  }
0x1: {  	(tag) =	ssettag $0x0;
	lr =	simm.s32 $0x1  }
0x2: {  	[smem:$0x3F98] =	sst lr;
	_ =	strace $0xD0000000  }
0x3: {  	_ = 	snop  }
0x4: {  	_ = 	snop  }
0x5: {  	_ = 	snop  }
0x6: {  	_ = 	snop  }
0x7: {  	_ = 	snop  }
__scs_overlays_trampoline_lowered:
0x8: {  	[smem:$0x3FA7] =	sst s0  }
0x9: {  	[smem:$0x3FA8] =	sst s1  }
0xa: {  	[smem:$0x3FA9] =	sst s2  }
0xb: {  	[smem:$0x3FAA] =	sst s3  }
0xc: {  	[smem:$0x3FAB] =	sst s4  }
0xd: {  	[smem:$0x3FAC] =	sst s5  }
0xe: {  	[smem:$0x3FAD] =	sst s6  }
0xf: {  	[smem:$0x3FAE] =	sst s7  }
0x10: {  	[smem:$0x3FAF] =	sst s8  }
0x11: {  	[smem:$0x3FB0] =	sst s9;
	s0 =	simm.s32 @!p0 $0x0  }
0x12: {  	s1 =	sld [smem:$0x3F96];
	s0 =	simm.s32 @p0 $0x1  }
0x13: {  	[smem:$0x3FB1] =	sst s0;
	s0 =	simm.s32 @!p1 $0x0  }
0x14: {  	s2 =	sld [smem:$0x3F95];
	s0 =	simm.s32 @p1 $0x1  }
0x15: {  	[smem:$0x3FB2] =	sst s0;
	s0 =	simm.s32 @!p2 $0x0  }
0x16: {  	s3 =	sld [smem:$0x3FDB];
	s0 =	simm.s32 @p2 $0x1  }
0x17: {  	s4 =	simm.s32 $0x1BF5;
	[smem:$0x3FB4] =	sst s0  }
0x18: {  	s0 =	sld [smem:$0x3F97];
	_ =	swait.ge [sflag:s4], $0x0  }
0x19: {  	s7 =	sld [smem:$0x3F98]  }
0x1a: {  	s8 =	sadd.s32 $0xFFFFE003, lr  }
0x1b: {  	s9 =	sadd.s32 $0xFFFFFEF7, lr;
	s5 =	simm.s32 $0xFFFFFFFF;
	p2 =	slt.u32 s8, $0xFFFFF086  }
0x1c: {  	p1 =	slt.u32 s9, $0xF7A;
	s5 =	simm.s32 @!p2 $0x0  }
0x1d: {  	s5 =	simm.s32 @p1 $0x1;
	p0 =	seq.s32 s7, s2  }
0x1e: {  	s7 =	smul.u32 @!p0 $0xF7A, s2;
	p2 =	seq.s32 @!p0 s5, $0x0  }
0x1f: {  	s9 =	smul.u32 $0xF7A, s1;
	s8 =	simm.s32 @!p0 $0x1BF5;
	p2 =	por !p2, p0  }
0x20: {  	[sflag:s8] =	ssyncset.s32 @!p0 $0xFFFFF086;
	s6 =	sadd.s32 @!p0 s3, s7;
	s7 =	simm.s32 @!p0 $0x108  }
0x21: {  	s3 =	sadd.s32 s3, s9;
	s6 =	sadd.s32 @!p0 $0x88, s6;
	s7 =	simm.s32 @p2 $0x1082  }
0x22: {  	[simem:s7], [sflag:s8] =	dma.local @!p0 [hbm:s6], $0xF7A  }
0x23: {  	s9 =	sor.u32 $0xD0000000, s2;
	s6 =	simm.s32 $0x108;
	_ =	swait.ge @!p0 [sflag:s8], $0x0  }
0x24: {  	s3 =	sadd.s32 $0x88, s3;
	s6 =	simm.s32 @!p1 $0x1082;
	[sflag:s4] =	ssyncset.s32 $0xFFFFF086  }
0x25: {  	[simem:s6], [sflag:s4] =	dma.local [hbm:s3], $0xF7A  }
0x26: {  	[smem:$0x3F98] =	sst s1;
	(tag) =	ssettag s2;
	_ =	strace s9  }
0x27: {  	s1 =	sld [smem:$0x3FA8]  }
0x28: {  	s2 =	sld [smem:$0x3FA9]  }
0x29: {  	s4 =	sld [smem:$0x3FAB]  }
0x2a: {  	p0 =	seq.s32 s5, $0x0;
	s5 =	sld [smem:$0x3FAC]  }
0x2b: {  	s6 =	sld [smem:$0x3FAD]  }
0x2c: {  	s7 =	sld [smem:$0x3FAE]  }
0x2d: {  	s3 =	simm.s32 $0x108;
	s8 =	sld [smem:$0x3FAF]  }
0x2e: {  	s3 =	simm.s32 @!p0 $0x1082;
	s9 =	sld [smem:$0x3FB0]  }
0x2f: {  	lr =	sadd.s32 s0, s3;
	s0 =	sld [smem:$0x3FA7]  }
0x30: {  	s3 =	sld [smem:$0x3FAA]  }
0x31: {  	[smem:$0x3FB3] =	sst s10  }
0x32: {  	s10 =	sld [smem:$0x3FB1];
	_ =	sdelay $0x3  }
0x33: {  	p0 =	seq.s32 s10, $0x1;
	s10 =	sld [smem:$0x3FB3];
	_ =	sdelay $0x3  }
0x34: {  	[smem:$0x3FB3] =	sst s10  }
0x35: {  	s10 =	sld [smem:$0x3FB2];
	_ =	sdelay $0x3  }
0x36: {  	p1 =	seq.s32 s10, $0x1;
	s10 =	sld [smem:$0x3FB3];
	_ =	sdelay $0x3  }
0x37: {  	[smem:$0x3FB3] =	sst s10  }
0x38: {  	s10 =	sld [smem:$0x3FB4]  }
0x39: {  	_ = 	snop;
	(pc) =	sbr.ind lr, $3  }
0x3a: {  	_ = 	snop  }
0x3b: {  	_ = 	snop  }
0x3c: {  	p2 =	seq.s32 s10, $0x1;
	s10 =	sld [smem:$0x3FB3]  }
0x3d: {  	_ =	shalt  }
0x3e: {  	_ =	shalt  }
0x3f: {  	_ =	shalt  }
0x40: {  	_ =	shalt  }
0x41: {  	_ =	shalt  }
0x42: {  	_ =	shalt  }
0x43: {  	_ =	shalt  }
0x44: {  	_ =	shalt  }
0x45: {  	_ =	shalt  }
0x46: {  	_ =	shalt  }
0x47: {  	_ =	shalt  }
0x48: {  	_ =	shalt  }
0x49: {  	_ =	shalt  }
0x4a: {  	_ =	shalt  }
0x4b: {  	_ =	shalt  }
0x4c: {  	_ =	shalt  }
0x4d: {  	_ =	shalt  }
0x4e: {  	_ =	shalt  }
0x4f: {  	_ =	shalt  }
0x50: {  	_ =	shalt  }
0x51: {  	_ =	shalt  }
0x52: {  	_ =	shalt  }
0x53: {  	_ =	shalt  }
0x54: {  	_ =	shalt  }
0x55: {  	_ =	shalt  }
0x56: {  	_ =	shalt  }
0x57: {  	_ =	shalt  }
0x58: {  	_ =	shalt  }
0x59: {  	_ =	shalt  }
0x5a: {  	_ =	shalt  }
0x5b: {  	_ =	shalt  }
0x5c: {  	_ =	shalt  }
0x5d: {  	_ =	shalt  }
0x5e: {  	_ =	shalt  }
0x5f: {  	_ =	shalt  }
0x60: {  	_ =	shalt  }
0x61: {  	_ =	shalt  }
0x62: {  	_ =	shalt  }
0x63: {  	_ =	shalt  }
0x64: {  	_ =	shalt  }
0x65: {  	_ =	shalt  }
0x66: {  	_ =	shalt  }
0x67: {  	_ =	shalt  }
0x68: {  	_ =	shalt  }
0x69: {  	_ =	shalt  }
0x6a: {  	_ =	shalt  }
0x6b: {  	_ =	shalt  }
0x6c: {  	_ =	shalt  }
0x6d: {  	_ =	shalt  }
0x6e: {  	_ =	shalt  }
0x6f: {  	_ =	shalt  }
0x70: {  	_ =	shalt  }
0x71: {  	_ =	shalt  }
0x72: {  	_ =	shalt  }
0x73: {  	_ =	shalt  }
0x74: {  	_ =	shalt  }
0x75: {  	_ =	shalt  }
0x76: {  	_ =	shalt  }
0x77: {  	_ =	shalt  }
0x78: {  	_ =	shalt  }
0x79: {  	_ =	shalt  }
0x7a: {  	_ =	shalt  }
0x7b: {  	_ =	shalt  }
0x7c: {  	_ =	shalt  }
0x7d: {  	_ =	shalt  }
0x7e: {  	_ =	shalt  }
0x7f: {  	_ =	shalt  }
0x80: {  	_ =	shalt  }
0x81: {  	_ =	shalt  }
0x82: {  	_ =	shalt  }
0x83: {  	_ =	shalt  }
0x84: {  	_ =	shalt  }
0x85: {  	_ =	shalt  }
0x86: {  	_ =	shalt  }
0x87: {  	_ =	shalt  }
.Lfunc_end0:
.L_simem_size_0:
called_computation_lowered:
.L_overlay_start_0:
0x88: {  	s2 =	sld [smem:$0x3FD9]  }
0x89: {  	s3 =	sld [smem:$0x3FFE];
	_ =	sdelay $0x1  }
0x8a: {  	s1 =	srdreg.scid  }
0x8b: {  	s0 =	sand.u32 $0x1, s1  }
0x8c: {  	s17 =	sshll.u32 s0, $0xA;
	s2 =	sadd.s32 s3, s2  }
0x8d: {  	s2 =	sadd.s32 s2, s17  }
0x8e: {  	[smem:$0x3FBF] =	sst s2  }
0x8f: {  	_ = 	snop  }
0x90: {  	s2 =	sld [smem:$0x3FC7]  }
0x91: {  	s18 =	sld [smem:$0x3FD0];
	(tm) =	ssettm $0x1  }
0x92: {  	s4 =	sld [smem:$0x3FFB];
	_ =	sdelay $0x3  }
0x93: {  	_ =	strace s4  }
0x94: {  	s4 =	sld [smem:$0x3FFC];
	_ =	sdelay $0x3  }
0x95: {  	_ =	strace s4  }
0x96: {  	s4 =	sld [smem:$0x3FFD];
	_ =	sdelay $0x3  }
0x97: {  	_ =	strace s4  }
0x98: {  	_ =	strace $0x8FFFFFFF  }
0x99: {  	s19 =	sld [smem:$0x3FDB];
	_ =	sdelay $0x1  }
0x9a: {  	s5 =	simm.s32 $_scs_section_size  }
0x9b: {  	s6 =	simm.s32 $_size__tile_overlayer_lowered;
	s7 =	simm.s32 $_tile_overlayer_lowered  }
0x9c: {  	s22 =	simm.s32 $0x1BFF;
	s21 =	sshll.u32 s7, $0x1;
	s4 =	sadd.s32 s5, s19  }
0x9d: {  	s8 =	simm.s32 $0x0;
	s20 =	sshll.u32 s6, $0x1;
	s6 =	sadd.s32 s21, s4  }
0x9e: {  	[timem:s8], [sflag:s22] =	dma.local [hbm:s6], s20  }
0x9f: {  	_ =	swait.ge [sflag:s22], s20  }
0xa0: {  	s5 =	ssub.s32 $0x0, s20;
	[sflag:s22] =	ssyncset.done $0x0  }
0xa1: {  	[sflag:s22] =	ssyncadd.s32 s5;
	_ =	sdelay $0x1  }
0xa2: {  	s23 =	simm.s32 $0x1B8B  }
0xa3: {  	_ =	swait.ge [sflag:s23], $0x1  }
0xa4: {  	[sflag:s23] =	ssyncset.done $0x0  }
0xa5: {  	s25 =	simm.s32 $0x1B8E;
	s24 =	sld [smem:$0x3FFE];
	[sflag:s23] =	ssyncadd.s32 $0xFFFFFFFF  }
0xa6: {  	s26 =	simm.s32 $execute0_lowered;
	[smem:$0x3FD2] =	sst s25  }
0xa7: {  	s6 =	sshll.u32 s26, $0x1;
	_ =	strace $0x80000046;
	[dreg:$0x1] =	wrdreg $0xFFFFFFFF  }
0xa8: {  	s28 =	simm.s32 $_size_execute0_lowered;
	s4 =	sadd.s32 s4, s6;
	[dreg:$0x0] =	wrdreg $0x0  }
0xa9: {  	s6 =	sshll.u32 s28, $0x1;
	[dreg:$0x2] =	wrdreg s4  }
0xaa: {  	[dreg:$0x3] =	wrdreg s6  }
0xab: {  	[dreg:$0x4] =	wrdreg $0xC0  }
0xac: {  	_ =	task [dreg:s8], $0x5FFFF  }
0xad: {  	[dreg:$0x1] =	wrdreg $0xFFFFFFFF  }
0xae: {  	[dreg:$0x0] =	wrdreg $0x60  }
0xaf: {  	[dreg:$0x2] =	wrdreg s24  }
0xb0: {  	[dreg:$0x3] =	wrdreg s2  }
0xb1: {  	[dreg:$0x4] =	wrdreg s18  }
0xb2: {  	[dreg:$0x5] =	wrdreg $0x9  }
0xb3: {  	_ =	task.clear_ibuf [dreg:s8], $0x6FFFF;
	_ =	strace $0x90000046  }
0xb4: {  	s29 =	simm.s32 $0x9;
	_ =	strace $0x80000048  }
0xb5: {  	_ =	swait.ge [sflag:s29], $0x1  }
0xb6: {  	[sflag:s29] =	ssyncadd.s32 $0xFFFFFFFF  }
0xb7: {  	_ =	strace $0x90000048  }
0xb8: {  	_ =	sfence  }
0xb9: {  	s30 =	sld [smem:$0x0];
	_ =	sdelay $0x2  }
0xba: {  	s31 =	sshll.u32 s1, $0xD;
	s1 =	sshrl.u32 s1, $0x2  }
0xbb: {  	s3 =	sand.u32 $0x4000, s31;
	s1 =	sadd.s32 s1, s30  }
0xbc: {  	s0 =	sor.u32 s3, s0;
	s1 =	sshll.u32 s1, $0x11  }
0xbd: {  	s0 =	sor.u32 s1, s0  }
0xbe: {  	s0 =	sadd.s32 $0x8F2B, s0  }
0xbf: {  	[sflag:s0] =	ssyncadd.remote.s32 $0x1  }
0xc0: {  	_ =	sfence.sel $0xFFFF  }
0xc1: {  	[dreg:$0x0] =	wrdreg $0xFFFFFFFF;
	(pc) =	sbr.abs _section_cstart, $3  }
0xc2: {  	[dreg:$0x1] =	wrdreg $0xFFFFFFFF  }
0xc3: {  	_ =	task.clear_ibuf [dreg:s8], $0x2FFFF;
	_ =	strace $0x9FFFFFFF  }
0xc4: {  	(tm) =	ssettm $0x7FFFFFFF  }
0xc5: {  	_ =	shalt  }
tec
execute0_lowered:
.L_overlay_start_1:
0x0: {  	(tag) =	ssettag $0x1  }
0x1: {  	s3 =	rddreg [dreg:$0x0]  }
0x2: {  	s1 =	srdreg.scid;
	s10 =	rddreg [dreg:$0x1]  }
0x3: {  	s0 =	stileid.u32;
	s11 =	rddreg [dreg:$0x2]  }
0x4: {  	s2 =	simm.s32 $0x0;
	s17 =	simm.s32 $0xA080;
	s18 =	simm.s32 $0xA100  }
0x5: {  	s19 =	simm.s32 $0x2;
	s4 =	sand.u32 $0x1, s1;
	s26 =	sshll.u32 s0, $0x1  }
0x6: {  	s20 =	simm.s32 $0x4;
	s22 =	simm.s32 $0x0;
	s21 =	sor.u32 s4, s26  }
0x7: {  	[smem:$0x7FF] =	sst s2;
	s12 =	sadd.s32 $0x1A00, s3;
	s5 =	smul.u32 $0xA00, s21  }
0x8: {  	s4 =	ssub.s32 $0x2, s4;
	_ =	strace $0x80000047;
	s9 =	smul.u32 $0x50, s21  }
0x9: {  	s6 =	sshrl.u32 s4, $0x1;
	s7 =	smul.u32 $0xA, s21;
	s16 =	sshll.u32 s21, $0x8  }
0xa: {  	p0 =	sgt.u32 s21, $0x1C;
	s21 =	simm.s32 $0x5;
	s13 =	ssub.s32 s4, s6  }
0xb: {  	s11 =	sadd.s32 s11, s16;
	s16 =	simm.s32 $0x5000;
	s28 =	sadd.s32 $0xA00, s9  }
0xc: {  	s3 =	sadd.s32 s12, s5;
	s4 =	sadd.s32 s10, s7;
	s30 =	sadd.s32 $0x1400, s9  }
0xd: {  	v0 =	vimm.f32 $0.0e+00;
	v1 =	vlaneseq.u32;
	s9 =	sadd.s32 $0x1E00, s9;
	s29 =	sshll.u32 s28, $0x5;
	s6 =	sshrl.u32 s28, $0x3  }
.Ltmp0:
0xe: {  	v2 =	vor.u32 $0x10, v1;
	v3 =	vor.u32 $0x20, v1;
	v4 =	vor.u32 $0x30, v1;
	s8 =	sshll.u32 s30, $0x5;
	s14 =	sshrl.u32 s30, $0x3;
	(pc) =	sbr.rel .LBB2_1-.Ltmp0, $4  }
0xf: {  	v5 =	vor.u32 $0x40, v1;
	v6 =	vor.u32 $0x50, v1;
	v7 =	vor.u32 $0x60, v1;
	s31 =	sshll.u32 s9, $0x5;
	s15 =	sshrl.u32 s9, $0x3;
	s5 =	sadd.s32 s12, s29  }
0x10: {  	v8 =	vor.u32 $0x70, v1;
	v9 =	vor.u32 $0x400, v1;
	v10 =	vor.u32 $0x410, v1;
	s6 =	sadd.s32 s10, s6;
	s7 =	sadd.s32 s12, s8;
	s8 =	sadd.s32 s10, s14  }
0x11: {  	v11 =	vor.u32 $0x420, v1;
	v12 =	vor.u32 $0x430, v1;
	v13 =	vor.u32 $0x440, v1;
	s9 =	sadd.s32 s12, s31;
	s10 =	sadd.s32 s10, s15;
	s12 =	smax.u32 s13, $0x1  }
0x12: {  	v14 =	vor.u32 $0x450, v1;
	v15 =	vor.u32 $0x460, v1;
	v16 =	vor.u32 $0x470, v1;
	s13 =	simm.s32 $0xA000;
	s14 =	simm.s32 $0x1;
	s15 =	simm.s32 $0x3  }
.LBB2_10:
0x13: {  	_ =	sdelay $0x3  }
0x14: {  	v21 =	vld.idx.msk [tilespmem:v21+s17+$0x0], $0xffff;
	_ =	sdelay $0x3  }
0x15: {  	s1 =	sadd.s32 $0x100, s28;
	s26 =	sadd.s32 $0x200, s26  }
0x16: {  	s26 =	sand.u32 $0x7800, s26;
	s28 =	sadd.s32 $0xFFFFFF80, s1;
	v26 =	vshll.u32 v21, $0x8;
	v21 =	vshll.u32 v21, $0x7  }
0x17: {  	s28 =	sand.u32 $0x300, s28;
	s29 =	sadd.s32 $0x5000, s26;
	v26 =	vand.u32 $0xFFFFF800, v26;
	v21 =	vand.u32 $0x380, v21  }
0x18: {  	v43 =	vshll.u32 v20, $0x8;
	v44 =	vshll.u32 v20, $0x7;
	s26 =	sor.u32 s28, s29;
	v21 =	vor.u32 v21, v26  }
0x19: {  	s1 =	sand.u32 $0x380, s1;
	v20 =	vand.u32 $0x380, v44;
	v27 =	vld [tilespmem:s26+$0x0];
	v26 =	vand.u32 $0xFFFFF800, v43;
	v28 =	vor.u32 v1, v21  }
0x1a: {  	[tilespmem:v25+s18+$0x0] =	vst.idx.add.f32.msk $0xffff, v22;
	s31 =	sor.u32 s1, s29;
	v20 =	vor.u32 v20, v26  }
0x1b: {  	v45 =	vld [tilespmem:s31+$0x0];
	v46 =	vor.u32 v1, v20  }
0x1c: {  	v47 =	vld [tilespmem:s25+$0x400]  }
0x1d: {  	[tilespmem:v24+s18+$0x0] =	vst.idx.add.f32.msk $0xffff, v23  }
0x1e: {  	v48 =	vor.u32 v9, v19;
	[tilespmem:v28+s18+$0x0] =	vst.idx.add.f32.msk $0xffff, v27  }
0x1f: {  	v50 =	vor.u32 v2, v21;
	v49 =	vld [tilespmem:s26+$0x10]  }
0x20: {  	[tilespmem:v46+s18+$0x0] =	vst.idx.add.f32.msk $0xffff, v45  }
0x21: {  	v51 =	vor.u32 v2, v20;
	v22 =	vld [tilespmem:s31+$0x10]  }
0x22: {  	v52 =	vld [tilespmem:s24+$0x410]  }
0x23: {  	[tilespmem:v48+s18+$0x0] =	vst.idx.add.f32.msk $0xffff, v47  }
0x24: {  	v53 =	vor.u32 v10, v18;
	[tilespmem:v50+s18+$0x0] =	vst.idx.add.f32.msk $0xffff, v49  }
0x25: {  	v54 =	vor.u32 v3, v21;
	v24 =	vld [tilespmem:s26+$0x20]  }
0x26: {  	[tilespmem:v51+s18+$0x0] =	vst.idx.add.f32.msk $0xffff, v22  }
0x27: {  	v55 =	vor.u32 v3, v20;
	v22 =	vld [tilespmem:s31+$0x20]  }
0x28: {  	v56 =	vld [tilespmem:s25+$0x410]  }
0x29: {  	v57 =	vor.u32 v10, v19;
	[tilespmem:v53+s18+$0x0] =	vst.idx.add.f32.msk $0xffff, v52  }
0x2a: {  	[tilespmem:v54+s18+$0x0] =	vst.idx.add.f32.msk $0xffff, v24  }
0x2b: {  	v58 =	vor.u32 v4, v21;
	v24 =	vld [tilespmem:s26+$0x30]  }
0x2c: {  	[tilespmem:v55+s18+$0x0] =	vst.idx.add.f32.msk $0xffff, v22  }
0x2d: {  	v59 =	vor.u32 v4, v20;
	v22 =	vld [tilespmem:s31+$0x30]  }
0x2e: {  	[tilespmem:v57+s18+$0x0] =	vst.idx.add.f32.msk $0xffff, v56  }
0x2f: {  	v28 =	vld [tilespmem:s24+$0x420]  }
0x30: {  	v60 =	vor.u32 v11, v18;
	[tilespmem:v58+s18+$0x0] =	vst.idx.add.f32.msk $0xffff, v24  }
0x31: {  	v61 =	vor.u32 v5, v21;
	v24 =	vld [tilespmem:s26+$0x40]  }
0x32: {  	[tilespmem:v59+s18+$0x0] =	vst.idx.add.f32.msk $0xffff, v22  }
0x33: {  	v62 =	vor.u32 v5, v20;
	v22 =	vld [tilespmem:s31+$0x40]  }
0x34: {  	v27 =	vld [tilespmem:s25+$0x420]  }
0x35: {  	v63 =	vor.u32 v11, v19;
	[tilespmem:v60+s18+$0x0] =	vst.idx.add.f32.msk $0xffff, v28  }
0x36: {  	[tilespmem:v61+s18+$0x0] =	vst.idx.add.f32.msk $0xffff, v24  }
0x37: {  	v32 =	vor.u32 v6, v21;
	v24 =	vld [tilespmem:s26+$0x50]  }
0x38: {  	[tilespmem:v62+s18+$0x0] =	vst.idx.add.f32.msk $0xffff, v22  }
0x39: {  	v33 =	vor.u32 v6, v20;
	v22 =	vld [tilespmem:s31+$0x50]  }
0x3a: {  	[tilespmem:v63+s18+$0x0] =	vst.idx.add.f32.msk $0xffff, v27  }
0x3b: {  	v28 =	vld [tilespmem:s24+$0x430]  }
0x3c: {  	v34 =	vor.u32 v12, v18;
	[tilespmem:v32+s18+$0x0] =	vst.idx.add.f32.msk $0xffff, v24  }
0x3d: {  	v35 =	vor.u32 v7, v21;
	v24 =	vld [tilespmem:s26+$0x60]  }
0x3e: {  	[tilespmem:v33+s18+$0x0] =	vst.idx.add.f32.msk $0xffff, v22  }
0x3f: {  	v36 =	vor.u32 v7, v20;
	v22 =	vld [tilespmem:s31+$0x60]  }
0x40: {  	v46 =	vld [tilespmem:s25+$0x430]  }
0x41: {  	v47 =	vor.u32 v12, v19;
	[tilespmem:v34+s18+$0x0] =	vst.idx.add.f32.msk $0xffff, v28  }
0x42: {  	[tilespmem:v35+s18+$0x0] =	vst.idx.add.f32.msk $0xffff, v24  }
0x43: {  	v38 =	vor.u32 v8, v21;
	v24 =	vld [tilespmem:s26+$0x70]  }
0x44: {  	[tilespmem:v36+s18+$0x0] =	vst.idx.add.f32.msk $0xffff, v22  }
0x45: {  	v39 =	vor.u32 v8, v20;
	v22 =	vld [tilespmem:s31+$0x70]  }
0x46: {  	[tilespmem:v47+s18+$0x0] =	vst.idx.add.f32.msk $0xffff, v46  }
0x47: {  	v37 =	vor.u32 v13, v18;
	v23 =	vld [tilespmem:s24+$0x440]  }
0x48: {  	[tilespmem:v38+s18+$0x0] =	vst.idx.add.f32.msk $0xffff, v24  }
0x49: {  	v41 =	vor.u32 v9, v21;
	v24 =	vld [tilespmem:s26+$0x400]  }
0x4a: {  	[tilespmem:v39+s18+$0x0] =	vst.idx.add.f32.msk $0xffff, v22  }
0x4b: {  	v42 =	vor.u32 v9, v20;
	v22 =	vld [tilespmem:s31+$0x400]  }
0x4c: {  	[tilespmem:v37+s18+$0x0] =	vst.idx.add.f32.msk $0xffff, v23  }
0x4d: {  	v40 =	vor.u32 v14, v18;
	v23 =	vld [tilespmem:s24+$0x450]  }
0x4e: {  	[tilespmem:v41+s18+$0x0] =	vst.idx.add.f32.msk $0xffff, v24  }
0x4f: {  	v44 =	vor.u32 v10, v21;
	v24 =	vld [tilespmem:s26+$0x410]  }
0x50: {  	[tilespmem:v42+s18+$0x0] =	vst.idx.add.f32.msk $0xffff, v22  }
0x51: {  	v45 =	vor.u32 v10, v20;
	v22 =	vld [tilespmem:s31+$0x410]  }
0x52: {  	[tilespmem:v40+s18+$0x0] =	vst.idx.add.f32.msk $0xffff, v23  }
0x53: {  	v23 =	vld [tilespmem:s24+$0x460]  }
0x54: {  	v43 =	vor.u32 v15, v18;
	[tilespmem:v44+s18+$0x0] =	vst.idx.add.f32.msk $0xffff, v24  }
0x55: {  	v48 =	vor.u32 v11, v21;
	v24 =	vld [tilespmem:s26+$0x420]  }
0x56: {  	[tilespmem:v45+s18+$0x0] =	vst.idx.add.f32.msk $0xffff, v22  }
0x57: {  	v49 =	vor.u32 v11, v20;
	v22 =	vld [tilespmem:s31+$0x420]  }
0x58: {  	v59 =	vld [tilespmem:s23+$0x470]  }
0x59: {  	[tilespmem:v43+s18+$0x0] =	vst.idx.add.f32.msk $0xffff, v23  }
0x5a: {  	[tilespmem:v48+s18+$0x0] =	vst.idx.add.f32.msk $0xffff, v24  }
0x5b: {  	v51 =	vor.u32 v12, v21;
	v24 =	vld [tilespmem:s26+$0x430]  }
0x5c: {  	[tilespmem:v49+s18+$0x0] =	vst.idx.add.f32.msk $0xffff, v22  }
0x5d: {  	v52 =	vor.u32 v12, v20;
	v22 =	vld [tilespmem:s31+$0x430]  }
0x5e: {  	v23 =	vld [tilespmem:s25+$0x440]  }
0x5f: {  	v50 =	vor.u32 v13, v19;
	v63 =	vld [tilespmem:s24+$0x470]  }
0x60: {  	[tilespmem:v51+s18+$0x0] =	vst.idx.add.f32.msk $0xffff, v24  }
0x61: {  	v54 =	vor.u32 v13, v21;
	v24 =	vld [tilespmem:s26+$0x440]  }
0x62: {  	[tilespmem:v52+s18+$0x0] =	vst.idx.add.f32.msk $0xffff, v22  }
0x63: {  	v55 =	vor.u32 v13, v20;
	v22 =	vld [tilespmem:s31+$0x440]  }
0x64: {  	[tilespmem:v50+s18+$0x0] =	vst.idx.add.f32.msk $0xffff, v23  }
0x65: {  	v53 =	vor.u32 v14, v19;
	v23 =	vld [tilespmem:s25+$0x450]  }
0x66: {  	[tilespmem:v54+s18+$0x0] =	vst.idx.add.f32.msk $0xffff, v24  }
0x67: {  	v57 =	vor.u32 v14, v21;
	v24 =	vld [tilespmem:s26+$0x450]  }
0x68: {  	[tilespmem:v55+s18+$0x0] =	vst.idx.add.f32.msk $0xffff, v22  }
0x69: {  	v58 =	vor.u32 v14, v20;
	v22 =	vld [tilespmem:s31+$0x450]  }
0x6a: {  	[tilespmem:v53+s18+$0x0] =	vst.idx.add.f32.msk $0xffff, v23  }
0x6b: {  	v56 =	vor.u32 v15, v19;
	v23 =	vld [tilespmem:s25+$0x460]  }
0x6c: {  	[tilespmem:v57+s18+$0x0] =	vst.idx.add.f32.msk $0xffff, v24  }
0x6d: {  	v61 =	vor.u32 v15, v21;
	v60 =	vld [tilespmem:s26+$0x460]  }
0x6e: {  	[tilespmem:v58+s18+$0x0] =	vst.idx.add.f32.msk $0xffff, v22  }
0x6f: {  	v62 =	vor.u32 v15, v20;
	v22 =	vld [tilespmem:s31+$0x460]  }
0x70: {  	[tilespmem:v56+s18+$0x0] =	vst.idx.add.f32.msk $0xffff, v23  }
0x71: {  	v17 =	vor.u32 v16, v17;
	v27 =	vld [tilespmem:s25+$0x470]  }
0x72: {  	v18 =	vor.u32 v16, v18;
	[tilespmem:v61+s18+$0x0] =	vst.idx.add.f32.msk $0xffff, v60  }
0x73: {  	v19 =	vor.u32 v16, v19;
	v23 =	vld [tilespmem:s26+$0x470]  }
0x74: {  	v21 =	vor.u32 v16, v21;
	[tilespmem:v62+s18+$0x0] =	vst.idx.add.f32.msk $0xffff, v22  }
0x75: {  	v20 =	vor.u32 v16, v20;
	v22 =	vld [tilespmem:s31+$0x470]  }
0x76: {  	[tilespmem:v17+s18+$0x0] =	vst.idx.add.f32.msk $0xffff, v59  }
0x77: {  	[tilespmem:v18+s18+$0x0] =	vst.idx.add.f32.msk $0xffff, v63  }
0x78: {  	[tilespmem:v19+s18+$0x0] =	vst.idx.add.f32.msk $0xffff, v27  }
0x79: {  	[tilespmem:v21+s18+$0x0] =	vst.idx.add.f32.msk $0xffff, v23  }
0x7a: {  	[tilespmem:v20+s18+$0x0] =	vst.idx.add.f32.msk $0xffff, v22  }
.LBB2_11:
0x7b: {  	s22 =	sadd.s32 $0x1, s22  }
0x7c: {  	p1 =	sne.s32 s22, s12  }
.Ltmp1:
0x7d: {  	_ = 	snop;
	(pc) =	sbr.rel @!p1 .LBB2_12-.Ltmp1, $4  }
0x7e: {  	[hbm4b:s11+s2] =	stream.linear.scatter [tilespmem:s18], [sflag:$0x5], $0x800, $0x38;
	[tilespmem:$0xA900] =	vst v63  }
0x7f: {  	_ =	swait.ge [sflag:s21], $0x800  }
0x80: {  	[sflag:s21] =	ssyncset.done $0x0  }
0x81: {  	[sflag:s21] =	ssyncadd.s32 $0xFFFFF800  }
.LBB2_1:
0x82: {  	[tilespmem:$0xA100] =	vst v0  }
0x83: {  	[tilespmem:$0xA110] =	vst v0  }
0x84: {  	[tilespmem:$0xA120] =	vst v0  }
0x85: {  	[tilespmem:$0xA130] =	vst v0  }
0x86: {  	[tilespmem:$0xA140] =	vst v0  }
0x87: {  	[tilespmem:$0xA150] =	vst v0  }
0x88: {  	[tilespmem:$0xA160] =	vst v0  }
0x89: {  	[tilespmem:$0xA170] =	vst v0  }
0x8a: {  	[tilespmem:$0xA500] =	vst v0  }
0x8b: {  	[tilespmem:$0xA510] =	vst v0  }
0x8c: {  	[tilespmem:$0xA520] =	vst v0  }
0x8d: {  	[tilespmem:$0xA530] =	vst v0  }
0x8e: {  	[tilespmem:$0xA540] =	vst v0  }
0x8f: {  	[tilespmem:$0xA550] =	vst v0  }
0x90: {  	[tilespmem:$0xA560] =	vst v0  }
0x91: {  	[tilespmem:$0xA570] =	vst v0  }
0x92: {  	[tilespmem:$0xA180] =	vst v0  }
0x93: {  	[tilespmem:$0xA190] =	vst v0  }
0x94: {  	[tilespmem:$0xA1A0] =	vst v0  }
0x95: {  	[tilespmem:$0xA1B0] =	vst v0  }
0x96: {  	[tilespmem:$0xA1C0] =	vst v0  }
0x97: {  	[tilespmem:$0xA1D0] =	vst v0  }
0x98: {  	[tilespmem:$0xA1E0] =	vst v0  }
0x99: {  	[tilespmem:$0xA1F0] =	vst v0  }
0x9a: {  	[tilespmem:$0xA580] =	vst v0  }
0x9b: {  	[tilespmem:$0xA590] =	vst v0  }
0x9c: {  	[tilespmem:$0xA5A0] =	vst v0  }
0x9d: {  	[tilespmem:$0xA5B0] =	vst v0  }
0x9e: {  	[tilespmem:$0xA5C0] =	vst v0  }
0x9f: {  	[tilespmem:$0xA5D0] =	vst v0  }
0xa0: {  	[tilespmem:$0xA5E0] =	vst v0  }
0xa1: {  	[tilespmem:$0xA5F0] =	vst v0  }
0xa2: {  	[tilespmem:$0xA200] =	vst v0  }
0xa3: {  	[tilespmem:$0xA210] =	vst v0  }
0xa4: {  	[tilespmem:$0xA220] =	vst v0  }
0xa5: {  	[tilespmem:$0xA230] =	vst v0  }
0xa6: {  	[tilespmem:$0xA240] =	vst v0  }
0xa7: {  	[tilespmem:$0xA250] =	vst v0  }
0xa8: {  	[tilespmem:$0xA260] =	vst v0  }
0xa9: {  	[tilespmem:$0xA270] =	vst v0  }
0xaa: {  	[tilespmem:$0xA600] =	vst v0  }
0xab: {  	[tilespmem:$0xA610] =	vst v0  }
0xac: {  	[tilespmem:$0xA620] =	vst v0  }
0xad: {  	[tilespmem:$0xA630] =	vst v0  }
0xae: {  	[tilespmem:$0xA640] =	vst v0  }
0xaf: {  	[tilespmem:$0xA650] =	vst v0  }
0xb0: {  	[tilespmem:$0xA660] =	vst v0  }
0xb1: {  	[tilespmem:$0xA670] =	vst v0  }
0xb2: {  	[tilespmem:$0xA280] =	vst v0  }
0xb3: {  	[tilespmem:$0xA290] =	vst v0  }
0xb4: {  	[tilespmem:$0xA2A0] =	vst v0  }
0xb5: {  	[tilespmem:$0xA2B0] =	vst v0  }
0xb6: {  	[tilespmem:$0xA2C0] =	vst v0  }
0xb7: {  	[tilespmem:$0xA2D0] =	vst v0  }
0xb8: {  	[tilespmem:$0xA2E0] =	vst v0  }
0xb9: {  	[tilespmem:$0xA2F0] =	vst v0  }
0xba: {  	[tilespmem:$0xA680] =	vst v0  }
0xbb: {  	[tilespmem:$0xA690] =	vst v0  }
0xbc: {  	[tilespmem:$0xA6A0] =	vst v0  }
0xbd: {  	[tilespmem:$0xA6B0] =	vst v0  }
0xbe: {  	[tilespmem:$0xA6C0] =	vst v0  }
0xbf: {  	[tilespmem:$0xA6D0] =	vst v0  }
0xc0: {  	[tilespmem:$0xA6E0] =	vst v0  }
0xc1: {  	[tilespmem:$0xA6F0] =	vst v0  }
0xc2: {  	[tilespmem:$0xA300] =	vst v0  }
0xc3: {  	[tilespmem:$0xA310] =	vst v0  }
0xc4: {  	[tilespmem:$0xA320] =	vst v0  }
0xc5: {  	[tilespmem:$0xA330] =	vst v0  }
0xc6: {  	[tilespmem:$0xA340] =	vst v0  }
0xc7: {  	[tilespmem:$0xA350] =	vst v0  }
0xc8: {  	[tilespmem:$0xA360] =	vst v0  }
0xc9: {  	[tilespmem:$0xA370] =	vst v0  }
0xca: {  	[tilespmem:$0xA700] =	vst v0  }
0xcb: {  	[tilespmem:$0xA710] =	vst v0  }
0xcc: {  	[tilespmem:$0xA720] =	vst v0  }
0xcd: {  	[tilespmem:$0xA730] =	vst v0  }
0xce: {  	[tilespmem:$0xA740] =	vst v0  }
0xcf: {  	[tilespmem:$0xA750] =	vst v0  }
0xd0: {  	[tilespmem:$0xA760] =	vst v0  }
0xd1: {  	[tilespmem:$0xA770] =	vst v0  }
0xd2: {  	[tilespmem:$0xA380] =	vst v0  }
0xd3: {  	[tilespmem:$0xA390] =	vst v0  }
0xd4: {  	[tilespmem:$0xA3A0] =	vst v0  }
0xd5: {  	[tilespmem:$0xA3B0] =	vst v0  }
0xd6: {  	[tilespmem:$0xA3C0] =	vst v0  }
0xd7: {  	[tilespmem:$0xA3D0] =	vst v0  }
0xd8: {  	[tilespmem:$0xA3E0] =	vst v0  }
0xd9: {  	[tilespmem:$0xA3F0] =	vst v0  }
0xda: {  	[tilespmem:$0xA780] =	vst v0  }
0xdb: {  	[tilespmem:$0xA790] =	vst v0  }
0xdc: {  	[tilespmem:$0xA7A0] =	vst v0  }
0xdd: {  	[tilespmem:$0xA7B0] =	vst v0  }
0xde: {  	[tilespmem:$0xA7C0] =	vst v0  }
0xdf: {  	[tilespmem:$0xA7D0] =	vst v0  }
0xe0: {  	[tilespmem:$0xA7E0] =	vst v0  }
0xe1: {  	[tilespmem:$0xA7F0] =	vst v0  }
0xe2: {  	[tilespmem:$0xA400] =	vst v0  }
0xe3: {  	[tilespmem:$0xA410] =	vst v0  }
0xe4: {  	[tilespmem:$0xA420] =	vst v0  }
0xe5: {  	[tilespmem:$0xA430] =	vst v0  }
0xe6: {  	[tilespmem:$0xA440] =	vst v0  }
0xe7: {  	[tilespmem:$0xA450] =	vst v0  }
0xe8: {  	[tilespmem:$0xA460] =	vst v0  }
0xe9: {  	[tilespmem:$0xA470] =	vst v0  }
0xea: {  	[tilespmem:$0xA800] =	vst v0  }
0xeb: {  	[tilespmem:$0xA810] =	vst v0  }
0xec: {  	[tilespmem:$0xA820] =	vst v0  }
0xed: {  	[tilespmem:$0xA830] =	vst v0  }
0xee: {  	[tilespmem:$0xA840] =	vst v0  }
0xef: {  	[tilespmem:$0xA850] =	vst v0  }
0xf0: {  	[tilespmem:$0xA860] =	vst v0  }
0xf1: {  	[tilespmem:$0xA870] =	vst v0  }
0xf2: {  	[tilespmem:$0xA480] =	vst v0  }
0xf3: {  	[tilespmem:$0xA490] =	vst v0  }
0xf4: {  	[tilespmem:$0xA4A0] =	vst v0  }
0xf5: {  	[tilespmem:$0xA4B0] =	vst v0  }
0xf6: {  	[tilespmem:$0xA4C0] =	vst v0  }
0xf7: {  	[tilespmem:$0xA4D0] =	vst v0  }
0xf8: {  	[tilespmem:$0xA4E0] =	vst v0  }
0xf9: {  	[tilespmem:$0xA4F0] =	vst v0  }
0xfa: {  	[tilespmem:$0xA880] =	vst v0  }
0xfb: {  	[tilespmem:$0xA890] =	vst v0  }
0xfc: {  	[tilespmem:$0xA8A0] =	vst v0  }
0xfd: {  	[tilespmem:$0xA8B0] =	vst v0  }
0xfe: {  	[tilespmem:$0xA8C0] =	vst v0  }
0xff: {  	[tilespmem:$0xA8D0] =	vst v0  }
0x100: {  	[tilespmem:$0xA8E0] =	vst v0  }
0x101: {  	[tilespmem:$0xA8F0] =	vst v0  }
0x102: {  	[tilespmem:s2], [sflag:$0x1] =	stream.linear.gather [hbm4b:s3+s2], $0x5000, $0x38;
	[tilespmem:$0xA900] =	vst v63  }
0x103: {  	_ = 	snop  }
0x104: {  	[tilespmem:s13], [sflag:$0x3] =	stream.linear.gather [hbm4b:s4+s2], $0x50, $0x38;
	[tilespmem:$0xA900] =	vst v63  }
0x105: {  	_ =	swait.ge [sflag:s14], $0x5000  }
0x106: {  	v17 =	vmov s2;
	[sflag:s14] =	ssyncset.done $0x0  }
0x107: {  	v17 =	vand.u32 $0xFFFFFFFE, v17;
	[sflag:s14] =	ssyncadd.s32 $0xFFFFB000  }
0x108: {  	v17 =	vbroadcast v17, $0x0;
	_ =	swait.ge [sflag:s15], $0x50  }
0x109: {  	[sflag:s15] =	ssyncset.done $0x0  }
0x10a: {  	s23 =	simm.s32 $0x1;
	[sflag:s15] =	ssyncadd.s32 $0xFFFFFFB0  }
0x10b: {  	[tilespmem:s16], [sflag:$0x2] =	stream.linear.gather [hbm4b:s5+s2], $0x5000, $0x38;
	[tilespmem:$0xA900] =	vst v63  }
0x10c: {  	v18 =	vmov s23  }
0x10d: {  	[tilespmem:s17], [sflag:$0x4] =	stream.linear.gather [hbm4b:s6+s2], $0x50, $0x38;
	[tilespmem:$0xA900] =	vst v63  }
0x10e: {  	v17 =	vld.idx.msk [tilespmem:v17+s13+$0x0], $0xffff;
	_ =	sdelay $0x2  }
0x10f: {  	v18 =	vld.idx.msk [tilespmem:v18+s13+$0x0], $0xffff;
	_ =	sdelay $0x1  }
0x110: {  	s31 =	simm.s32 $0x0;
	v19 =	vshll.u32 v17, $0x8;
	v17 =	vshll.u32 v17, $0x7  }
0x111: {  	s24 =	sand.u32 $0x7800, s2;
	s23 =	sand.u32 $0x300, s31;
	v19 =	vand.u32 $0xFFFFF800, v19;
	v17 =	vand.u32 $0x380, v17  }
0x112: {  	s29 =	sor.u32 s23, s24;
	v21 =	vor.u32 v17, v19  }
0x113: {  	s1 =	simm.s32 $0x80;
	v19 =	vld [tilespmem:s29+$0x0];
	v17 =	vshll.u32 v18, $0x8;
	v18 =	vshll.u32 v18, $0x7;
	v20 =	vor.u32 v1, v21  }
0x114: {  	s23 =	sand.u32 $0x380, s1;
	v17 =	vand.u32 $0xFFFFF800, v17;
	v18 =	vand.u32 $0x380, v18  }
0x115: {  	s23 =	sor.u32 s23, s24;
	v17 =	vor.u32 v18, v17  }
0x116: {  	v18 =	vld [tilespmem:s23+$0x0];
	v22 =	vor.u32 v1, v17;
	_ =	sdelay $0x1  }
0x117: {  	[tilespmem:v20+s18+$0x0] =	vst.idx.add.f32.msk $0xffff, v19  }
0x118: {  	v20 =	vor.u32 v2, v21;
	v19 =	vld [tilespmem:s29+$0x10];
	_ =	sdelay $0x1  }
0x119: {  	[tilespmem:v22+s18+$0x0] =	vst.idx.add.f32.msk $0xffff, v18  }
0x11a: {  	v22 =	vor.u32 v2, v17;
	v18 =	vld [tilespmem:s23+$0x10];
	_ =	sdelay $0x1  }
0x11b: {  	[tilespmem:v20+s18+$0x0] =	vst.idx.add.f32.msk $0xffff, v19  }
0x11c: {  	v20 =	vor.u32 v3, v21;
	v19 =	vld [tilespmem:s29+$0x20];
	_ =	sdelay $0x1  }
0x11d: {  	[tilespmem:v22+s18+$0x0] =	vst.idx.add.f32.msk $0xffff, v18  }
0x11e: {  	v22 =	vor.u32 v3, v17;
	v18 =	vld [tilespmem:s23+$0x20];
	_ =	sdelay $0x1  }
0x11f: {  	[tilespmem:v20+s18+$0x0] =	vst.idx.add.f32.msk $0xffff, v19  }
0x120: {  	v20 =	vor.u32 v4, v21;
	v19 =	vld [tilespmem:s29+$0x30];
	_ =	sdelay $0x1  }
0x121: {  	[tilespmem:v22+s18+$0x0] =	vst.idx.add.f32.msk $0xffff, v18  }
0x122: {  	v22 =	vor.u32 v4, v17;
	v18 =	vld [tilespmem:s23+$0x30];
	_ =	sdelay $0x1  }
0x123: {  	[tilespmem:v20+s18+$0x0] =	vst.idx.add.f32.msk $0xffff, v19  }
0x124: {  	v20 =	vor.u32 v5, v21;
	v19 =	vld [tilespmem:s29+$0x40];
	_ =	sdelay $0x1  }
0x125: {  	[tilespmem:v22+s18+$0x0] =	vst.idx.add.f32.msk $0xffff, v18  }
0x126: {  	v22 =	vor.u32 v5, v17;
	v18 =	vld [tilespmem:s23+$0x40];
	_ =	sdelay $0x1  }
0x127: {  	[tilespmem:v20+s18+$0x0] =	vst.idx.add.f32.msk $0xffff, v19  }
0x128: {  	v20 =	vor.u32 v6, v21;
	v19 =	vld [tilespmem:s29+$0x50];
	_ =	sdelay $0x1  }
0x129: {  	[tilespmem:v22+s18+$0x0] =	vst.idx.add.f32.msk $0xffff, v18  }
0x12a: {  	v22 =	vor.u32 v6, v17;
	v18 =	vld [tilespmem:s23+$0x50];
	_ =	sdelay $0x1  }
0x12b: {  	[tilespmem:v20+s18+$0x0] =	vst.idx.add.f32.msk $0xffff, v19  }
0x12c: {  	v20 =	vor.u32 v7, v21;
	v19 =	vld [tilespmem:s29+$0x60];
	_ =	sdelay $0x1  }
0x12d: {  	[tilespmem:v22+s18+$0x0] =	vst.idx.add.f32.msk $0xffff, v18  }
0x12e: {  	v22 =	vor.u32 v7, v17;
	v18 =	vld [tilespmem:s23+$0x60];
	_ =	sdelay $0x1  }
0x12f: {  	[tilespmem:v20+s18+$0x0] =	vst.idx.add.f32.msk $0xffff, v19  }
0x130: {  	v20 =	vor.u32 v8, v21;
	v19 =	vld [tilespmem:s29+$0x70];
	_ =	sdelay $0x1  }
0x131: {  	[tilespmem:v22+s18+$0x0] =	vst.idx.add.f32.msk $0xffff, v18  }
0x132: {  	v22 =	vor.u32 v8, v17;
	v18 =	vld [tilespmem:s23+$0x70]  }
0x133: {  	s25 =	simm.s32 $0x2  }
0x134: {  	v23 =	vmov s25;
	[tilespmem:v20+s18+$0x0] =	vst.idx.add.f32.msk $0xffff, v19  }
0x135: {  	v19 =	vand.u32 $0xFFFFFFFE, v23;
	v23 =	vor.u32 v9, v21;
	v20 =	vld [tilespmem:s29+$0x400]  }
0x136: {  	v19 =	vbroadcast v19, $0x0  }
0x137: {  	[tilespmem:v22+s18+$0x0] =	vst.idx.add.f32.msk $0xffff, v18  }
0x138: {  	v22 =	vor.u32 v9, v17;
	v18 =	vld [tilespmem:s23+$0x400]  }
0x139: {  	s26 =	simm.s32 $0x3  }
0x13a: {  	v24 =	vmov s26;
	[tilespmem:v23+s18+$0x0] =	vst.idx.add.f32.msk $0xffff, v20  }
0x13b: {  	v23 =	vor.u32 v10, v21;
	v20 =	vld [tilespmem:s29+$0x410]  }
0x13c: {  	s30 =	simm.s32 $0x5;
	v19 =	vld.idx.msk [tilespmem:v19+s13+$0x0], $0xffff  }
0x13d: {  	v25 =	vmov s30;
	[tilespmem:v22+s18+$0x0] =	vst.idx.add.f32.msk $0xffff, v18  }
0x13e: {  	v22 =	vor.u32 v10, v17;
	v18 =	vld [tilespmem:s23+$0x410]  }
0x13f: {  	v24 =	vld.idx.msk [tilespmem:v24+s13+$0x0], $0xffff  }
0x140: {  	[tilespmem:v23+s18+$0x0] =	vst.idx.add.f32.msk $0xffff, v20  }
0x141: {  	v26 =	vor.u32 v11, v21;
	v23 =	vld [tilespmem:s29+$0x420]  }
0x142: {  	s31 =	simm.s32 $0x100;
	s26 =	simm.s32 $0x200;
	v20 =	vld.idx.msk [tilespmem:v25+s13+$0x0], $0xffff;
	v25 =	vshll.u32 v19, $0x8;
	v19 =	vshll.u32 v19, $0x7  }
0x143: {  	s25 =	sand.u32 $0x7800, s26;
	s24 =	sand.u32 $0x300, s31;
	v25 =	vand.u32 $0xFFFFF800, v25;
	v19 =	vand.u32 $0x380, v19;
	[tilespmem:v22+s18+$0x0] =	vst.idx.add.f32.msk $0xffff, v18  }
0x144: {  	s24 =	sor.u32 s24, s25;
	v18 =	vor.u32 v19, v25;
	v25 =	vor.u32 v11, v17;
	v22 =	vld [tilespmem:s23+$0x420]  }
0x145: {  	s28 =	simm.s32 $0x180;
	v27 =	vld [tilespmem:s24+$0x0];
	v28 =	vor.u32 v1, v18  }
0x146: {  	s30 =	sand.u32 $0x380, s28;
	v19 =	vshll.u32 v24, $0x8;
	v24 =	vshll.u32 v24, $0x7;
	[tilespmem:v26+s18+$0x0] =	vst.idx.add.f32.msk $0xffff, v23  }
0x147: {  	s25 =	sor.u32 s30, s25;
	v19 =	vand.u32 $0xFFFFF800, v19;
	v23 =	vand.u32 $0x380, v24;
	v26 =	vor.u32 v12, v21;
	v24 =	vld [tilespmem:s29+$0x430]  }
0x148: {  	v29 =	vld [tilespmem:s25+$0x0];
	v19 =	vor.u32 v23, v19  }
0x149: {  	v23 =	vor.u32 v1, v19;
	[tilespmem:v25+s18+$0x0] =	vst.idx.add.f32.msk $0xffff, v22  }
0x14a: {  	[tilespmem:v28+s18+$0x0] =	vst.idx.add.f32.msk $0xffff, v27  }
0x14b: {  	v25 =	vor.u32 v2, v18;
	v22 =	vld [tilespmem:s24+$0x10]  }
0x14c: {  	[tilespmem:v26+s18+$0x0] =	vst.idx.add.f32.msk $0xffff, v24  }
0x14d: {  	v26 =	vor.u32 v13, v21;
	v24 =	vld [tilespmem:s29+$0x440]  }
0x14e: {  	[tilespmem:v23+s18+$0x0] =	vst.idx.add.f32.msk $0xffff, v29  }
0x14f: {  	v27 =	vor.u32 v2, v19;
	v23 =	vld [tilespmem:s25+$0x10]  }
0x150: {  	[tilespmem:v25+s18+$0x0] =	vst.idx.add.f32.msk $0xffff, v22  }
0x151: {  	v25 =	vor.u32 v3, v18;
	v22 =	vld [tilespmem:s24+$0x20]  }
0x152: {  	[tilespmem:v26+s18+$0x0] =	vst.idx.add.f32.msk $0xffff, v24  }
0x153: {  	v26 =	vor.u32 v14, v21;
	v24 =	vld [tilespmem:s29+$0x450]  }
0x154: {  	[tilespmem:v27+s18+$0x0] =	vst.idx.add.f32.msk $0xffff, v23  }
0x155: {  	v27 =	vor.u32 v3, v19;
	v23 =	vld [tilespmem:s25+$0x20]  }
0x156: {  	[tilespmem:v25+s18+$0x0] =	vst.idx.add.f32.msk $0xffff, v22  }
0x157: {  	v25 =	vor.u32 v4, v18;
	v22 =	vld [tilespmem:s24+$0x30]  }
0x158: {  	[tilespmem:v26+s18+$0x0] =	vst.idx.add.f32.msk $0xffff, v24  }
0x159: {  	v26 =	vor.u32 v15, v21;
	v24 =	vld [tilespmem:s29+$0x460]  }
0x15a: {  	[tilespmem:v27+s18+$0x0] =	vst.idx.add.f32.msk $0xffff, v23  }
0x15b: {  	v27 =	vor.u32 v4, v19;
	v23 =	vld [tilespmem:s25+$0x30]  }
0x15c: {  	[tilespmem:v25+s18+$0x0] =	vst.idx.add.f32.msk $0xffff, v22  }
0x15d: {  	v22 =	vld [tilespmem:s24+$0x40]  }
0x15e: {  	v25 =	vor.u32 v5, v18;
	[tilespmem:v26+s18+$0x0] =	vst.idx.add.f32.msk $0xffff, v24  }
0x15f: {  	v21 =	vor.u32 v16, v21;
	v24 =	vld [tilespmem:s29+$0x470]  }
0x160: {  	[tilespmem:v27+s18+$0x0] =	vst.idx.add.f32.msk $0xffff, v23  }
0x161: {  	v26 =	vor.u32 v5, v19;
	v23 =	vld [tilespmem:s25+$0x40]  }
0x162: {  	v27 =	vld [tilespmem:s23+$0x430]  }
0x163: {  	[tilespmem:v25+s18+$0x0] =	vst.idx.add.f32.msk $0xffff, v22;
	v22 =	vor.u32 v12, v17  }
0x164: {  	[tilespmem:v21+s18+$0x0] =	vst.idx.add.f32.msk $0xffff, v24  }
0x165: {  	v21 =	vld [tilespmem:s24+$0x50];
	v24 =	vor.u32 v6, v18  }
0x166: {  	[tilespmem:v26+s18+$0x0] =	vst.idx.add.f32.msk $0xffff, v23  }
0x167: {  	v25 =	vor.u32 v6, v19;
	v23 =	vld [tilespmem:s25+$0x50]  }
0x168: {  	[tilespmem:v22+s18+$0x0] =	vst.idx.add.f32.msk $0xffff, v27  }
0x169: {  	v26 =	vor.u32 v13, v17;
	v22 =	vld [tilespmem:s23+$0x440]  }
0x16a: {  	[tilespmem:v24+s18+$0x0] =	vst.idx.add.f32.msk $0xffff, v21  }
0x16b: {  	v24 =	vor.u32 v7, v18;
	v21 =	vld [tilespmem:s24+$0x60]  }
0x16c: {  	[tilespmem:v25+s18+$0x0] =	vst.idx.add.f32.msk $0xffff, v23  }
0x16d: {  	v25 =	vor.u32 v7, v19;
	v23 =	vld [tilespmem:s25+$0x60]  }
0x16e: {  	[tilespmem:v26+s18+$0x0] =	vst.idx.add.f32.msk $0xffff, v22  }
0x16f: {  	v26 =	vor.u32 v14, v17;
	v22 =	vld [tilespmem:s23+$0x450]  }
0x170: {  	[tilespmem:v24+s18+$0x0] =	vst.idx.add.f32.msk $0xffff, v21  }
0x171: {  	v24 =	vor.u32 v8, v18;
	v21 =	vld [tilespmem:s24+$0x70]  }
0x172: {  	[tilespmem:v25+s18+$0x0] =	vst.idx.add.f32.msk $0xffff, v23  }
0x173: {  	v63 =	vor.u32 v8, v19;
	v27 =	vld [tilespmem:s25+$0x70]  }
0x174: {  	[tilespmem:v26+s18+$0x0] =	vst.idx.add.f32.msk $0xffff, v22  }
0x175: {  	s29 =	simm.s32 $0x4;
	v25 =	vor.u32 v15, v17;
	v22 =	vld [tilespmem:s23+$0x460]  }
0x176: {  	v23 =	vmov s29;
	[tilespmem:v24+s18+$0x0] =	vst.idx.add.f32.msk $0xffff, v21  }
0x177: {  	v21 =	vand.u32 $0xFFFFFFFE, v23;
	v24 =	vor.u32 v9, v18;
	v23 =	vld [tilespmem:s24+$0x400]  }
0x178: {  	s29 =	simm.s32 $0x6;
	v21 =	vbroadcast v21, $0x0;
	[tilespmem:v63+s18+$0x0] =	vst.idx.add.f32.msk $0xffff, v27  }
.LBB2_2:
0x179: {  	p1 =	slt.u32 s29, $0x4E;
	v26 =	vld [tilespmem:s25+$0x400]  }
0x17a: {  	v27 =	vor.u32 v9, v19;
	[tilespmem:v25+s18+$0x0] =	vst.idx.add.f32.msk $0xffff, v22  }
0x17b: {  	v22 =	vld [tilespmem:s23+$0x470];
	s23 =	smov.u32 s25  }
0x17c: {  	[tilespmem:v24+s18+$0x0] =	vst.idx.add.f32.msk $0xffff, v23;
	v23 =	vor.u32 v16, v17;
	v17 =	vmov v19  }
0x17d: {  	v24 =	vor.u32 v10, v18;
	v19 =	vld [tilespmem:s24+$0x410]  }
0x17e: {  	s25 =	sadd.s32 $0x1, s29;
	v21 =	vld.idx.msk [tilespmem:v21+s13+$0x0], $0xffff  }
0x17f: {  	v25 =	vmov s25;
	[tilespmem:v27+s18+$0x0] =	vst.idx.add.f32.msk $0xffff, v26  }
0x180: {  	v27 =	vor.u32 v10, v17;
	v26 =	vld [tilespmem:s23+$0x410]  }
0x181: {  	[tilespmem:v23+s18+$0x0] =	vst.idx.add.f32.msk $0xffff, v22  }
0x182: {  	[tilespmem:v24+s18+$0x0] =	vst.idx.add.f32.msk $0xffff, v19  }
0x183: {  	s28 =	sadd.s32 $0x100, s28;
	v22 =	vor.u32 v11, v18;
	v19 =	vld [tilespmem:s24+$0x420]  }
0x184: {  	s26 =	sadd.s32 $0x200, s26;
	s31 =	sand.u32 $0x380, s28;
	s25 =	sadd.s32 $0xFFFFFF80, s28;
	v24 =	vshll.u32 v21, $0x8;
	v21 =	vshll.u32 v21, $0x7;
	v23 =	vld.idx.msk [tilespmem:v25+s13+$0x0], $0xffff  }
0x185: {  	s1 =	sand.u32 $0x7800, s26;
	s25 =	sand.u32 $0x300, s25;
	v24 =	vand.u32 $0xFFFFF800, v24;
	v21 =	vand.u32 $0x380, v21;
	[tilespmem:v27+s18+$0x0] =	vst.idx.add.f32.msk $0xffff, v26  }
0x186: {  	s30 =	sor.u32 s25, s1;
	s25 =	sor.u32 s31, s1;
	v25 =	vor.u32 v11, v17;
	v21 =	vor.u32 v21, v24;
	v24 =	vld [tilespmem:s23+$0x420]  }
0x187: {  	v27 =	vor.u32 v1, v21;
	v26 =	vld [tilespmem:s30+$0x0]  }
0x188: {  	v28 =	vshll.u32 v20, $0x8;
	v31 =	vshll.u32 v20, $0x7;
	[tilespmem:v22+s18+$0x0] =	vst.idx.add.f32.msk $0xffff, v19  }
0x189: {  	v30 =	vand.u32 $0x380, v31;
	v19 =	vand.u32 $0xFFFFF800, v28;
	v28 =	vor.u32 v12, v18;
	v22 =	vld [tilespmem:s24+$0x430]  }
0x18a: {  	v19 =	vor.u32 v30, v19;
	v20 =	vmov v23;
	v29 =	vld [tilespmem:s25+$0x0]  }
0x18b: {  	v23 =	vor.u32 v1, v19;
	[tilespmem:v25+s18+$0x0] =	vst.idx.add.f32.msk $0xffff, v24  }
0x18c: {  	[tilespmem:v27+s18+$0x0] =	vst.idx.add.f32.msk $0xffff, v26  }
0x18d: {  	v25 =	vor.u32 v2, v21;
	v24 =	vld [tilespmem:s30+$0x10]  }
0x18e: {  	[tilespmem:v28+s18+$0x0] =	vst.idx.add.f32.msk $0xffff, v22  }
0x18f: {  	v26 =	vor.u32 v13, v18;
	v22 =	vld [tilespmem:s24+$0x440]  }
0x190: {  	[tilespmem:v23+s18+$0x0] =	vst.idx.add.f32.msk $0xffff, v29  }
0x191: {  	v27 =	vor.u32 v2, v19;
	v23 =	vld [tilespmem:s25+$0x10]  }
0x192: {  	[tilespmem:v25+s18+$0x0] =	vst.idx.add.f32.msk $0xffff, v24  }
0x193: {  	v25 =	vor.u32 v3, v21;
	v24 =	vld [tilespmem:s30+$0x20]  }
0x194: {  	[tilespmem:v26+s18+$0x0] =	vst.idx.add.f32.msk $0xffff, v22  }
0x195: {  	v26 =	vor.u32 v14, v18;
	v22 =	vld [tilespmem:s24+$0x450]  }
0x196: {  	[tilespmem:v27+s18+$0x0] =	vst.idx.add.f32.msk $0xffff, v23  }
0x197: {  	v27 =	vor.u32 v3, v19;
	v23 =	vld [tilespmem:s25+$0x20]  }
0x198: {  	[tilespmem:v25+s18+$0x0] =	vst.idx.add.f32.msk $0xffff, v24  }
0x199: {  	v25 =	vor.u32 v4, v21;
	v24 =	vld [tilespmem:s30+$0x30]  }
0x19a: {  	[tilespmem:v26+s18+$0x0] =	vst.idx.add.f32.msk $0xffff, v22  }
0x19b: {  	v26 =	vor.u32 v15, v18;
	v22 =	vld [tilespmem:s24+$0x460]  }
0x19c: {  	[tilespmem:v27+s18+$0x0] =	vst.idx.add.f32.msk $0xffff, v23  }
0x19d: {  	v27 =	vor.u32 v4, v19;
	v23 =	vld [tilespmem:s25+$0x30]  }
0x19e: {  	[tilespmem:v25+s18+$0x0] =	vst.idx.add.f32.msk $0xffff, v24  }
0x19f: {  	v24 =	vld [tilespmem:s30+$0x40]  }
0x1a0: {  	v25 =	vor.u32 v5, v21;
	[tilespmem:v26+s18+$0x0] =	vst.idx.add.f32.msk $0xffff, v22  }
0x1a1: {  	v26 =	vor.u32 v16, v18;
	v18 =	vmov v21;
	v22 =	vld [tilespmem:s24+$0x470];
	s24 =	smov.u32 s30  }
0x1a2: {  	[tilespmem:v27+s18+$0x0] =	vst.idx.add.f32.msk $0xffff, v23  }
0x1a3: {  	v23 =	vor.u32 v5, v19;
	v21 =	vld [tilespmem:s25+$0x40]  }
0x1a4: {  	v27 =	vld [tilespmem:s23+$0x430]  }
0x1a5: {  	[tilespmem:v25+s18+$0x0] =	vst.idx.add.f32.msk $0xffff, v24;
	v24 =	vor.u32 v12, v17  }
0x1a6: {  	[tilespmem:v26+s18+$0x0] =	vst.idx.add.f32.msk $0xffff, v22  }
0x1a7: {  	v25 =	vor.u32 v6, v18;
	v22 =	vld [tilespmem:s24+$0x50]  }
0x1a8: {  	[tilespmem:v23+s18+$0x0] =	vst.idx.add.f32.msk $0xffff, v21  }
0x1a9: {  	v23 =	vor.u32 v6, v19;
	v21 =	vld [tilespmem:s25+$0x50]  }
0x1aa: {  	[tilespmem:v24+s18+$0x0] =	vst.idx.add.f32.msk $0xffff, v27  }
0x1ab: {  	v26 =	vor.u32 v13, v17;
	v24 =	vld [tilespmem:s23+$0x440]  }
0x1ac: {  	[tilespmem:v25+s18+$0x0] =	vst.idx.add.f32.msk $0xffff, v22  }
0x1ad: {  	v25 =	vor.u32 v7, v18;
	v22 =	vld [tilespmem:s24+$0x60]  }
0x1ae: {  	[tilespmem:v23+s18+$0x0] =	vst.idx.add.f32.msk $0xffff, v21  }
0x1af: {  	v23 =	vor.u32 v7, v19;
	v21 =	vld [tilespmem:s25+$0x60]  }
0x1b0: {  	[tilespmem:v26+s18+$0x0] =	vst.idx.add.f32.msk $0xffff, v24  }
0x1b1: {  	v26 =	vor.u32 v14, v17;
	v24 =	vld [tilespmem:s23+$0x450]  }
0x1b2: {  	[tilespmem:v25+s18+$0x0] =	vst.idx.add.f32.msk $0xffff, v22  }
0x1b3: {  	v28 =	vor.u32 v8, v18;
	v27 =	vld [tilespmem:s24+$0x70]  }
0x1b4: {  	[tilespmem:v23+s18+$0x0] =	vst.idx.add.f32.msk $0xffff, v21  }
0x1b5: {  	v30 =	vor.u32 v8, v19;
	v29 =	vld [tilespmem:s25+$0x70]  }
.Ltmp2:
0x1b6: {  	[tilespmem:v26+s18+$0x0] =	vst.idx.add.f32.msk $0xffff, v24;
	(pc) =	sbr.rel @p1 .LBB2_2-.Ltmp2, $4  }
0x1b7: {  	v25 =	vor.u32 v15, v17;
	v22 =	vld [tilespmem:s23+$0x460]  }
0x1b8: {  	v21 =	vmov s29;
	[tilespmem:v28+s18+$0x0] =	vst.idx.add.f32.msk $0xffff, v27  }
0x1b9: {  	v21 =	vand.u32 $0xFFFFFFFE, v21;
	v24 =	vor.u32 v9, v18;
	v23 =	vld [tilespmem:s24+$0x400]  }
0x1ba: {  	s29 =	sadd.s32 $0x2, s29;
	v21 =	vbroadcast v21, $0x0;
	[tilespmem:v30+s18+$0x0] =	vst.idx.add.f32.msk $0xffff, v29  }
0x1bb: {  	_ =	sdelay $0x4  }
0x1bc: {  	v21 =	vld.idx.msk [tilespmem:v21+s13+$0x0], $0xffff;
	_ =	sdelay $0x3  }
0x1bd: {  	s1 =	sadd.s32 $0x100, s28  }
0x1be: {  	s26 =	sadd.s32 $0x200, s26;
	s28 =	sadd.s32 $0xFFFFFF80, s1;
	v26 =	vshll.u32 v21, $0x8;
	v21 =	vshll.u32 v21, $0x7  }
0x1bf: {  	s29 =	sand.u32 $0x7800, s26;
	s31 =	sand.u32 $0x300, s28;
	v26 =	vand.u32 $0xFFFFF800, v26;
	v21 =	vand.u32 $0x380, v21  }
0x1c0: {  	s26 =	sor.u32 s31, s29;
	v21 =	vor.u32 v21, v26;
	v26 =	vshll.u32 v20, $0x8;
	v20 =	vshll.u32 v20, $0x7  }
0x1c1: {  	s1 =	sand.u32 $0x380, s1;
	v27 =	vld [tilespmem:s26+$0x0];
	v28 =	vor.u32 v1, v21;
	v26 =	vand.u32 $0xFFFFF800, v26;
	v20 =	vand.u32 $0x380, v20  }
0x1c2: {  	[tilespmem:v25+s18+$0x0] =	vst.idx.add.f32.msk $0xffff, v22;
	s28 =	sor.u32 s1, s29;
	v20 =	vor.u32 v20, v26  }
0x1c3: {  	v22 =	vld [tilespmem:s28+$0x0];
	v25 =	vor.u32 v1, v20  }
0x1c4: {  	[tilespmem:v24+s18+$0x0] =	vst.idx.add.f32.msk $0xffff, v23  }
0x1c5: {  	v26 =	vld [tilespmem:s25+$0x400]  }
0x1c6: {  	v23 =	vor.u32 v9, v19;
	[tilespmem:v28+s18+$0x0] =	vst.idx.add.f32.msk $0xffff, v27  }
0x1c7: {  	v27 =	vor.u32 v2, v21;
	v24 =	vld [tilespmem:s26+$0x10]  }
0x1c8: {  	[tilespmem:v25+s18+$0x0] =	vst.idx.add.f32.msk $0xffff, v22  }
0x1c9: {  	v25 =	vor.u32 v2, v20;
	v22 =	vld [tilespmem:s28+$0x10]  }
0x1ca: {  	v55 =	vld [tilespmem:s24+$0x410]  }
0x1cb: {  	[tilespmem:v23+s18+$0x0] =	vst.idx.add.f32.msk $0xffff, v26  }
0x1cc: {  	v23 =	vor.u32 v10, v18;
	[tilespmem:v27+s18+$0x0] =	vst.idx.add.f32.msk $0xffff, v24  }
0x1cd: {  	v26 =	vor.u32 v3, v21;
	v24 =	vld [tilespmem:s26+$0x20]  }
0x1ce: {  	[tilespmem:v25+s18+$0x0] =	vst.idx.add.f32.msk $0xffff, v22  }
0x1cf: {  	v25 =	vor.u32 v3, v20;
	v22 =	vld [tilespmem:s28+$0x20]  }
0x1d0: {  	v27 =	vld [tilespmem:s25+$0x410]  }
0x1d1: {  	[tilespmem:v23+s18+$0x0] =	vst.idx.add.f32.msk $0xffff, v55  }
0x1d2: {  	v23 =	vor.u32 v10, v19;
	[tilespmem:v26+s18+$0x0] =	vst.idx.add.f32.msk $0xffff, v24  }
0x1d3: {  	v26 =	vor.u32 v4, v21;
	v24 =	vld [tilespmem:s26+$0x30]  }
0x1d4: {  	[tilespmem:v25+s18+$0x0] =	vst.idx.add.f32.msk $0xffff, v22  }
0x1d5: {  	v25 =	vor.u32 v4, v20;
	v22 =	vld [tilespmem:s28+$0x30]  }
0x1d6: {  	v28 =	vld [tilespmem:s24+$0x420]  }
0x1d7: {  	[tilespmem:v23+s18+$0x0] =	vst.idx.add.f32.msk $0xffff, v27  }
0x1d8: {  	v23 =	vor.u32 v11, v18;
	[tilespmem:v26+s18+$0x0] =	vst.idx.add.f32.msk $0xffff, v24  }
0x1d9: {  	v26 =	vor.u32 v5, v21;
	v24 =	vld [tilespmem:s26+$0x40]  }
0x1da: {  	[tilespmem:v25+s18+$0x0] =	vst.idx.add.f32.msk $0xffff, v22  }
0x1db: {  	v25 =	vor.u32 v5, v20;
	v22 =	vld [tilespmem:s28+$0x40]  }
0x1dc: {  	v27 =	vld [tilespmem:s25+$0x420]  }
0x1dd: {  	[tilespmem:v23+s18+$0x0] =	vst.idx.add.f32.msk $0xffff, v28  }
0x1de: {  	v23 =	vor.u32 v11, v19;
	[tilespmem:v26+s18+$0x0] =	vst.idx.add.f32.msk $0xffff, v24  }
0x1df: {  	v26 =	vor.u32 v6, v21;
	v24 =	vld [tilespmem:s26+$0x50]  }
0x1e0: {  	[tilespmem:v25+s18+$0x0] =	vst.idx.add.f32.msk $0xffff, v22  }
0x1e1: {  	v25 =	vor.u32 v6, v20;
	v22 =	vld [tilespmem:s28+$0x50]  }
0x1e2: {  	v28 =	vld [tilespmem:s24+$0x430]  }
0x1e3: {  	v29 =	vor.u32 v12, v18;
	[tilespmem:v23+s18+$0x0] =	vst.idx.add.f32.msk $0xffff, v27  }
0x1e4: {  	[tilespmem:v26+s18+$0x0] =	vst.idx.add.f32.msk $0xffff, v24  }
0x1e5: {  	v24 =	vor.u32 v7, v21;
	v23 =	vld [tilespmem:s26+$0x60]  }
0x1e6: {  	[tilespmem:v25+s18+$0x0] =	vst.idx.add.f32.msk $0xffff, v22  }
0x1e7: {  	v25 =	vor.u32 v7, v20;
	v22 =	vld [tilespmem:s28+$0x60]  }
0x1e8: {  	[tilespmem:v29+s18+$0x0] =	vst.idx.add.f32.msk $0xffff, v28  }
0x1e9: {  	v27 =	vor.u32 v13, v18;
	v26 =	vld [tilespmem:s24+$0x440]  }
0x1ea: {  	[tilespmem:v24+s18+$0x0] =	vst.idx.add.f32.msk $0xffff, v23  }
0x1eb: {  	v24 =	vor.u32 v8, v21;
	v23 =	vld [tilespmem:s26+$0x70]  }
0x1ec: {  	[tilespmem:v25+s18+$0x0] =	vst.idx.add.f32.msk $0xffff, v22  }
0x1ed: {  	v25 =	vor.u32 v8, v20;
	v22 =	vld [tilespmem:s28+$0x70]  }
0x1ee: {  	[tilespmem:v27+s18+$0x0] =	vst.idx.add.f32.msk $0xffff, v26  }
0x1ef: {  	v27 =	vor.u32 v14, v18;
	v26 =	vld [tilespmem:s24+$0x450]  }
0x1f0: {  	[tilespmem:v24+s18+$0x0] =	vst.idx.add.f32.msk $0xffff, v23  }
0x1f1: {  	v24 =	vor.u32 v9, v21;
	v23 =	vld [tilespmem:s26+$0x400]  }
0x1f2: {  	[tilespmem:v25+s18+$0x0] =	vst.idx.add.f32.msk $0xffff, v22  }
0x1f3: {  	v25 =	vor.u32 v9, v20;
	v22 =	vld [tilespmem:s28+$0x400]  }
0x1f4: {  	[tilespmem:v27+s18+$0x0] =	vst.idx.add.f32.msk $0xffff, v26  }
0x1f5: {  	v26 =	vld [tilespmem:s24+$0x460]  }
0x1f6: {  	v27 =	vor.u32 v15, v18;
	[tilespmem:v24+s18+$0x0] =	vst.idx.add.f32.msk $0xffff, v23  }
0x1f7: {  	v24 =	vor.u32 v10, v21;
	v23 =	vld [tilespmem:s26+$0x410]  }
0x1f8: {  	[tilespmem:v25+s18+$0x0] =	vst.idx.add.f32.msk $0xffff, v22  }
0x1f9: {  	v25 =	vor.u32 v10, v20;
	v22 =	vld [tilespmem:s28+$0x410]  }
0x1fa: {  	v56 =	vld [tilespmem:s23+$0x470]  }
0x1fb: {  	[tilespmem:v27+s18+$0x0] =	vst.idx.add.f32.msk $0xffff, v26  }
0x1fc: {  	[tilespmem:v24+s18+$0x0] =	vst.idx.add.f32.msk $0xffff, v23  }
0x1fd: {  	v24 =	vor.u32 v11, v21;
	v23 =	vld [tilespmem:s26+$0x420]  }
0x1fe: {  	[tilespmem:v25+s18+$0x0] =	vst.idx.add.f32.msk $0xffff, v22  }
0x1ff: {  	v25 =	vor.u32 v11, v20;
	v22 =	vld [tilespmem:s28+$0x420]  }
0x200: {  	v27 =	vld [tilespmem:s25+$0x430]  }
0x201: {  	v57 =	vor.u32 v12, v19;
	v26 =	vld [tilespmem:s24+$0x470]  }
0x202: {  	[tilespmem:v24+s18+$0x0] =	vst.idx.add.f32.msk $0xffff, v23  }
0x203: {  	v24 =	vor.u32 v12, v21;
	v23 =	vld [tilespmem:s26+$0x430]  }
0x204: {  	[tilespmem:v25+s18+$0x0] =	vst.idx.add.f32.msk $0xffff, v22  }
0x205: {  	v25 =	vor.u32 v12, v20;
	v22 =	vld [tilespmem:s28+$0x430]  }
0x206: {  	[tilespmem:v57+s18+$0x0] =	vst.idx.add.f32.msk $0xffff, v27  }
0x207: {  	v58 =	vor.u32 v13, v19;
	v27 =	vld [tilespmem:s25+$0x440]  }
0x208: {  	[tilespmem:v24+s18+$0x0] =	vst.idx.add.f32.msk $0xffff, v23  }
0x209: {  	v24 =	vor.u32 v13, v21;
	v23 =	vld [tilespmem:s26+$0x440]  }
0x20a: {  	[tilespmem:v25+s18+$0x0] =	vst.idx.add.f32.msk $0xffff, v22  }
0x20b: {  	v25 =	vor.u32 v13, v20;
	v22 =	vld [tilespmem:s28+$0x440]  }
0x20c: {  	[tilespmem:v58+s18+$0x0] =	vst.idx.add.f32.msk $0xffff, v27  }
0x20d: {  	v59 =	vor.u32 v14, v19;
	v27 =	vld [tilespmem:s25+$0x450]  }
0x20e: {  	[tilespmem:v24+s18+$0x0] =	vst.idx.add.f32.msk $0xffff, v23  }
0x20f: {  	v24 =	vor.u32 v14, v21;
	v23 =	vld [tilespmem:s26+$0x450]  }
0x210: {  	[tilespmem:v25+s18+$0x0] =	vst.idx.add.f32.msk $0xffff, v22  }
0x211: {  	v25 =	vor.u32 v14, v20;
	v22 =	vld [tilespmem:s28+$0x450]  }
0x212: {  	[tilespmem:v59+s18+$0x0] =	vst.idx.add.f32.msk $0xffff, v27  }
0x213: {  	v60 =	vor.u32 v15, v19;
	v27 =	vld [tilespmem:s25+$0x460]  }
0x214: {  	[tilespmem:v24+s18+$0x0] =	vst.idx.add.f32.msk $0xffff, v23  }
0x215: {  	v24 =	vor.u32 v15, v21;
	v23 =	vld [tilespmem:s26+$0x460]  }
0x216: {  	[tilespmem:v25+s18+$0x0] =	vst.idx.add.f32.msk $0xffff, v22  }
0x217: {  	v25 =	vor.u32 v15, v20;
	v22 =	vld [tilespmem:s28+$0x460]  }
0x218: {  	[tilespmem:v60+s18+$0x0] =	vst.idx.add.f32.msk $0xffff, v27  }
0x219: {  	v17 =	vor.u32 v16, v17;
	v27 =	vld [tilespmem:s25+$0x470]  }
0x21a: {  	v18 =	vor.u32 v16, v18;
	[tilespmem:v24+s18+$0x0] =	vst.idx.add.f32.msk $0xffff, v23  }
0x21b: {  	v19 =	vor.u32 v16, v19;
	v23 =	vld [tilespmem:s26+$0x470]  }
0x21c: {  	v21 =	vor.u32 v16, v21;
	[tilespmem:v25+s18+$0x0] =	vst.idx.add.f32.msk $0xffff, v22  }
0x21d: {  	v20 =	vor.u32 v16, v20;
	v22 =	vld [tilespmem:s28+$0x470]  }
0x21e: {  	[tilespmem:v17+s18+$0x0] =	vst.idx.add.f32.msk $0xffff, v56  }
0x21f: {  	[tilespmem:v18+s18+$0x0] =	vst.idx.add.f32.msk $0xffff, v26  }
0x220: {  	[tilespmem:v19+s18+$0x0] =	vst.idx.add.f32.msk $0xffff, v27  }
0x221: {  	[tilespmem:v21+s18+$0x0] =	vst.idx.add.f32.msk $0xffff, v23  }
0x222: {  	[tilespmem:v20+s18+$0x0] =	vst.idx.add.f32.msk $0xffff, v22  }
0x223: {  	s26 =	simm.s32 $0x0;
	_ =	swait.ge [sflag:s19], $0x5000  }
0x224: {  	v17 =	vmov s26;
	[sflag:s19] =	ssyncset.done $0x0  }
0x225: {  	v17 =	vand.u32 $0xFFFFFFFE, v17;
	[sflag:s19] =	ssyncadd.s32 $0xFFFFB000  }
0x226: {  	v17 =	vbroadcast v17, $0x0;
	_ =	swait.ge [sflag:s20], $0x50  }
0x227: {  	[sflag:s20] =	ssyncset.done $0x0  }
0x228: {  	s30 =	simm.s32 $0x1;
	[sflag:s20] =	ssyncadd.s32 $0xFFFFFFB0  }
0x229: {  	[tilespmem:s26], [sflag:$0x1] =	stream.linear.gather [hbm4b:s7+s26], $0x5000, $0x38;
	[tilespmem:$0xA900] =	vst v63  }
0x22a: {  	v18 =	vmov s30  }
0x22b: {  	[tilespmem:s13], [sflag:$0x3] =	stream.linear.gather [hbm4b:s8+s26], $0x50, $0x38;
	[tilespmem:$0xA900] =	vst v63  }
0x22c: {  	v17 =	vld.idx.msk [tilespmem:v17+s17+$0x0], $0xffff;
	_ =	sdelay $0x2  }
0x22d: {  	v18 =	vld.idx.msk [tilespmem:v18+s17+$0x0], $0xffff;
	_ =	sdelay $0x1  }
0x22e: {  	s31 =	simm.s32 $0x0;
	s1 =	sand.u32 $0x7800, s26;
	v19 =	vshll.u32 v17, $0x8;
	v17 =	vshll.u32 v17, $0x7  }
0x22f: {  	s23 =	sand.u32 $0x300, s31;
	s1 =	sadd.s32 $0x5000, s1;
	v19 =	vand.u32 $0xFFFFF800, v19;
	v17 =	vand.u32 $0x380, v17  }
0x230: {  	s29 =	sor.u32 s23, s1;
	v21 =	vor.u32 v17, v19  }
0x231: {  	s24 =	simm.s32 $0x80;
	v19 =	vld [tilespmem:s29+$0x0];
	v17 =	vshll.u32 v18, $0x8;
	v18 =	vshll.u32 v18, $0x7;
	v20 =	vor.u32 v1, v21  }
0x232: {  	s23 =	sand.u32 $0x380, s24;
	v17 =	vand.u32 $0xFFFFF800, v17;
	v18 =	vand.u32 $0x380, v18  }
0x233: {  	s23 =	sor.u32 s23, s1;
	v17 =	vor.u32 v18, v17  }
0x234: {  	v18 =	vld [tilespmem:s23+$0x0];
	v22 =	vor.u32 v1, v17;
	_ =	sdelay $0x1  }
0x235: {  	[tilespmem:v20+s18+$0x0] =	vst.idx.add.f32.msk $0xffff, v19  }
0x236: {  	v20 =	vor.u32 v2, v21;
	v19 =	vld [tilespmem:s29+$0x10];
	_ =	sdelay $0x1  }
0x237: {  	[tilespmem:v22+s18+$0x0] =	vst.idx.add.f32.msk $0xffff, v18  }
0x238: {  	v22 =	vor.u32 v2, v17;
	v18 =	vld [tilespmem:s23+$0x10];
	_ =	sdelay $0x1  }
0x239: {  	[tilespmem:v20+s18+$0x0] =	vst.idx.add.f32.msk $0xffff, v19  }
0x23a: {  	v20 =	vor.u32 v3, v21;
	v19 =	vld [tilespmem:s29+$0x20];
	_ =	sdelay $0x1  }
0x23b: {  	[tilespmem:v22+s18+$0x0] =	vst.idx.add.f32.msk $0xffff, v18  }
0x23c: {  	v22 =	vor.u32 v3, v17;
	v18 =	vld [tilespmem:s23+$0x20];
	_ =	sdelay $0x1  }
0x23d: {  	[tilespmem:v20+s18+$0x0] =	vst.idx.add.f32.msk $0xffff, v19  }
0x23e: {  	v20 =	vor.u32 v4, v21;
	v19 =	vld [tilespmem:s29+$0x30];
	_ =	sdelay $0x1  }
0x23f: {  	[tilespmem:v22+s18+$0x0] =	vst.idx.add.f32.msk $0xffff, v18  }
0x240: {  	v22 =	vor.u32 v4, v17;
	v18 =	vld [tilespmem:s23+$0x30];
	_ =	sdelay $0x1  }
0x241: {  	[tilespmem:v20+s18+$0x0] =	vst.idx.add.f32.msk $0xffff, v19  }
0x242: {  	v20 =	vor.u32 v5, v21;
	v19 =	vld [tilespmem:s29+$0x40];
	_ =	sdelay $0x1  }
0x243: {  	[tilespmem:v22+s18+$0x0] =	vst.idx.add.f32.msk $0xffff, v18  }
0x244: {  	v22 =	vor.u32 v5, v17;
	v18 =	vld [tilespmem:s23+$0x40];
	_ =	sdelay $0x1  }
0x245: {  	[tilespmem:v20+s18+$0x0] =	vst.idx.add.f32.msk $0xffff, v19  }
0x246: {  	v20 =	vor.u32 v6, v21;
	v19 =	vld [tilespmem:s29+$0x50];
	_ =	sdelay $0x1  }
0x247: {  	[tilespmem:v22+s18+$0x0] =	vst.idx.add.f32.msk $0xffff, v18  }
0x248: {  	v22 =	vor.u32 v6, v17;
	v18 =	vld [tilespmem:s23+$0x50];
	_ =	sdelay $0x1  }
0x249: {  	[tilespmem:v20+s18+$0x0] =	vst.idx.add.f32.msk $0xffff, v19  }
0x24a: {  	v20 =	vor.u32 v7, v21;
	v19 =	vld [tilespmem:s29+$0x60];
	_ =	sdelay $0x1  }
0x24b: {  	[tilespmem:v22+s18+$0x0] =	vst.idx.add.f32.msk $0xffff, v18  }
0x24c: {  	v22 =	vor.u32 v7, v17;
	v18 =	vld [tilespmem:s23+$0x60];
	_ =	sdelay $0x1  }
0x24d: {  	[tilespmem:v20+s18+$0x0] =	vst.idx.add.f32.msk $0xffff, v19  }
0x24e: {  	v20 =	vor.u32 v8, v21;
	v19 =	vld [tilespmem:s29+$0x70];
	_ =	sdelay $0x1  }
0x24f: {  	[tilespmem:v22+s18+$0x0] =	vst.idx.add.f32.msk $0xffff, v18  }
0x250: {  	v22 =	vor.u32 v8, v17;
	v18 =	vld [tilespmem:s23+$0x70]  }
0x251: {  	s25 =	simm.s32 $0x2  }
0x252: {  	v23 =	vmov s25;
	[tilespmem:v20+s18+$0x0] =	vst.idx.add.f32.msk $0xffff, v19  }
0x253: {  	v19 =	vand.u32 $0xFFFFFFFE, v23;
	v23 =	vor.u32 v9, v21;
	v20 =	vld [tilespmem:s29+$0x400]  }
0x254: {  	v19 =	vbroadcast v19, $0x0  }
0x255: {  	[tilespmem:v22+s18+$0x0] =	vst.idx.add.f32.msk $0xffff, v18  }
0x256: {  	v22 =	vor.u32 v9, v17;
	v18 =	vld [tilespmem:s23+$0x400]  }
0x257: {  	s26 =	simm.s32 $0x3  }
0x258: {  	v24 =	vmov s26;
	[tilespmem:v23+s18+$0x0] =	vst.idx.add.f32.msk $0xffff, v20  }
0x259: {  	v23 =	vor.u32 v10, v21;
	v20 =	vld [tilespmem:s29+$0x410]  }
0x25a: {  	s30 =	simm.s32 $0x5;
	v19 =	vld.idx.msk [tilespmem:v19+s17+$0x0], $0xffff  }
0x25b: {  	v25 =	vmov s30;
	[tilespmem:v22+s18+$0x0] =	vst.idx.add.f32.msk $0xffff, v18  }
0x25c: {  	v22 =	vor.u32 v10, v17;
	v18 =	vld [tilespmem:s23+$0x410]  }
0x25d: {  	v24 =	vld.idx.msk [tilespmem:v24+s17+$0x0], $0xffff  }
0x25e: {  	[tilespmem:v23+s18+$0x0] =	vst.idx.add.f32.msk $0xffff, v20  }
0x25f: {  	s26 =	simm.s32 $0x200;
	v26 =	vor.u32 v11, v21;
	v23 =	vld [tilespmem:s29+$0x420]  }
0x260: {  	s25 =	simm.s32 $0x100;
	s31 =	sand.u32 $0x7800, s26;
	v20 =	vld.idx.msk [tilespmem:v25+s17+$0x0], $0xffff;
	v25 =	vshll.u32 v19, $0x8;
	v19 =	vshll.u32 v19, $0x7  }
0x261: {  	s24 =	sand.u32 $0x300, s25;
	s1 =	sadd.s32 $0x5000, s31;
	v25 =	vand.u32 $0xFFFFF800, v25;
	v19 =	vand.u32 $0x380, v19;
	[tilespmem:v22+s18+$0x0] =	vst.idx.add.f32.msk $0xffff, v18  }
0x262: {  	s24 =	sor.u32 s24, s1;
	v18 =	vor.u32 v19, v25;
	v25 =	vor.u32 v11, v17;
	v22 =	vld [tilespmem:s23+$0x420]  }
0x263: {  	s28 =	simm.s32 $0x180;
	v27 =	vld [tilespmem:s24+$0x0];
	v61 =	vor.u32 v1, v18  }
0x264: {  	s30 =	sand.u32 $0x380, s28;
	v19 =	vshll.u32 v24, $0x8;
	v24 =	vshll.u32 v24, $0x7;
	[tilespmem:v26+s18+$0x0] =	vst.idx.add.f32.msk $0xffff, v23  }
0x265: {  	s25 =	sor.u32 s30, s1;
	v19 =	vand.u32 $0xFFFFF800, v19;
	v23 =	vand.u32 $0x380, v24;
	v26 =	vor.u32 v12, v21;
	v24 =	vld [tilespmem:s29+$0x430]  }
0x266: {  	v62 =	vld [tilespmem:s25+$0x0];
	v19 =	vor.u32 v23, v19  }
0x267: {  	v23 =	vor.u32 v1, v19;
	[tilespmem:v25+s18+$0x0] =	vst.idx.add.f32.msk $0xffff, v22  }
0x268: {  	[tilespmem:v61+s18+$0x0] =	vst.idx.add.f32.msk $0xffff, v27  }
0x269: {  	v25 =	vor.u32 v2, v18;
	v22 =	vld [tilespmem:s24+$0x10]  }
0x26a: {  	[tilespmem:v26+s18+$0x0] =	vst.idx.add.f32.msk $0xffff, v24  }
0x26b: {  	v26 =	vor.u32 v13, v21;
	v24 =	vld [tilespmem:s29+$0x440]  }
0x26c: {  	[tilespmem:v23+s18+$0x0] =	vst.idx.add.f32.msk $0xffff, v62  }
0x26d: {  	v27 =	vor.u32 v2, v19;
	v23 =	vld [tilespmem:s25+$0x10]  }
0x26e: {  	[tilespmem:v25+s18+$0x0] =	vst.idx.add.f32.msk $0xffff, v22  }
0x26f: {  	v25 =	vor.u32 v3, v18;
	v22 =	vld [tilespmem:s24+$0x20]  }
0x270: {  	[tilespmem:v26+s18+$0x0] =	vst.idx.add.f32.msk $0xffff, v24  }
0x271: {  	v26 =	vor.u32 v14, v21;
	v24 =	vld [tilespmem:s29+$0x450]  }
0x272: {  	[tilespmem:v27+s18+$0x0] =	vst.idx.add.f32.msk $0xffff, v23  }
0x273: {  	v27 =	vor.u32 v3, v19;
	v23 =	vld [tilespmem:s25+$0x20]  }
0x274: {  	[tilespmem:v25+s18+$0x0] =	vst.idx.add.f32.msk $0xffff, v22  }
0x275: {  	v25 =	vor.u32 v4, v18;
	v22 =	vld [tilespmem:s24+$0x30]  }
0x276: {  	[tilespmem:v26+s18+$0x0] =	vst.idx.add.f32.msk $0xffff, v24  }
0x277: {  	v26 =	vor.u32 v15, v21;
	v24 =	vld [tilespmem:s29+$0x460]  }
0x278: {  	[tilespmem:v27+s18+$0x0] =	vst.idx.add.f32.msk $0xffff, v23  }
0x279: {  	v27 =	vor.u32 v4, v19;
	v23 =	vld [tilespmem:s25+$0x30]  }
0x27a: {  	[tilespmem:v25+s18+$0x0] =	vst.idx.add.f32.msk $0xffff, v22  }
0x27b: {  	v22 =	vld [tilespmem:s24+$0x40]  }
0x27c: {  	v25 =	vor.u32 v5, v18;
	[tilespmem:v26+s18+$0x0] =	vst.idx.add.f32.msk $0xffff, v24  }
0x27d: {  	v21 =	vor.u32 v16, v21;
	v24 =	vld [tilespmem:s29+$0x470]  }
0x27e: {  	[tilespmem:v27+s18+$0x0] =	vst.idx.add.f32.msk $0xffff, v23  }
0x27f: {  	v26 =	vor.u32 v5, v19;
	v23 =	vld [tilespmem:s25+$0x40]  }
0x280: {  	v27 =	vld [tilespmem:s23+$0x430]  }
0x281: {  	[tilespmem:v25+s18+$0x0] =	vst.idx.add.f32.msk $0xffff, v22;
	v22 =	vor.u32 v12, v17  }
0x282: {  	[tilespmem:v21+s18+$0x0] =	vst.idx.add.f32.msk $0xffff, v24  }
0x283: {  	v21 =	vld [tilespmem:s24+$0x50];
	v24 =	vor.u32 v6, v18  }
0x284: {  	[tilespmem:v26+s18+$0x0] =	vst.idx.add.f32.msk $0xffff, v23  }
0x285: {  	v25 =	vor.u32 v6, v19;
	v23 =	vld [tilespmem:s25+$0x50]  }
0x286: {  	[tilespmem:v22+s18+$0x0] =	vst.idx.add.f32.msk $0xffff, v27  }
0x287: {  	v26 =	vor.u32 v13, v17;
	v22 =	vld [tilespmem:s23+$0x440]  }
0x288: {  	[tilespmem:v24+s18+$0x0] =	vst.idx.add.f32.msk $0xffff, v21  }
0x289: {  	v24 =	vor.u32 v7, v18;
	v21 =	vld [tilespmem:s24+$0x60]  }
0x28a: {  	[tilespmem:v25+s18+$0x0] =	vst.idx.add.f32.msk $0xffff, v23  }
0x28b: {  	v25 =	vor.u32 v7, v19;
	v23 =	vld [tilespmem:s25+$0x60]  }
0x28c: {  	[tilespmem:v26+s18+$0x0] =	vst.idx.add.f32.msk $0xffff, v22  }
0x28d: {  	v26 =	vor.u32 v14, v17;
	v22 =	vld [tilespmem:s23+$0x450]  }
0x28e: {  	[tilespmem:v24+s18+$0x0] =	vst.idx.add.f32.msk $0xffff, v21  }
0x28f: {  	v24 =	vor.u32 v8, v18;
	v21 =	vld [tilespmem:s24+$0x70]  }
0x290: {  	[tilespmem:v25+s18+$0x0] =	vst.idx.add.f32.msk $0xffff, v23  }
0x291: {  	v63 =	vor.u32 v8, v19;
	v27 =	vld [tilespmem:s25+$0x70]  }
0x292: {  	[tilespmem:v26+s18+$0x0] =	vst.idx.add.f32.msk $0xffff, v22  }
0x293: {  	s31 =	simm.s32 $0x4;
	v25 =	vor.u32 v15, v17;
	v22 =	vld [tilespmem:s23+$0x460]  }
0x294: {  	v23 =	vmov s31;
	[tilespmem:v24+s18+$0x0] =	vst.idx.add.f32.msk $0xffff, v21  }
0x295: {  	v21 =	vand.u32 $0xFFFFFFFE, v23;
	v24 =	vor.u32 v9, v18;
	v23 =	vld [tilespmem:s24+$0x400]  }
0x296: {  	s29 =	simm.s32 $0x6;
	v21 =	vbroadcast v21, $0x0;
	[tilespmem:v63+s18+$0x0] =	vst.idx.add.f32.msk $0xffff, v27  }
.LBB2_4:
0x297: {  	p1 =	slt.u32 s29, $0x4E;
	v26 =	vld [tilespmem:s25+$0x400]  }
0x298: {  	v27 =	vor.u32 v9, v19;
	[tilespmem:v25+s18+$0x0] =	vst.idx.add.f32.msk $0xffff, v22  }
0x299: {  	v22 =	vld [tilespmem:s23+$0x470];
	s23 =	smov.u32 s25  }
0x29a: {  	[tilespmem:v24+s18+$0x0] =	vst.idx.add.f32.msk $0xffff, v23;
	v23 =	vor.u32 v16, v17;
	v17 =	vmov v19  }
0x29b: {  	v24 =	vor.u32 v10, v18;
	v19 =	vld [tilespmem:s24+$0x410]  }
0x29c: {  	s1 =	sadd.s32 $0x1, s29;
	v21 =	vld.idx.msk [tilespmem:v21+s17+$0x0], $0xffff  }
0x29d: {  	v25 =	vmov s1;
	[tilespmem:v27+s18+$0x0] =	vst.idx.add.f32.msk $0xffff, v26  }
0x29e: {  	v27 =	vor.u32 v10, v17;
	v26 =	vld [tilespmem:s23+$0x410]  }
0x29f: {  	[tilespmem:v23+s18+$0x0] =	vst.idx.add.f32.msk $0xffff, v22  }
0x2a0: {  	[tilespmem:v24+s18+$0x0] =	vst.idx.add.f32.msk $0xffff, v19  }
0x2a1: {  	s28 =	sadd.s32 $0x100, s28;
	s26 =	sadd.s32 $0x200, s26;
	v22 =	vor.u32 v11, v18;
	v19 =	vld [tilespmem:s24+$0x420]  }
0x2a2: {  	s1 =	sand.u32 $0x7800, s26;
	s31 =	sand.u32 $0x380, s28;
	s25 =	sadd.s32 $0xFFFFFF80, s28;
	v24 =	vshll.u32 v21, $0x8;
	v21 =	vshll.u32 v21, $0x7;
	v23 =	vld.idx.msk [tilespmem:v25+s17+$0x0], $0xffff  }
0x2a3: {  	s1 =	sadd.s32 $0x5000, s1;
	s25 =	sand.u32 $0x300, s25;
	v24 =	vand.u32 $0xFFFFF800, v24;
	v21 =	vand.u32 $0x380, v21;
	[tilespmem:v27+s18+$0x0] =	vst.idx.add.f32.msk $0xffff, v26  }
0x2a4: {  	s30 =	sor.u32 s25, s1;
	s25 =	sor.u32 s31, s1;
	v25 =	vor.u32 v11, v17;
	v21 =	vor.u32 v21, v24;
	v24 =	vld [tilespmem:s23+$0x420]  }
0x2a5: {  	v27 =	vor.u32 v1, v21;
	v26 =	vld [tilespmem:s30+$0x0]  }
0x2a6: {  	v28 =	vshll.u32 v20, $0x8;
	v31 =	vshll.u32 v20, $0x7;
	[tilespmem:v22+s18+$0x0] =	vst.idx.add.f32.msk $0xffff, v19  }
0x2a7: {  	v30 =	vand.u32 $0x380, v31;
	v19 =	vand.u32 $0xFFFFF800, v28;
	v28 =	vor.u32 v12, v18;
	v22 =	vld [tilespmem:s24+$0x430]  }
0x2a8: {  	v19 =	vor.u32 v30, v19;
	v20 =	vmov v23;
	v29 =	vld [tilespmem:s25+$0x0]  }
0x2a9: {  	v23 =	vor.u32 v1, v19;
	[tilespmem:v25+s18+$0x0] =	vst.idx.add.f32.msk $0xffff, v24  }
0x2aa: {  	[tilespmem:v27+s18+$0x0] =	vst.idx.add.f32.msk $0xffff, v26  }
0x2ab: {  	v25 =	vor.u32 v2, v21;
	v24 =	vld [tilespmem:s30+$0x10]  }
0x2ac: {  	[tilespmem:v28+s18+$0x0] =	vst.idx.add.f32.msk $0xffff, v22  }
0x2ad: {  	v26 =	vor.u32 v13, v18;
	v22 =	vld [tilespmem:s24+$0x440]  }
0x2ae: {  	[tilespmem:v23+s18+$0x0] =	vst.idx.add.f32.msk $0xffff, v29  }
0x2af: {  	v27 =	vor.u32 v2, v19;
	v23 =	vld [tilespmem:s25+$0x10]  }
0x2b0: {  	[tilespmem:v25+s18+$0x0] =	vst.idx.add.f32.msk $0xffff, v24  }
0x2b1: {  	v25 =	vor.u32 v3, v21;
	v24 =	vld [tilespmem:s30+$0x20]  }
0x2b2: {  	[tilespmem:v26+s18+$0x0] =	vst.idx.add.f32.msk $0xffff, v22  }
0x2b3: {  	v26 =	vor.u32 v14, v18;
	v22 =	vld [tilespmem:s24+$0x450]  }
0x2b4: {  	[tilespmem:v27+s18+$0x0] =	vst.idx.add.f32.msk $0xffff, v23  }
0x2b5: {  	v27 =	vor.u32 v3, v19;
	v23 =	vld [tilespmem:s25+$0x20]  }
0x2b6: {  	[tilespmem:v25+s18+$0x0] =	vst.idx.add.f32.msk $0xffff, v24  }
0x2b7: {  	v25 =	vor.u32 v4, v21;
	v24 =	vld [tilespmem:s30+$0x30]  }
0x2b8: {  	[tilespmem:v26+s18+$0x0] =	vst.idx.add.f32.msk $0xffff, v22  }
0x2b9: {  	v26 =	vor.u32 v15, v18;
	v22 =	vld [tilespmem:s24+$0x460]  }
0x2ba: {  	[tilespmem:v27+s18+$0x0] =	vst.idx.add.f32.msk $0xffff, v23  }
0x2bb: {  	v27 =	vor.u32 v4, v19;
	v23 =	vld [tilespmem:s25+$0x30]  }
0x2bc: {  	[tilespmem:v25+s18+$0x0] =	vst.idx.add.f32.msk $0xffff, v24  }
0x2bd: {  	v24 =	vld [tilespmem:s30+$0x40]  }
0x2be: {  	v25 =	vor.u32 v5, v21;
	[tilespmem:v26+s18+$0x0] =	vst.idx.add.f32.msk $0xffff, v22  }
0x2bf: {  	v26 =	vor.u32 v16, v18;
	v18 =	vmov v21;
	v22 =	vld [tilespmem:s24+$0x470];
	s24 =	smov.u32 s30  }
0x2c0: {  	[tilespmem:v27+s18+$0x0] =	vst.idx.add.f32.msk $0xffff, v23  }
0x2c1: {  	v23 =	vor.u32 v5, v19;
	v21 =	vld [tilespmem:s25+$0x40]  }
0x2c2: {  	v27 =	vld [tilespmem:s23+$0x430]  }
0x2c3: {  	[tilespmem:v25+s18+$0x0] =	vst.idx.add.f32.msk $0xffff, v24;
	v24 =	vor.u32 v12, v17  }
0x2c4: {  	[tilespmem:v26+s18+$0x0] =	vst.idx.add.f32.msk $0xffff, v22  }
0x2c5: {  	v25 =	vor.u32 v6, v18;
	v22 =	vld [tilespmem:s24+$0x50]  }
0x2c6: {  	[tilespmem:v23+s18+$0x0] =	vst.idx.add.f32.msk $0xffff, v21  }
0x2c7: {  	v23 =	vor.u32 v6, v19;
	v21 =	vld [tilespmem:s25+$0x50]  }
0x2c8: {  	[tilespmem:v24+s18+$0x0] =	vst.idx.add.f32.msk $0xffff, v27  }
0x2c9: {  	v26 =	vor.u32 v13, v17;
	v24 =	vld [tilespmem:s23+$0x440]  }
0x2ca: {  	[tilespmem:v25+s18+$0x0] =	vst.idx.add.f32.msk $0xffff, v22  }
0x2cb: {  	v25 =	vor.u32 v7, v18;
	v22 =	vld [tilespmem:s24+$0x60]  }
0x2cc: {  	[tilespmem:v23+s18+$0x0] =	vst.idx.add.f32.msk $0xffff, v21  }
0x2cd: {  	v23 =	vor.u32 v7, v19;
	v21 =	vld [tilespmem:s25+$0x60]  }
0x2ce: {  	[tilespmem:v26+s18+$0x0] =	vst.idx.add.f32.msk $0xffff, v24  }
0x2cf: {  	v26 =	vor.u32 v14, v17;
	v24 =	vld [tilespmem:s23+$0x450]  }
0x2d0: {  	[tilespmem:v25+s18+$0x0] =	vst.idx.add.f32.msk $0xffff, v22  }
0x2d1: {  	v28 =	vor.u32 v8, v18;
	v27 =	vld [tilespmem:s24+$0x70]  }
0x2d2: {  	[tilespmem:v23+s18+$0x0] =	vst.idx.add.f32.msk $0xffff, v21  }
0x2d3: {  	v30 =	vor.u32 v8, v19;
	v29 =	vld [tilespmem:s25+$0x70]  }
.Ltmp3:
0x2d4: {  	[tilespmem:v26+s18+$0x0] =	vst.idx.add.f32.msk $0xffff, v24;
	(pc) =	sbr.rel @p1 .LBB2_4-.Ltmp3, $4  }
0x2d5: {  	v25 =	vor.u32 v15, v17;
	v22 =	vld [tilespmem:s23+$0x460]  }
0x2d6: {  	v21 =	vmov s29;
	[tilespmem:v28+s18+$0x0] =	vst.idx.add.f32.msk $0xffff, v27  }
0x2d7: {  	v21 =	vand.u32 $0xFFFFFFFE, v21;
	v24 =	vor.u32 v9, v18;
	v23 =	vld [tilespmem:s24+$0x400]  }
0x2d8: {  	s29 =	sadd.s32 $0x2, s29;
	v21 =	vbroadcast v21, $0x0;
	[tilespmem:v30+s18+$0x0] =	vst.idx.add.f32.msk $0xffff, v29  }
0x2d9: {  	_ =	sdelay $0x4  }
0x2da: {  	v21 =	vld.idx.msk [tilespmem:v21+s17+$0x0], $0xffff;
	_ =	sdelay $0x3  }
0x2db: {  	s1 =	sadd.s32 $0x100, s28;
	s26 =	sadd.s32 $0x200, s26  }
0x2dc: {  	s26 =	sand.u32 $0x7800, s26;
	s28 =	sadd.s32 $0xFFFFFF80, s1;
	v26 =	vshll.u32 v21, $0x8;
	v21 =	vshll.u32 v21, $0x7  }
0x2dd: {  	s28 =	sand.u32 $0x300, s28;
	s29 =	sadd.s32 $0x5000, s26;
	v26 =	vand.u32 $0xFFFFF800, v26;
	v21 =	vand.u32 $0x380, v21  }
0x2de: {  	s26 =	sor.u32 s28, s29;
	v21 =	vor.u32 v21, v26;
	v26 =	vshll.u32 v20, $0x8;
	v20 =	vshll.u32 v20, $0x7  }
0x2df: {  	s1 =	sand.u32 $0x380, s1;
	v27 =	vld [tilespmem:s26+$0x0];
	v28 =	vor.u32 v1, v21;
	v26 =	vand.u32 $0xFFFFF800, v26;
	v20 =	vand.u32 $0x380, v20  }
0x2e0: {  	[tilespmem:v25+s18+$0x0] =	vst.idx.add.f32.msk $0xffff, v22;
	s28 =	sor.u32 s1, s29;
	v20 =	vor.u32 v20, v26  }
0x2e1: {  	v22 =	vld [tilespmem:s28+$0x0];
	v25 =	vor.u32 v1, v20  }
0x2e2: {  	[tilespmem:v24+s18+$0x0] =	vst.idx.add.f32.msk $0xffff, v23  }
0x2e3: {  	v26 =	vld [tilespmem:s25+$0x400]  }
0x2e4: {  	v23 =	vor.u32 v9, v19;
	[tilespmem:v28+s18+$0x0] =	vst.idx.add.f32.msk $0xffff, v27  }
0x2e5: {  	v27 =	vor.u32 v2, v21;
	v24 =	vld [tilespmem:s26+$0x10]  }
0x2e6: {  	[tilespmem:v25+s18+$0x0] =	vst.idx.add.f32.msk $0xffff, v22  }
0x2e7: {  	v25 =	vor.u32 v2, v20;
	v22 =	vld [tilespmem:s28+$0x10]  }
0x2e8: {  	v55 =	vld [tilespmem:s24+$0x410]  }
0x2e9: {  	[tilespmem:v23+s18+$0x0] =	vst.idx.add.f32.msk $0xffff, v26  }
0x2ea: {  	v23 =	vor.u32 v10, v18;
	[tilespmem:v27+s18+$0x0] =	vst.idx.add.f32.msk $0xffff, v24  }
0x2eb: {  	v26 =	vor.u32 v3, v21;
	v24 =	vld [tilespmem:s26+$0x20]  }
0x2ec: {  	[tilespmem:v25+s18+$0x0] =	vst.idx.add.f32.msk $0xffff, v22  }
0x2ed: {  	v25 =	vor.u32 v3, v20;
	v22 =	vld [tilespmem:s28+$0x20]  }
0x2ee: {  	v27 =	vld [tilespmem:s25+$0x410]  }
0x2ef: {  	[tilespmem:v23+s18+$0x0] =	vst.idx.add.f32.msk $0xffff, v55  }
0x2f0: {  	v23 =	vor.u32 v10, v19;
	[tilespmem:v26+s18+$0x0] =	vst.idx.add.f32.msk $0xffff, v24  }
0x2f1: {  	v26 =	vor.u32 v4, v21;
	v24 =	vld [tilespmem:s26+$0x30]  }
0x2f2: {  	[tilespmem:v25+s18+$0x0] =	vst.idx.add.f32.msk $0xffff, v22  }
0x2f3: {  	v25 =	vor.u32 v4, v20;
	v22 =	vld [tilespmem:s28+$0x30]  }
0x2f4: {  	v28 =	vld [tilespmem:s24+$0x420]  }
0x2f5: {  	[tilespmem:v23+s18+$0x0] =	vst.idx.add.f32.msk $0xffff, v27  }
0x2f6: {  	v23 =	vor.u32 v11, v18;
	[tilespmem:v26+s18+$0x0] =	vst.idx.add.f32.msk $0xffff, v24  }
0x2f7: {  	v26 =	vor.u32 v5, v21;
	v24 =	vld [tilespmem:s26+$0x40]  }
0x2f8: {  	[tilespmem:v25+s18+$0x0] =	vst.idx.add.f32.msk $0xffff, v22  }
0x2f9: {  	v25 =	vor.u32 v5, v20;
	v22 =	vld [tilespmem:s28+$0x40]  }
0x2fa: {  	v27 =	vld [tilespmem:s25+$0x420]  }
0x2fb: {  	[tilespmem:v23+s18+$0x0] =	vst.idx.add.f32.msk $0xffff, v28  }
0x2fc: {  	v23 =	vor.u32 v11, v19;
	[tilespmem:v26+s18+$0x0] =	vst.idx.add.f32.msk $0xffff, v24  }
0x2fd: {  	v26 =	vor.u32 v6, v21;
	v24 =	vld [tilespmem:s26+$0x50]  }
0x2fe: {  	[tilespmem:v25+s18+$0x0] =	vst.idx.add.f32.msk $0xffff, v22  }
0x2ff: {  	v25 =	vor.u32 v6, v20;
	v22 =	vld [tilespmem:s28+$0x50]  }
0x300: {  	v28 =	vld [tilespmem:s24+$0x430]  }
0x301: {  	v29 =	vor.u32 v12, v18;
	[tilespmem:v23+s18+$0x0] =	vst.idx.add.f32.msk $0xffff, v27  }
0x302: {  	[tilespmem:v26+s18+$0x0] =	vst.idx.add.f32.msk $0xffff, v24  }
0x303: {  	v24 =	vor.u32 v7, v21;
	v23 =	vld [tilespmem:s26+$0x60]  }
0x304: {  	[tilespmem:v25+s18+$0x0] =	vst.idx.add.f32.msk $0xffff, v22  }
0x305: {  	v25 =	vor.u32 v7, v20;
	v22 =	vld [tilespmem:s28+$0x60]  }
0x306: {  	[tilespmem:v29+s18+$0x0] =	vst.idx.add.f32.msk $0xffff, v28  }
0x307: {  	v27 =	vor.u32 v13, v18;
	v26 =	vld [tilespmem:s24+$0x440]  }
0x308: {  	[tilespmem:v24+s18+$0x0] =	vst.idx.add.f32.msk $0xffff, v23  }
0x309: {  	v24 =	vor.u32 v8, v21;
	v23 =	vld [tilespmem:s26+$0x70]  }
0x30a: {  	[tilespmem:v25+s18+$0x0] =	vst.idx.add.f32.msk $0xffff, v22  }
0x30b: {  	v25 =	vor.u32 v8, v20;
	v22 =	vld [tilespmem:s28+$0x70]  }
0x30c: {  	[tilespmem:v27+s18+$0x0] =	vst.idx.add.f32.msk $0xffff, v26  }
0x30d: {  	v27 =	vor.u32 v14, v18;
	v26 =	vld [tilespmem:s24+$0x450]  }
0x30e: {  	[tilespmem:v24+s18+$0x0] =	vst.idx.add.f32.msk $0xffff, v23  }
0x30f: {  	v24 =	vor.u32 v9, v21;
	v23 =	vld [tilespmem:s26+$0x400]  }
0x310: {  	[tilespmem:v25+s18+$0x0] =	vst.idx.add.f32.msk $0xffff, v22  }
0x311: {  	v25 =	vor.u32 v9, v20;
	v22 =	vld [tilespmem:s28+$0x400]  }
0x312: {  	[tilespmem:v27+s18+$0x0] =	vst.idx.add.f32.msk $0xffff, v26  }
0x313: {  	v26 =	vld [tilespmem:s24+$0x460]  }
0x314: {  	v27 =	vor.u32 v15, v18;
	[tilespmem:v24+s18+$0x0] =	vst.idx.add.f32.msk $0xffff, v23  }
0x315: {  	v24 =	vor.u32 v10, v21;
	v23 =	vld [tilespmem:s26+$0x410]  }
0x316: {  	[tilespmem:v25+s18+$0x0] =	vst.idx.add.f32.msk $0xffff, v22  }
0x317: {  	v25 =	vor.u32 v10, v20;
	v22 =	vld [tilespmem:s28+$0x410]  }
0x318: {  	v56 =	vld [tilespmem:s23+$0x470]  }
0x319: {  	[tilespmem:v27+s18+$0x0] =	vst.idx.add.f32.msk $0xffff, v26  }
0x31a: {  	[tilespmem:v24+s18+$0x0] =	vst.idx.add.f32.msk $0xffff, v23  }
0x31b: {  	v24 =	vor.u32 v11, v21;
	v23 =	vld [tilespmem:s26+$0x420]  }
0x31c: {  	[tilespmem:v25+s18+$0x0] =	vst.idx.add.f32.msk $0xffff, v22  }
0x31d: {  	v25 =	vor.u32 v11, v20;
	v22 =	vld [tilespmem:s28+$0x420]  }
0x31e: {  	v27 =	vld [tilespmem:s25+$0x430]  }
0x31f: {  	v57 =	vor.u32 v12, v19;
	v26 =	vld [tilespmem:s24+$0x470]  }
0x320: {  	[tilespmem:v24+s18+$0x0] =	vst.idx.add.f32.msk $0xffff, v23  }
0x321: {  	v24 =	vor.u32 v12, v21;
	v23 =	vld [tilespmem:s26+$0x430]  }
0x322: {  	[tilespmem:v25+s18+$0x0] =	vst.idx.add.f32.msk $0xffff, v22  }
0x323: {  	v25 =	vor.u32 v12, v20;
	v22 =	vld [tilespmem:s28+$0x430]  }
0x324: {  	[tilespmem:v57+s18+$0x0] =	vst.idx.add.f32.msk $0xffff, v27  }
0x325: {  	v58 =	vor.u32 v13, v19;
	v27 =	vld [tilespmem:s25+$0x440]  }
0x326: {  	[tilespmem:v24+s18+$0x0] =	vst.idx.add.f32.msk $0xffff, v23  }
0x327: {  	v24 =	vor.u32 v13, v21;
	v23 =	vld [tilespmem:s26+$0x440]  }
0x328: {  	[tilespmem:v25+s18+$0x0] =	vst.idx.add.f32.msk $0xffff, v22  }
0x329: {  	v25 =	vor.u32 v13, v20;
	v22 =	vld [tilespmem:s28+$0x440]  }
0x32a: {  	[tilespmem:v58+s18+$0x0] =	vst.idx.add.f32.msk $0xffff, v27  }
0x32b: {  	v59 =	vor.u32 v14, v19;
	v27 =	vld [tilespmem:s25+$0x450]  }
0x32c: {  	[tilespmem:v24+s18+$0x0] =	vst.idx.add.f32.msk $0xffff, v23  }
0x32d: {  	v24 =	vor.u32 v14, v21;
	v23 =	vld [tilespmem:s26+$0x450]  }
0x32e: {  	[tilespmem:v25+s18+$0x0] =	vst.idx.add.f32.msk $0xffff, v22  }
0x32f: {  	v25 =	vor.u32 v14, v20;
	v22 =	vld [tilespmem:s28+$0x450]  }
0x330: {  	[tilespmem:v59+s18+$0x0] =	vst.idx.add.f32.msk $0xffff, v27  }
0x331: {  	v60 =	vor.u32 v15, v19;
	v27 =	vld [tilespmem:s25+$0x460]  }
0x332: {  	[tilespmem:v24+s18+$0x0] =	vst.idx.add.f32.msk $0xffff, v23  }
0x333: {  	v24 =	vor.u32 v15, v21;
	v23 =	vld [tilespmem:s26+$0x460]  }
0x334: {  	[tilespmem:v25+s18+$0x0] =	vst.idx.add.f32.msk $0xffff, v22  }
0x335: {  	v25 =	vor.u32 v15, v20;
	v22 =	vld [tilespmem:s28+$0x460]  }
0x336: {  	[tilespmem:v60+s18+$0x0] =	vst.idx.add.f32.msk $0xffff, v27  }
0x337: {  	v17 =	vor.u32 v16, v17;
	v27 =	vld [tilespmem:s25+$0x470]  }
0x338: {  	v18 =	vor.u32 v16, v18;
	[tilespmem:v24+s18+$0x0] =	vst.idx.add.f32.msk $0xffff, v23  }
0x339: {  	v19 =	vor.u32 v16, v19;
	v23 =	vld [tilespmem:s26+$0x470]  }
0x33a: {  	v21 =	vor.u32 v16, v21;
	[tilespmem:v25+s18+$0x0] =	vst.idx.add.f32.msk $0xffff, v22  }
0x33b: {  	v20 =	vor.u32 v16, v20;
	v22 =	vld [tilespmem:s28+$0x470]  }
0x33c: {  	[tilespmem:v17+s18+$0x0] =	vst.idx.add.f32.msk $0xffff, v56  }
0x33d: {  	[tilespmem:v18+s18+$0x0] =	vst.idx.add.f32.msk $0xffff, v26  }
0x33e: {  	[tilespmem:v19+s18+$0x0] =	vst.idx.add.f32.msk $0xffff, v27  }
0x33f: {  	[tilespmem:v21+s18+$0x0] =	vst.idx.add.f32.msk $0xffff, v23  }
0x340: {  	[tilespmem:v20+s18+$0x0] =	vst.idx.add.f32.msk $0xffff, v22  }
0x341: {  	s31 =	simm.s32 $0x0;
	_ =	swait.ge [sflag:s14], $0x5000  }
0x342: {  	v17 =	vmov s31;
	[sflag:s14] =	ssyncset.done $0x0  }
0x343: {  	v17 =	vand.u32 $0xFFFFFFFE, v17;
	[sflag:s14] =	ssyncadd.s32 $0xFFFFB000  }
0x344: {  	v17 =	vbroadcast v17, $0x0;
	_ =	swait.ge [sflag:s15], $0x50  }
0x345: {  	s23 =	simm.s32 @!p0 $0x0;
	[sflag:s15] =	ssyncset.done $0x0  }
0x346: {  	s24 =	simm.s32 @!p0 $0x5000;
	s26 =	simm.s32 $0x1;
	[sflag:s15] =	ssyncadd.s32 $0xFFFFFFB0  }
0x347: {  	[tilespmem:s24], [sflag:$0x2] =	stream.linear.gather @!p0 [hbm4b:s9+s23], $0x5000, $0x38;
	[tilespmem:$0xA900] =	vst v63  }
0x348: {  	s25 =	simm.s32 @!p0 $0xA080;
	v18 =	vmov s26  }
0x349: {  	[tilespmem:s25], [sflag:$0x4] =	stream.linear.gather @!p0 [hbm4b:s10+s23], $0x50, $0x38;
	[tilespmem:$0xA900] =	vst v63  }
0x34a: {  	v17 =	vld.idx.msk [tilespmem:v17+s13+$0x0], $0xffff;
	_ =	sdelay $0x2  }
0x34b: {  	v18 =	vld.idx.msk [tilespmem:v18+s13+$0x0], $0xffff;
	_ =	sdelay $0x1  }
0x34c: {  	s30 =	simm.s32 $0x0;
	v19 =	vshll.u32 v17, $0x8;
	v17 =	vshll.u32 v17, $0x7  }
0x34d: {  	s1 =	sand.u32 $0x7800, s31;
	s23 =	sand.u32 $0x300, s30;
	v19 =	vand.u32 $0xFFFFF800, v19;
	v17 =	vand.u32 $0x380, v17  }
0x34e: {  	s29 =	sor.u32 s23, s1;
	v21 =	vor.u32 v17, v19  }
0x34f: {  	s31 =	simm.s32 $0x80;
	v19 =	vld [tilespmem:s29+$0x0];
	v17 =	vshll.u32 v18, $0x8;
	v18 =	vshll.u32 v18, $0x7;
	v20 =	vor.u32 v1, v21  }
0x350: {  	s23 =	sand.u32 $0x380, s31;
	v17 =	vand.u32 $0xFFFFF800, v17;
	v18 =	vand.u32 $0x380, v18  }
0x351: {  	s23 =	sor.u32 s23, s1;
	v17 =	vor.u32 v18, v17  }
0x352: {  	v18 =	vld [tilespmem:s23+$0x0];
	v22 =	vor.u32 v1, v17;
	_ =	sdelay $0x1  }
0x353: {  	[tilespmem:v20+s18+$0x0] =	vst.idx.add.f32.msk $0xffff, v19  }
0x354: {  	v20 =	vor.u32 v2, v21;
	v19 =	vld [tilespmem:s29+$0x10];
	_ =	sdelay $0x1  }
0x355: {  	[tilespmem:v22+s18+$0x0] =	vst.idx.add.f32.msk $0xffff, v18  }
0x356: {  	v22 =	vor.u32 v2, v17;
	v18 =	vld [tilespmem:s23+$0x10];
	_ =	sdelay $0x1  }
0x357: {  	[tilespmem:v20+s18+$0x0] =	vst.idx.add.f32.msk $0xffff, v19  }
0x358: {  	v20 =	vor.u32 v3, v21;
	v19 =	vld [tilespmem:s29+$0x20];
	_ =	sdelay $0x1  }
0x359: {  	[tilespmem:v22+s18+$0x0] =	vst.idx.add.f32.msk $0xffff, v18  }
0x35a: {  	v22 =	vor.u32 v3, v17;
	v18 =	vld [tilespmem:s23+$0x20];
	_ =	sdelay $0x1  }
0x35b: {  	[tilespmem:v20+s18+$0x0] =	vst.idx.add.f32.msk $0xffff, v19  }
0x35c: {  	v20 =	vor.u32 v4, v21;
	v19 =	vld [tilespmem:s29+$0x30];
	_ =	sdelay $0x1  }
0x35d: {  	[tilespmem:v22+s18+$0x0] =	vst.idx.add.f32.msk $0xffff, v18  }
0x35e: {  	v22 =	vor.u32 v4, v17;
	v18 =	vld [tilespmem:s23+$0x30];
	_ =	sdelay $0x1  }
0x35f: {  	[tilespmem:v20+s18+$0x0] =	vst.idx.add.f32.msk $0xffff, v19  }
0x360: {  	v20 =	vor.u32 v5, v21;
	v19 =	vld [tilespmem:s29+$0x40];
	_ =	sdelay $0x1  }
0x361: {  	[tilespmem:v22+s18+$0x0] =	vst.idx.add.f32.msk $0xffff, v18  }
0x362: {  	v22 =	vor.u32 v5, v17;
	v18 =	vld [tilespmem:s23+$0x40];
	_ =	sdelay $0x1  }
0x363: {  	[tilespmem:v20+s18+$0x0] =	vst.idx.add.f32.msk $0xffff, v19  }
0x364: {  	v20 =	vor.u32 v6, v21;
	v19 =	vld [tilespmem:s29+$0x50];
	_ =	sdelay $0x1  }
0x365: {  	[tilespmem:v22+s18+$0x0] =	vst.idx.add.f32.msk $0xffff, v18  }
0x366: {  	v22 =	vor.u32 v6, v17;
	v18 =	vld [tilespmem:s23+$0x50];
	_ =	sdelay $0x1  }
0x367: {  	[tilespmem:v20+s18+$0x0] =	vst.idx.add.f32.msk $0xffff, v19  }
0x368: {  	v20 =	vor.u32 v7, v21;
	v19 =	vld [tilespmem:s29+$0x60];
	_ =	sdelay $0x1  }
0x369: {  	[tilespmem:v22+s18+$0x0] =	vst.idx.add.f32.msk $0xffff, v18  }
0x36a: {  	v22 =	vor.u32 v7, v17;
	v18 =	vld [tilespmem:s23+$0x60];
	_ =	sdelay $0x1  }
0x36b: {  	[tilespmem:v20+s18+$0x0] =	vst.idx.add.f32.msk $0xffff, v19  }
0x36c: {  	v20 =	vor.u32 v8, v21;
	v19 =	vld [tilespmem:s29+$0x70];
	_ =	sdelay $0x1  }
0x36d: {  	[tilespmem:v22+s18+$0x0] =	vst.idx.add.f32.msk $0xffff, v18  }
0x36e: {  	v22 =	vor.u32 v8, v17;
	v18 =	vld [tilespmem:s23+$0x70]  }
0x36f: {  	s24 =	simm.s32 $0x2  }
0x370: {  	v23 =	vmov s24;
	[tilespmem:v20+s18+$0x0] =	vst.idx.add.f32.msk $0xffff, v19  }
0x371: {  	v19 =	vand.u32 $0xFFFFFFFE, v23;
	v23 =	vor.u32 v9, v21;
	v20 =	vld [tilespmem:s29+$0x400]  }
0x372: {  	v19 =	vbroadcast v19, $0x0  }
0x373: {  	[tilespmem:v22+s18+$0x0] =	vst.idx.add.f32.msk $0xffff, v18  }
0x374: {  	v22 =	vor.u32 v9, v17;
	v18 =	vld [tilespmem:s23+$0x400]  }
0x375: {  	s25 =	simm.s32 $0x3  }
0x376: {  	v24 =	vmov s25;
	[tilespmem:v23+s18+$0x0] =	vst.idx.add.f32.msk $0xffff, v20  }
0x377: {  	v23 =	vor.u32 v10, v21;
	v20 =	vld [tilespmem:s29+$0x410]  }
0x378: {  	s26 =	simm.s32 $0x5;
	v19 =	vld.idx.msk [tilespmem:v19+s13+$0x0], $0xffff  }
0x379: {  	v25 =	vmov s26;
	[tilespmem:v22+s18+$0x0] =	vst.idx.add.f32.msk $0xffff, v18  }
0x37a: {  	v22 =	vor.u32 v10, v17;
	v18 =	vld [tilespmem:s23+$0x410]  }
0x37b: {  	v24 =	vld.idx.msk [tilespmem:v24+s13+$0x0], $0xffff  }
0x37c: {  	[tilespmem:v23+s18+$0x0] =	vst.idx.add.f32.msk $0xffff, v20  }
0x37d: {  	v26 =	vor.u32 v11, v21;
	v23 =	vld [tilespmem:s29+$0x420]  }
0x37e: {  	s26 =	simm.s32 $0x200;
	s30 =	simm.s32 $0x100;
	v20 =	vld.idx.msk [tilespmem:v25+s13+$0x0], $0xffff;
	v25 =	vshll.u32 v19, $0x8;
	v19 =	vshll.u32 v19, $0x7  }
0x37f: {  	s31 =	sand.u32 $0x7800, s26;
	s1 =	sand.u32 $0x300, s30;
	v25 =	vand.u32 $0xFFFFF800, v25;
	v19 =	vand.u32 $0x380, v19;
	[tilespmem:v22+s18+$0x0] =	vst.idx.add.f32.msk $0xffff, v18  }
0x380: {  	s24 =	sor.u32 s1, s31;
	v18 =	vor.u32 v19, v25;
	v25 =	vor.u32 v11, v17;
	v22 =	vld [tilespmem:s23+$0x420]  }
0x381: {  	s28 =	simm.s32 $0x180;
	v27 =	vld [tilespmem:s24+$0x0];
	v61 =	vor.u32 v1, v18  }
0x382: {  	s30 =	sand.u32 $0x380, s28;
	v19 =	vshll.u32 v24, $0x8;
	v24 =	vshll.u32 v24, $0x7;
	[tilespmem:v26+s18+$0x0] =	vst.idx.add.f32.msk $0xffff, v23  }
0x383: {  	s25 =	sor.u32 s30, s31;
	v19 =	vand.u32 $0xFFFFF800, v19;
	v23 =	vand.u32 $0x380, v24;
	v26 =	vor.u32 v12, v21;
	v24 =	vld [tilespmem:s29+$0x430]  }
0x384: {  	v62 =	vld [tilespmem:s25+$0x0];
	v19 =	vor.u32 v23, v19  }
0x385: {  	v23 =	vor.u32 v1, v19;
	[tilespmem:v25+s18+$0x0] =	vst.idx.add.f32.msk $0xffff, v22  }
0x386: {  	[tilespmem:v61+s18+$0x0] =	vst.idx.add.f32.msk $0xffff, v27  }
0x387: {  	v25 =	vor.u32 v2, v18;
	v22 =	vld [tilespmem:s24+$0x10]  }
0x388: {  	[tilespmem:v26+s18+$0x0] =	vst.idx.add.f32.msk $0xffff, v24  }
0x389: {  	v26 =	vor.u32 v13, v21;
	v24 =	vld [tilespmem:s29+$0x440]  }
0x38a: {  	[tilespmem:v23+s18+$0x0] =	vst.idx.add.f32.msk $0xffff, v62  }
0x38b: {  	v27 =	vor.u32 v2, v19;
	v23 =	vld [tilespmem:s25+$0x10]  }
0x38c: {  	[tilespmem:v25+s18+$0x0] =	vst.idx.add.f32.msk $0xffff, v22  }
0x38d: {  	v25 =	vor.u32 v3, v18;
	v22 =	vld [tilespmem:s24+$0x20]  }
0x38e: {  	[tilespmem:v26+s18+$0x0] =	vst.idx.add.f32.msk $0xffff, v24  }
0x38f: {  	v26 =	vor.u32 v14, v21;
	v24 =	vld [tilespmem:s29+$0x450]  }
0x390: {  	[tilespmem:v27+s18+$0x0] =	vst.idx.add.f32.msk $0xffff, v23  }
0x391: {  	v27 =	vor.u32 v3, v19;
	v23 =	vld [tilespmem:s25+$0x20]  }
0x392: {  	[tilespmem:v25+s18+$0x0] =	vst.idx.add.f32.msk $0xffff, v22  }
0x393: {  	v25 =	vor.u32 v4, v18;
	v22 =	vld [tilespmem:s24+$0x30]  }
0x394: {  	[tilespmem:v26+s18+$0x0] =	vst.idx.add.f32.msk $0xffff, v24  }
0x395: {  	v26 =	vor.u32 v15, v21;
	v24 =	vld [tilespmem:s29+$0x460]  }
0x396: {  	[tilespmem:v27+s18+$0x0] =	vst.idx.add.f32.msk $0xffff, v23  }
0x397: {  	v27 =	vor.u32 v4, v19;
	v23 =	vld [tilespmem:s25+$0x30]  }
0x398: {  	[tilespmem:v25+s18+$0x0] =	vst.idx.add.f32.msk $0xffff, v22  }
0x399: {  	v22 =	vld [tilespmem:s24+$0x40]  }
0x39a: {  	v25 =	vor.u32 v5, v18;
	[tilespmem:v26+s18+$0x0] =	vst.idx.add.f32.msk $0xffff, v24  }
0x39b: {  	v21 =	vor.u32 v16, v21;
	v24 =	vld [tilespmem:s29+$0x470]  }
0x39c: {  	[tilespmem:v27+s18+$0x0] =	vst.idx.add.f32.msk $0xffff, v23  }
0x39d: {  	v26 =	vor.u32 v5, v19;
	v23 =	vld [tilespmem:s25+$0x40]  }
0x39e: {  	v27 =	vld [tilespmem:s23+$0x430]  }
0x39f: {  	[tilespmem:v25+s18+$0x0] =	vst.idx.add.f32.msk $0xffff, v22;
	v22 =	vor.u32 v12, v17  }
0x3a0: {  	[tilespmem:v21+s18+$0x0] =	vst.idx.add.f32.msk $0xffff, v24  }
0x3a1: {  	v21 =	vld [tilespmem:s24+$0x50];
	v24 =	vor.u32 v6, v18  }
0x3a2: {  	[tilespmem:v26+s18+$0x0] =	vst.idx.add.f32.msk $0xffff, v23  }
0x3a3: {  	v25 =	vor.u32 v6, v19;
	v23 =	vld [tilespmem:s25+$0x50]  }
0x3a4: {  	[tilespmem:v22+s18+$0x0] =	vst.idx.add.f32.msk $0xffff, v27  }
0x3a5: {  	v26 =	vor.u32 v13, v17;
	v22 =	vld [tilespmem:s23+$0x440]  }
0x3a6: {  	[tilespmem:v24+s18+$0x0] =	vst.idx.add.f32.msk $0xffff, v21  }
0x3a7: {  	v24 =	vor.u32 v7, v18;
	v21 =	vld [tilespmem:s24+$0x60]  }
0x3a8: {  	[tilespmem:v25+s18+$0x0] =	vst.idx.add.f32.msk $0xffff, v23  }
0x3a9: {  	v25 =	vor.u32 v7, v19;
	v23 =	vld [tilespmem:s25+$0x60]  }
0x3aa: {  	[tilespmem:v26+s18+$0x0] =	vst.idx.add.f32.msk $0xffff, v22  }
0x3ab: {  	v26 =	vor.u32 v14, v17;
	v22 =	vld [tilespmem:s23+$0x450]  }
0x3ac: {  	[tilespmem:v24+s18+$0x0] =	vst.idx.add.f32.msk $0xffff, v21  }
0x3ad: {  	v24 =	vor.u32 v8, v18;
	v21 =	vld [tilespmem:s24+$0x70]  }
0x3ae: {  	[tilespmem:v25+s18+$0x0] =	vst.idx.add.f32.msk $0xffff, v23  }
0x3af: {  	v63 =	vor.u32 v8, v19;
	v27 =	vld [tilespmem:s25+$0x70]  }
0x3b0: {  	[tilespmem:v26+s18+$0x0] =	vst.idx.add.f32.msk $0xffff, v22  }
0x3b1: {  	s31 =	simm.s32 $0x4;
	v25 =	vor.u32 v15, v17;
	v22 =	vld [tilespmem:s23+$0x460]  }
0x3b2: {  	v23 =	vmov s31;
	[tilespmem:v24+s18+$0x0] =	vst.idx.add.f32.msk $0xffff, v21  }
0x3b3: {  	v21 =	vand.u32 $0xFFFFFFFE, v23;
	v24 =	vor.u32 v9, v18;
	v23 =	vld [tilespmem:s24+$0x400]  }
0x3b4: {  	s29 =	simm.s32 $0x6;
	v21 =	vbroadcast v21, $0x0;
	[tilespmem:v63+s18+$0x0] =	vst.idx.add.f32.msk $0xffff, v27  }
.LBB2_6:
0x3b5: {  	p1 =	slt.u32 s29, $0x4E;
	v26 =	vld [tilespmem:s25+$0x400]  }
0x3b6: {  	v27 =	vor.u32 v9, v19;
	[tilespmem:v25+s18+$0x0] =	vst.idx.add.f32.msk $0xffff, v22  }
0x3b7: {  	v22 =	vld [tilespmem:s23+$0x470];
	s23 =	smov.u32 s25  }
0x3b8: {  	[tilespmem:v24+s18+$0x0] =	vst.idx.add.f32.msk $0xffff, v23;
	v23 =	vor.u32 v16, v17;
	v17 =	vmov v19  }
0x3b9: {  	v24 =	vor.u32 v10, v18;
	v19 =	vld [tilespmem:s24+$0x410]  }
0x3ba: {  	s1 =	sadd.s32 $0x1, s29;
	v21 =	vld.idx.msk [tilespmem:v21+s13+$0x0], $0xffff  }
0x3bb: {  	v25 =	vmov s1;
	[tilespmem:v27+s18+$0x0] =	vst.idx.add.f32.msk $0xffff, v26  }
0x3bc: {  	v27 =	vor.u32 v10, v17;
	v26 =	vld [tilespmem:s23+$0x410]  }
0x3bd: {  	[tilespmem:v23+s18+$0x0] =	vst.idx.add.f32.msk $0xffff, v22  }
0x3be: {  	[tilespmem:v24+s18+$0x0] =	vst.idx.add.f32.msk $0xffff, v19  }
0x3bf: {  	s28 =	sadd.s32 $0x100, s28;
	v22 =	vor.u32 v11, v18;
	v19 =	vld [tilespmem:s24+$0x420]  }
0x3c0: {  	s26 =	sadd.s32 $0x200, s26;
	s1 =	sadd.s32 $0xFFFFFF80, s28;
	s25 =	sand.u32 $0x380, s28;
	v24 =	vshll.u32 v21, $0x8;
	v21 =	vshll.u32 v21, $0x7;
	v23 =	vld.idx.msk [tilespmem:v25+s13+$0x0], $0xffff  }
0x3c1: {  	s31 =	sand.u32 $0x7800, s26;
	s1 =	sand.u32 $0x300, s1;
	v24 =	vand.u32 $0xFFFFF800, v24;
	v21 =	vand.u32 $0x380, v21;
	[tilespmem:v27+s18+$0x0] =	vst.idx.add.f32.msk $0xffff, v26  }
0x3c2: {  	s30 =	sor.u32 s1, s31;
	s25 =	sor.u32 s25, s31;
	v25 =	vor.u32 v11, v17;
	v21 =	vor.u32 v21, v24;
	v24 =	vld [tilespmem:s23+$0x420]  }
0x3c3: {  	v27 =	vor.u32 v1, v21;
	v26 =	vld [tilespmem:s30+$0x0]  }
0x3c4: {  	v28 =	vshll.u32 v20, $0x8;
	v31 =	vshll.u32 v20, $0x7;
	[tilespmem:v22+s18+$0x0] =	vst.idx.add.f32.msk $0xffff, v19  }
0x3c5: {  	v30 =	vand.u32 $0x380, v31;
	v19 =	vand.u32 $0xFFFFF800, v28;
	v28 =	vor.u32 v12, v18;
	v22 =	vld [tilespmem:s24+$0x430]  }
0x3c6: {  	v19 =	vor.u32 v30, v19;
	v20 =	vmov v23;
	v29 =	vld [tilespmem:s25+$0x0]  }
0x3c7: {  	v23 =	vor.u32 v1, v19;
	[tilespmem:v25+s18+$0x0] =	vst.idx.add.f32.msk $0xffff, v24  }
0x3c8: {  	[tilespmem:v27+s18+$0x0] =	vst.idx.add.f32.msk $0xffff, v26  }
0x3c9: {  	v25 =	vor.u32 v2, v21;
	v24 =	vld [tilespmem:s30+$0x10]  }
0x3ca: {  	[tilespmem:v28+s18+$0x0] =	vst.idx.add.f32.msk $0xffff, v22  }
0x3cb: {  	v26 =	vor.u32 v13, v18;
	v22 =	vld [tilespmem:s24+$0x440]  }
0x3cc: {  	[tilespmem:v23+s18+$0x0] =	vst.idx.add.f32.msk $0xffff, v29  }
0x3cd: {  	v27 =	vor.u32 v2, v19;
	v23 =	vld [tilespmem:s25+$0x10]  }
0x3ce: {  	[tilespmem:v25+s18+$0x0] =	vst.idx.add.f32.msk $0xffff, v24  }
0x3cf: {  	v25 =	vor.u32 v3, v21;
	v24 =	vld [tilespmem:s30+$0x20]  }
0x3d0: {  	[tilespmem:v26+s18+$0x0] =	vst.idx.add.f32.msk $0xffff, v22  }
0x3d1: {  	v26 =	vor.u32 v14, v18;
	v22 =	vld [tilespmem:s24+$0x450]  }
0x3d2: {  	[tilespmem:v27+s18+$0x0] =	vst.idx.add.f32.msk $0xffff, v23  }
0x3d3: {  	v27 =	vor.u32 v3, v19;
	v23 =	vld [tilespmem:s25+$0x20]  }
0x3d4: {  	[tilespmem:v25+s18+$0x0] =	vst.idx.add.f32.msk $0xffff, v24  }
0x3d5: {  	v25 =	vor.u32 v4, v21;
	v24 =	vld [tilespmem:s30+$0x30]  }
0x3d6: {  	[tilespmem:v26+s18+$0x0] =	vst.idx.add.f32.msk $0xffff, v22  }
0x3d7: {  	v26 =	vor.u32 v15, v18;
	v22 =	vld [tilespmem:s24+$0x460]  }
0x3d8: {  	[tilespmem:v27+s18+$0x0] =	vst.idx.add.f32.msk $0xffff, v23  }
0x3d9: {  	v27 =	vor.u32 v4, v19;
	v23 =	vld [tilespmem:s25+$0x30]  }
0x3da: {  	[tilespmem:v25+s18+$0x0] =	vst.idx.add.f32.msk $0xffff, v24  }
0x3db: {  	v24 =	vld [tilespmem:s30+$0x40]  }
0x3dc: {  	v25 =	vor.u32 v5, v21;
	[tilespmem:v26+s18+$0x0] =	vst.idx.add.f32.msk $0xffff, v22  }
0x3dd: {  	v26 =	vor.u32 v16, v18;
	v18 =	vmov v21;
	v22 =	vld [tilespmem:s24+$0x470];
	s24 =	smov.u32 s30  }
0x3de: {  	[tilespmem:v27+s18+$0x0] =	vst.idx.add.f32.msk $0xffff, v23  }
0x3df: {  	v23 =	vor.u32 v5, v19;
	v21 =	vld [tilespmem:s25+$0x40]  }
0x3e0: {  	v27 =	vld [tilespmem:s23+$0x430]  }
0x3e1: {  	[tilespmem:v25+s18+$0x0] =	vst.idx.add.f32.msk $0xffff, v24;
	v24 =	vor.u32 v12, v17  }
0x3e2: {  	[tilespmem:v26+s18+$0x0] =	vst.idx.add.f32.msk $0xffff, v22  }
0x3e3: {  	v25 =	vor.u32 v6, v18;
	v22 =	vld [tilespmem:s24+$0x50]  }
0x3e4: {  	[tilespmem:v23+s18+$0x0] =	vst.idx.add.f32.msk $0xffff, v21  }
0x3e5: {  	v23 =	vor.u32 v6, v19;
	v21 =	vld [tilespmem:s25+$0x50]  }
0x3e6: {  	[tilespmem:v24+s18+$0x0] =	vst.idx.add.f32.msk $0xffff, v27  }
0x3e7: {  	v26 =	vor.u32 v13, v17;
	v24 =	vld [tilespmem:s23+$0x440]  }
0x3e8: {  	[tilespmem:v25+s18+$0x0] =	vst.idx.add.f32.msk $0xffff, v22  }
0x3e9: {  	v25 =	vor.u32 v7, v18;
	v22 =	vld [tilespmem:s24+$0x60]  }
0x3ea: {  	[tilespmem:v23+s18+$0x0] =	vst.idx.add.f32.msk $0xffff, v21  }
0x3eb: {  	v23 =	vor.u32 v7, v19;
	v21 =	vld [tilespmem:s25+$0x60]  }
0x3ec: {  	[tilespmem:v26+s18+$0x0] =	vst.idx.add.f32.msk $0xffff, v24  }
0x3ed: {  	v26 =	vor.u32 v14, v17;
	v24 =	vld [tilespmem:s23+$0x450]  }
0x3ee: {  	[tilespmem:v25+s18+$0x0] =	vst.idx.add.f32.msk $0xffff, v22  }
0x3ef: {  	v28 =	vor.u32 v8, v18;
	v27 =	vld [tilespmem:s24+$0x70]  }
0x3f0: {  	[tilespmem:v23+s18+$0x0] =	vst.idx.add.f32.msk $0xffff, v21  }
0x3f1: {  	v30 =	vor.u32 v8, v19;
	v29 =	vld [tilespmem:s25+$0x70]  }
.Ltmp4:
0x3f2: {  	[tilespmem:v26+s18+$0x0] =	vst.idx.add.f32.msk $0xffff, v24;
	(pc) =	sbr.rel @p1 .LBB2_6-.Ltmp4, $4  }
0x3f3: {  	v25 =	vor.u32 v15, v17;
	v22 =	vld [tilespmem:s23+$0x460]  }
0x3f4: {  	v21 =	vmov s29;
	[tilespmem:v28+s18+$0x0] =	vst.idx.add.f32.msk $0xffff, v27  }
0x3f5: {  	v21 =	vand.u32 $0xFFFFFFFE, v21;
	v24 =	vor.u32 v9, v18;
	v23 =	vld [tilespmem:s24+$0x400]  }
0x3f6: {  	s29 =	sadd.s32 $0x2, s29;
	v21 =	vbroadcast v21, $0x0;
	[tilespmem:v30+s18+$0x0] =	vst.idx.add.f32.msk $0xffff, v29  }
0x3f7: {  	_ =	sdelay $0x4  }
0x3f8: {  	v21 =	vld.idx.msk [tilespmem:v21+s13+$0x0], $0xffff;
	_ =	sdelay $0x3  }
0x3f9: {  	s1 =	sadd.s32 $0x100, s28  }
0x3fa: {  	s26 =	sadd.s32 $0x200, s26;
	s28 =	sadd.s32 $0xFFFFFF80, s1;
	v26 =	vshll.u32 v21, $0x8;
	v21 =	vshll.u32 v21, $0x7  }
0x3fb: {  	s29 =	sand.u32 $0x7800, s26;
	s30 =	sand.u32 $0x300, s28;
	v26 =	vand.u32 $0xFFFFF800, v26;
	v21 =	vand.u32 $0x380, v21  }
0x3fc: {  	v43 =	vshll.u32 v20, $0x8;
	v44 =	vshll.u32 v20, $0x7;
	s26 =	sor.u32 s30, s29;
	v21 =	vor.u32 v21, v26  }
0x3fd: {  	s1 =	sand.u32 $0x380, s1;
	v20 =	vand.u32 $0x380, v44;
	v27 =	vld [tilespmem:s26+$0x0];
	v26 =	vand.u32 $0xFFFFF800, v43;
	v28 =	vor.u32 v1, v21  }
0x3fe: {  	v47 =	vld [tilespmem:s25+$0x400];
	s31 =	sor.u32 s1, s29;
	v20 =	vor.u32 v20, v26  }
0x3ff: {  	v45 =	vld [tilespmem:s31+$0x0];
	v46 =	vor.u32 v1, v20  }
0x400: {  	[tilespmem:v25+s18+$0x0] =	vst.idx.add.f32.msk $0xffff, v22  }
0x401: {  	[tilespmem:v24+s18+$0x0] =	vst.idx.add.f32.msk $0xffff, v23  }
0x402: {  	v48 =	vor.u32 v9, v19;
	[tilespmem:v28+s18+$0x0] =	vst.idx.add.f32.msk $0xffff, v27  }
0x403: {  	v50 =	vor.u32 v2, v21;
	v49 =	vld [tilespmem:s26+$0x10]  }
0x404: {  	[tilespmem:v46+s18+$0x0] =	vst.idx.add.f32.msk $0xffff, v45  }
0x405: {  	v51 =	vor.u32 v2, v20;
	v22 =	vld [tilespmem:s31+$0x10]  }
0x406: {  	v52 =	vld [tilespmem:s24+$0x410]  }
0x407: {  	[tilespmem:v48+s18+$0x0] =	vst.idx.add.f32.msk $0xffff, v47  }
0x408: {  	v53 =	vor.u32 v10, v18;
	[tilespmem:v50+s18+$0x0] =	vst.idx.add.f32.msk $0xffff, v49  }
0x409: {  	v54 =	vor.u32 v3, v21;
	v24 =	vld [tilespmem:s26+$0x20]  }
0x40a: {  	[tilespmem:v51+s18+$0x0] =	vst.idx.add.f32.msk $0xffff, v22  }
0x40b: {  	v55 =	vor.u32 v3, v20;
	v22 =	vld [tilespmem:s31+$0x20]  }
0x40c: {  	v56 =	vld [tilespmem:s25+$0x410]  }
0x40d: {  	v57 =	vor.u32 v10, v19;
	[tilespmem:v53+s18+$0x0] =	vst.idx.add.f32.msk $0xffff, v52  }
0x40e: {  	[tilespmem:v54+s18+$0x0] =	vst.idx.add.f32.msk $0xffff, v24  }
0x40f: {  	v58 =	vor.u32 v4, v21;
	v24 =	vld [tilespmem:s26+$0x30]  }
0x410: {  	[tilespmem:v55+s18+$0x0] =	vst.idx.add.f32.msk $0xffff, v22  }
0x411: {  	v59 =	vor.u32 v4, v20;
	v22 =	vld [tilespmem:s31+$0x30]  }
0x412: {  	[tilespmem:v57+s18+$0x0] =	vst.idx.add.f32.msk $0xffff, v56  }
0x413: {  	v28 =	vld [tilespmem:s24+$0x420]  }
0x414: {  	v60 =	vor.u32 v11, v18;
	[tilespmem:v58+s18+$0x0] =	vst.idx.add.f32.msk $0xffff, v24  }
0x415: {  	v61 =	vor.u32 v5, v21;
	v24 =	vld [tilespmem:s26+$0x40]  }
0x416: {  	[tilespmem:v59+s18+$0x0] =	vst.idx.add.f32.msk $0xffff, v22  }
0x417: {  	v62 =	vor.u32 v5, v20;
	v22 =	vld [tilespmem:s31+$0x40]  }
0x418: {  	v27 =	vld [tilespmem:s25+$0x420]  }
0x419: {  	v63 =	vor.u32 v11, v19;
	[tilespmem:v60+s18+$0x0] =	vst.idx.add.f32.msk $0xffff, v28  }
0x41a: {  	[tilespmem:v61+s18+$0x0] =	vst.idx.add.f32.msk $0xffff, v24  }
0x41b: {  	v32 =	vor.u32 v6, v21;
	v24 =	vld [tilespmem:s26+$0x50]  }
0x41c: {  	[tilespmem:v62+s18+$0x0] =	vst.idx.add.f32.msk $0xffff, v22  }
0x41d: {  	v33 =	vor.u32 v6, v20;
	v22 =	vld [tilespmem:s31+$0x50]  }
0x41e: {  	[tilespmem:v63+s18+$0x0] =	vst.idx.add.f32.msk $0xffff, v27  }
0x41f: {  	v28 =	vld [tilespmem:s24+$0x430]  }
0x420: {  	v34 =	vor.u32 v12, v18;
	[tilespmem:v32+s18+$0x0] =	vst.idx.add.f32.msk $0xffff, v24  }
0x421: {  	v35 =	vor.u32 v7, v21;
	v24 =	vld [tilespmem:s26+$0x60]  }
0x422: {  	[tilespmem:v33+s18+$0x0] =	vst.idx.add.f32.msk $0xffff, v22  }
0x423: {  	v36 =	vor.u32 v7, v20;
	v22 =	vld [tilespmem:s31+$0x60]  }
0x424: {  	v46 =	vld [tilespmem:s25+$0x430]  }
0x425: {  	v47 =	vor.u32 v12, v19;
	[tilespmem:v34+s18+$0x0] =	vst.idx.add.f32.msk $0xffff, v28  }
0x426: {  	[tilespmem:v35+s18+$0x0] =	vst.idx.add.f32.msk $0xffff, v24  }
0x427: {  	v38 =	vor.u32 v8, v21;
	v24 =	vld [tilespmem:s26+$0x70]  }
0x428: {  	[tilespmem:v36+s18+$0x0] =	vst.idx.add.f32.msk $0xffff, v22  }
0x429: {  	v39 =	vor.u32 v8, v20;
	v22 =	vld [tilespmem:s31+$0x70]  }
0x42a: {  	[tilespmem:v47+s18+$0x0] =	vst.idx.add.f32.msk $0xffff, v46  }
0x42b: {  	v37 =	vor.u32 v13, v18;
	v23 =	vld [tilespmem:s24+$0x440]  }
0x42c: {  	[tilespmem:v38+s18+$0x0] =	vst.idx.add.f32.msk $0xffff, v24  }
0x42d: {  	v41 =	vor.u32 v9, v21;
	v24 =	vld [tilespmem:s26+$0x400]  }
0x42e: {  	[tilespmem:v39+s18+$0x0] =	vst.idx.add.f32.msk $0xffff, v22  }
0x42f: {  	v42 =	vor.u32 v9, v20;
	v22 =	vld [tilespmem:s31+$0x400]  }
0x430: {  	[tilespmem:v37+s18+$0x0] =	vst.idx.add.f32.msk $0xffff, v23  }
0x431: {  	v40 =	vor.u32 v14, v18;
	v23 =	vld [tilespmem:s24+$0x450]  }
0x432: {  	[tilespmem:v41+s18+$0x0] =	vst.idx.add.f32.msk $0xffff, v24  }
0x433: {  	v44 =	vor.u32 v10, v21;
	v24 =	vld [tilespmem:s26+$0x410]  }
0x434: {  	[tilespmem:v42+s18+$0x0] =	vst.idx.add.f32.msk $0xffff, v22  }
0x435: {  	v45 =	vor.u32 v10, v20;
	v22 =	vld [tilespmem:s31+$0x410]  }
0x436: {  	[tilespmem:v40+s18+$0x0] =	vst.idx.add.f32.msk $0xffff, v23  }
0x437: {  	v23 =	vld [tilespmem:s24+$0x460]  }
0x438: {  	v43 =	vor.u32 v15, v18;
	[tilespmem:v44+s18+$0x0] =	vst.idx.add.f32.msk $0xffff, v24  }
0x439: {  	v48 =	vor.u32 v11, v21;
	v24 =	vld [tilespmem:s26+$0x420]  }
0x43a: {  	[tilespmem:v45+s18+$0x0] =	vst.idx.add.f32.msk $0xffff, v22  }
0x43b: {  	v49 =	vor.u32 v11, v20;
	v22 =	vld [tilespmem:s31+$0x420]  }
0x43c: {  	v59 =	vld [tilespmem:s23+$0x470]  }
0x43d: {  	[tilespmem:v43+s18+$0x0] =	vst.idx.add.f32.msk $0xffff, v23  }
0x43e: {  	[tilespmem:v48+s18+$0x0] =	vst.idx.add.f32.msk $0xffff, v24  }
0x43f: {  	v51 =	vor.u32 v12, v21;
	v24 =	vld [tilespmem:s26+$0x430]  }
0x440: {  	[tilespmem:v49+s18+$0x0] =	vst.idx.add.f32.msk $0xffff, v22  }
0x441: {  	v52 =	vor.u32 v12, v20;
	v22 =	vld [tilespmem:s31+$0x430]  }
0x442: {  	v23 =	vld [tilespmem:s25+$0x440]  }
0x443: {  	v50 =	vor.u32 v13, v19;
	v63 =	vld [tilespmem:s24+$0x470]  }
0x444: {  	[tilespmem:v51+s18+$0x0] =	vst.idx.add.f32.msk $0xffff, v24  }
0x445: {  	v54 =	vor.u32 v13, v21;
	v24 =	vld [tilespmem:s26+$0x440]  }
0x446: {  	[tilespmem:v52+s18+$0x0] =	vst.idx.add.f32.msk $0xffff, v22  }
0x447: {  	v55 =	vor.u32 v13, v20;
	v22 =	vld [tilespmem:s31+$0x440]  }
0x448: {  	[tilespmem:v50+s18+$0x0] =	vst.idx.add.f32.msk $0xffff, v23  }
0x449: {  	v53 =	vor.u32 v14, v19;
	v23 =	vld [tilespmem:s25+$0x450]  }
0x44a: {  	[tilespmem:v54+s18+$0x0] =	vst.idx.add.f32.msk $0xffff, v24  }
0x44b: {  	v57 =	vor.u32 v14, v21;
	v24 =	vld [tilespmem:s26+$0x450]  }
0x44c: {  	[tilespmem:v55+s18+$0x0] =	vst.idx.add.f32.msk $0xffff, v22  }
0x44d: {  	v58 =	vor.u32 v14, v20;
	v22 =	vld [tilespmem:s31+$0x450]  }
0x44e: {  	[tilespmem:v53+s18+$0x0] =	vst.idx.add.f32.msk $0xffff, v23  }
0x44f: {  	v56 =	vor.u32 v15, v19;
	v23 =	vld [tilespmem:s25+$0x460]  }
0x450: {  	[tilespmem:v57+s18+$0x0] =	vst.idx.add.f32.msk $0xffff, v24  }
0x451: {  	v61 =	vor.u32 v15, v21;
	v60 =	vld [tilespmem:s26+$0x460]  }
0x452: {  	[tilespmem:v58+s18+$0x0] =	vst.idx.add.f32.msk $0xffff, v22  }
0x453: {  	v62 =	vor.u32 v15, v20;
	v22 =	vld [tilespmem:s31+$0x460]  }
0x454: {  	[tilespmem:v56+s18+$0x0] =	vst.idx.add.f32.msk $0xffff, v23  }
0x455: {  	v17 =	vor.u32 v16, v17;
	v27 =	vld [tilespmem:s25+$0x470]  }
0x456: {  	v18 =	vor.u32 v16, v18;
	[tilespmem:v61+s18+$0x0] =	vst.idx.add.f32.msk $0xffff, v60  }
0x457: {  	v19 =	vor.u32 v16, v19;
	v23 =	vld [tilespmem:s26+$0x470]  }
0x458: {  	v21 =	vor.u32 v16, v21;
	[tilespmem:v62+s18+$0x0] =	vst.idx.add.f32.msk $0xffff, v22  }
0x459: {  	v20 =	vor.u32 v16, v20;
	v22 =	vld [tilespmem:s31+$0x470]  }
.Ltmp5:
0x45a: {  	[tilespmem:v17+s18+$0x0] =	vst.idx.add.f32.msk $0xffff, v59;
	(pc) =	sbr.rel @p0 .LBB2_11-.Ltmp5, $4  }
0x45b: {  	[tilespmem:v18+s18+$0x0] =	vst.idx.add.f32.msk $0xffff, v63  }
0x45c: {  	[tilespmem:v19+s18+$0x0] =	vst.idx.add.f32.msk $0xffff, v27  }
0x45d: {  	[tilespmem:v21+s18+$0x0] =	vst.idx.add.f32.msk $0xffff, v23  }
0x45e: {  	[tilespmem:v20+s18+$0x0] =	vst.idx.add.f32.msk $0xffff, v22  }
0x45f: {  	s1 =	simm.s32 $0x0  }
0x460: {  	v17 =	vmov s1  }
0x461: {  	v17 =	vand.u32 $0xFFFFFFFE, v17  }
0x462: {  	_ =	swait.ge [sflag:s19], $0x5000;
	v17 =	vbroadcast v17, $0x0  }
0x463: {  	[sflag:s19] =	ssyncset.done $0x0  }
0x464: {  	[sflag:s19] =	ssyncadd.s32 $0xFFFFB000  }
0x465: {  	s23 =	simm.s32 $0x1;
	_ =	swait.ge [sflag:s20], $0x50  }
0x466: {  	v18 =	vmov s23;
	[sflag:s20] =	ssyncset.done $0x0  }
0x467: {  	[sflag:s20] =	ssyncadd.s32 $0xFFFFFFB0  }
0x468: {  	v17 =	vld.idx.msk [tilespmem:v17+s17+$0x0], $0xffff;
	_ =	sdelay $0x2  }
0x469: {  	v18 =	vld.idx.msk [tilespmem:v18+s17+$0x0], $0xffff;
	_ =	sdelay $0x1  }
0x46a: {  	s30 =	simm.s32 $0x0;
	s1 =	sand.u32 $0x7800, s1;
	v19 =	vshll.u32 v17, $0x8;
	v17 =	vshll.u32 v17, $0x7  }
0x46b: {  	s23 =	sand.u32 $0x300, s30;
	s1 =	sadd.s32 $0x5000, s1;
	v19 =	vand.u32 $0xFFFFF800, v19;
	v17 =	vand.u32 $0x380, v17  }
0x46c: {  	s29 =	sor.u32 s23, s1;
	v21 =	vor.u32 v17, v19  }
0x46d: {  	s31 =	simm.s32 $0x80;
	v19 =	vld [tilespmem:s29+$0x0];
	v17 =	vshll.u32 v18, $0x8;
	v18 =	vshll.u32 v18, $0x7;
	v20 =	vor.u32 v1, v21  }
0x46e: {  	s23 =	sand.u32 $0x380, s31;
	v17 =	vand.u32 $0xFFFFF800, v17;
	v18 =	vand.u32 $0x380, v18  }
0x46f: {  	s23 =	sor.u32 s23, s1;
	v17 =	vor.u32 v18, v17  }
0x470: {  	v18 =	vld [tilespmem:s23+$0x0];
	v22 =	vor.u32 v1, v17;
	_ =	sdelay $0x1  }
0x471: {  	[tilespmem:v20+s18+$0x0] =	vst.idx.add.f32.msk $0xffff, v19  }
0x472: {  	v20 =	vor.u32 v2, v21;
	v19 =	vld [tilespmem:s29+$0x10];
	_ =	sdelay $0x1  }
0x473: {  	[tilespmem:v22+s18+$0x0] =	vst.idx.add.f32.msk $0xffff, v18  }
0x474: {  	v22 =	vor.u32 v2, v17;
	v18 =	vld [tilespmem:s23+$0x10];
	_ =	sdelay $0x1  }
0x475: {  	[tilespmem:v20+s18+$0x0] =	vst.idx.add.f32.msk $0xffff, v19  }
0x476: {  	v20 =	vor.u32 v3, v21;
	v19 =	vld [tilespmem:s29+$0x20];
	_ =	sdelay $0x1  }
0x477: {  	[tilespmem:v22+s18+$0x0] =	vst.idx.add.f32.msk $0xffff, v18  }
0x478: {  	v22 =	vor.u32 v3, v17;
	v18 =	vld [tilespmem:s23+$0x20];
	_ =	sdelay $0x1  }
0x479: {  	[tilespmem:v20+s18+$0x0] =	vst.idx.add.f32.msk $0xffff, v19  }
0x47a: {  	v20 =	vor.u32 v4, v21;
	v19 =	vld [tilespmem:s29+$0x30];
	_ =	sdelay $0x1  }
0x47b: {  	[tilespmem:v22+s18+$0x0] =	vst.idx.add.f32.msk $0xffff, v18  }
0x47c: {  	v22 =	vor.u32 v4, v17;
	v18 =	vld [tilespmem:s23+$0x30];
	_ =	sdelay $0x1  }
0x47d: {  	[tilespmem:v20+s18+$0x0] =	vst.idx.add.f32.msk $0xffff, v19  }
0x47e: {  	v20 =	vor.u32 v5, v21;
	v19 =	vld [tilespmem:s29+$0x40];
	_ =	sdelay $0x1  }
0x47f: {  	[tilespmem:v22+s18+$0x0] =	vst.idx.add.f32.msk $0xffff, v18  }
0x480: {  	v22 =	vor.u32 v5, v17;
	v18 =	vld [tilespmem:s23+$0x40];
	_ =	sdelay $0x1  }
0x481: {  	[tilespmem:v20+s18+$0x0] =	vst.idx.add.f32.msk $0xffff, v19  }
0x482: {  	v20 =	vor.u32 v6, v21;
	v19 =	vld [tilespmem:s29+$0x50];
	_ =	sdelay $0x1  }
0x483: {  	[tilespmem:v22+s18+$0x0] =	vst.idx.add.f32.msk $0xffff, v18  }
0x484: {  	v22 =	vor.u32 v6, v17;
	v18 =	vld [tilespmem:s23+$0x50];
	_ =	sdelay $0x1  }
0x485: {  	[tilespmem:v20+s18+$0x0] =	vst.idx.add.f32.msk $0xffff, v19  }
0x486: {  	v20 =	vor.u32 v7, v21;
	v19 =	vld [tilespmem:s29+$0x60];
	_ =	sdelay $0x1  }
0x487: {  	[tilespmem:v22+s18+$0x0] =	vst.idx.add.f32.msk $0xffff, v18  }
0x488: {  	v22 =	vor.u32 v7, v17;
	v18 =	vld [tilespmem:s23+$0x60];
	_ =	sdelay $0x1  }
0x489: {  	[tilespmem:v20+s18+$0x0] =	vst.idx.add.f32.msk $0xffff, v19  }
0x48a: {  	v20 =	vor.u32 v8, v21;
	v19 =	vld [tilespmem:s29+$0x70];
	_ =	sdelay $0x1  }
0x48b: {  	[tilespmem:v22+s18+$0x0] =	vst.idx.add.f32.msk $0xffff, v18  }
0x48c: {  	v22 =	vor.u32 v8, v17;
	v18 =	vld [tilespmem:s23+$0x70]  }
0x48d: {  	s24 =	simm.s32 $0x2  }
0x48e: {  	v23 =	vmov s24;
	[tilespmem:v20+s18+$0x0] =	vst.idx.add.f32.msk $0xffff, v19  }
0x48f: {  	v19 =	vand.u32 $0xFFFFFFFE, v23;
	v23 =	vor.u32 v9, v21;
	v20 =	vld [tilespmem:s29+$0x400]  }
0x490: {  	v19 =	vbroadcast v19, $0x0  }
0x491: {  	[tilespmem:v22+s18+$0x0] =	vst.idx.add.f32.msk $0xffff, v18  }
0x492: {  	v22 =	vor.u32 v9, v17;
	v18 =	vld [tilespmem:s23+$0x400]  }
0x493: {  	s25 =	simm.s32 $0x3  }
0x494: {  	v24 =	vmov s25;
	[tilespmem:v23+s18+$0x0] =	vst.idx.add.f32.msk $0xffff, v20  }
0x495: {  	v23 =	vor.u32 v10, v21;
	v20 =	vld [tilespmem:s29+$0x410]  }
0x496: {  	s26 =	simm.s32 $0x5;
	v19 =	vld.idx.msk [tilespmem:v19+s17+$0x0], $0xffff  }
0x497: {  	v25 =	vmov s26;
	[tilespmem:v22+s18+$0x0] =	vst.idx.add.f32.msk $0xffff, v18  }
0x498: {  	v22 =	vor.u32 v10, v17;
	v18 =	vld [tilespmem:s23+$0x410]  }
0x499: {  	v24 =	vld.idx.msk [tilespmem:v24+s17+$0x0], $0xffff  }
0x49a: {  	[tilespmem:v23+s18+$0x0] =	vst.idx.add.f32.msk $0xffff, v20  }
0x49b: {  	s26 =	simm.s32 $0x200;
	v26 =	vor.u32 v11, v21;
	v23 =	vld [tilespmem:s29+$0x420]  }
0x49c: {  	s24 =	simm.s32 $0x100;
	s30 =	sand.u32 $0x7800, s26;
	v20 =	vld.idx.msk [tilespmem:v25+s17+$0x0], $0xffff;
	v25 =	vshll.u32 v19, $0x8;
	v19 =	vshll.u32 v19, $0x7  }
0x49d: {  	s24 =	sand.u32 $0x300, s24;
	s1 =	sadd.s32 $0x5000, s30;
	v25 =	vand.u32 $0xFFFFF800, v25;
	v19 =	vand.u32 $0x380, v19;
	[tilespmem:v22+s18+$0x0] =	vst.idx.add.f32.msk $0xffff, v18  }
0x49e: {  	s24 =	sor.u32 s24, s1;
	v18 =	vor.u32 v19, v25;
	v25 =	vor.u32 v11, v17;
	v22 =	vld [tilespmem:s23+$0x420]  }
0x49f: {  	s28 =	simm.s32 $0x180;
	v27 =	vld [tilespmem:s24+$0x0];
	v28 =	vor.u32 v1, v18  }
0x4a0: {  	s25 =	sand.u32 $0x380, s28;
	v19 =	vshll.u32 v24, $0x8;
	v24 =	vshll.u32 v24, $0x7;
	[tilespmem:v26+s18+$0x0] =	vst.idx.add.f32.msk $0xffff, v23  }
0x4a1: {  	s25 =	sor.u32 s25, s1;
	v19 =	vand.u32 $0xFFFFF800, v19;
	v23 =	vand.u32 $0x380, v24;
	v26 =	vor.u32 v12, v21;
	v24 =	vld [tilespmem:s29+$0x430]  }
0x4a2: {  	v29 =	vld [tilespmem:s25+$0x0];
	v19 =	vor.u32 v23, v19  }
0x4a3: {  	v23 =	vor.u32 v1, v19;
	[tilespmem:v25+s18+$0x0] =	vst.idx.add.f32.msk $0xffff, v22  }
0x4a4: {  	[tilespmem:v28+s18+$0x0] =	vst.idx.add.f32.msk $0xffff, v27  }
0x4a5: {  	v25 =	vor.u32 v2, v18;
	v22 =	vld [tilespmem:s24+$0x10]  }
0x4a6: {  	[tilespmem:v26+s18+$0x0] =	vst.idx.add.f32.msk $0xffff, v24  }
0x4a7: {  	v26 =	vor.u32 v13, v21;
	v24 =	vld [tilespmem:s29+$0x440]  }
0x4a8: {  	[tilespmem:v23+s18+$0x0] =	vst.idx.add.f32.msk $0xffff, v29  }
0x4a9: {  	v27 =	vor.u32 v2, v19;
	v23 =	vld [tilespmem:s25+$0x10]  }
0x4aa: {  	[tilespmem:v25+s18+$0x0] =	vst.idx.add.f32.msk $0xffff, v22  }
0x4ab: {  	v25 =	vor.u32 v3, v18;
	v22 =	vld [tilespmem:s24+$0x20]  }
0x4ac: {  	[tilespmem:v26+s18+$0x0] =	vst.idx.add.f32.msk $0xffff, v24  }
0x4ad: {  	v26 =	vor.u32 v14, v21;
	v24 =	vld [tilespmem:s29+$0x450]  }
0x4ae: {  	[tilespmem:v27+s18+$0x0] =	vst.idx.add.f32.msk $0xffff, v23  }
0x4af: {  	v27 =	vor.u32 v3, v19;
	v23 =	vld [tilespmem:s25+$0x20]  }
0x4b0: {  	[tilespmem:v25+s18+$0x0] =	vst.idx.add.f32.msk $0xffff, v22  }
0x4b1: {  	v25 =	vor.u32 v4, v18;
	v22 =	vld [tilespmem:s24+$0x30]  }
0x4b2: {  	[tilespmem:v26+s18+$0x0] =	vst.idx.add.f32.msk $0xffff, v24  }
0x4b3: {  	v26 =	vor.u32 v15, v21;
	v24 =	vld [tilespmem:s29+$0x460]  }
0x4b4: {  	[tilespmem:v27+s18+$0x0] =	vst.idx.add.f32.msk $0xffff, v23  }
0x4b5: {  	v27 =	vor.u32 v4, v19;
	v23 =	vld [tilespmem:s25+$0x30]  }
0x4b6: {  	[tilespmem:v25+s18+$0x0] =	vst.idx.add.f32.msk $0xffff, v22  }
0x4b7: {  	v22 =	vld [tilespmem:s24+$0x40]  }
0x4b8: {  	v25 =	vor.u32 v5, v18;
	[tilespmem:v26+s18+$0x0] =	vst.idx.add.f32.msk $0xffff, v24  }
0x4b9: {  	v21 =	vor.u32 v16, v21;
	v24 =	vld [tilespmem:s29+$0x470]  }
0x4ba: {  	[tilespmem:v27+s18+$0x0] =	vst.idx.add.f32.msk $0xffff, v23  }
0x4bb: {  	v26 =	vor.u32 v5, v19;
	v23 =	vld [tilespmem:s25+$0x40]  }
0x4bc: {  	v27 =	vld [tilespmem:s23+$0x430]  }
0x4bd: {  	[tilespmem:v25+s18+$0x0] =	vst.idx.add.f32.msk $0xffff, v22;
	v22 =	vor.u32 v12, v17  }
0x4be: {  	[tilespmem:v21+s18+$0x0] =	vst.idx.add.f32.msk $0xffff, v24  }
0x4bf: {  	v21 =	vld [tilespmem:s24+$0x50];
	v24 =	vor.u32 v6, v18  }
0x4c0: {  	[tilespmem:v26+s18+$0x0] =	vst.idx.add.f32.msk $0xffff, v23  }
0x4c1: {  	v25 =	vor.u32 v6, v19;
	v23 =	vld [tilespmem:s25+$0x50]  }
0x4c2: {  	[tilespmem:v22+s18+$0x0] =	vst.idx.add.f32.msk $0xffff, v27  }
0x4c3: {  	v26 =	vor.u32 v13, v17;
	v22 =	vld [tilespmem:s23+$0x440]  }
0x4c4: {  	[tilespmem:v24+s18+$0x0] =	vst.idx.add.f32.msk $0xffff, v21  }
0x4c5: {  	v24 =	vor.u32 v7, v18;
	v21 =	vld [tilespmem:s24+$0x60]  }
0x4c6: {  	[tilespmem:v25+s18+$0x0] =	vst.idx.add.f32.msk $0xffff, v23  }
0x4c7: {  	v25 =	vor.u32 v7, v19;
	v23 =	vld [tilespmem:s25+$0x60]  }
0x4c8: {  	[tilespmem:v26+s18+$0x0] =	vst.idx.add.f32.msk $0xffff, v22  }
0x4c9: {  	v26 =	vor.u32 v14, v17;
	v22 =	vld [tilespmem:s23+$0x450]  }
0x4ca: {  	[tilespmem:v24+s18+$0x0] =	vst.idx.add.f32.msk $0xffff, v21  }
0x4cb: {  	v24 =	vor.u32 v8, v18;
	v21 =	vld [tilespmem:s24+$0x70]  }
0x4cc: {  	[tilespmem:v25+s18+$0x0] =	vst.idx.add.f32.msk $0xffff, v23  }
0x4cd: {  	v63 =	vor.u32 v8, v19;
	v27 =	vld [tilespmem:s25+$0x70]  }
0x4ce: {  	[tilespmem:v26+s18+$0x0] =	vst.idx.add.f32.msk $0xffff, v22  }
0x4cf: {  	s31 =	simm.s32 $0x4;
	v25 =	vor.u32 v15, v17;
	v22 =	vld [tilespmem:s23+$0x460]  }
0x4d0: {  	v23 =	vmov s31;
	[tilespmem:v24+s18+$0x0] =	vst.idx.add.f32.msk $0xffff, v21  }
0x4d1: {  	v21 =	vand.u32 $0xFFFFFFFE, v23;
	v24 =	vor.u32 v9, v18;
	v23 =	vld [tilespmem:s24+$0x400]  }
0x4d2: {  	s29 =	simm.s32 $0x6;
	v21 =	vbroadcast v21, $0x0;
	[tilespmem:v63+s18+$0x0] =	vst.idx.add.f32.msk $0xffff, v27  }
.LBB2_9:
0x4d3: {  	p1 =	slt.u32 s29, $0x4E;
	v26 =	vld [tilespmem:s25+$0x400]  }
0x4d4: {  	v27 =	vor.u32 v9, v19;
	[tilespmem:v25+s18+$0x0] =	vst.idx.add.f32.msk $0xffff, v22  }
0x4d5: {  	v22 =	vld [tilespmem:s23+$0x470];
	s23 =	smov.u32 s25  }
0x4d6: {  	[tilespmem:v24+s18+$0x0] =	vst.idx.add.f32.msk $0xffff, v23;
	v23 =	vor.u32 v16, v17;
	v17 =	vmov v19  }
0x4d7: {  	v24 =	vor.u32 v10, v18;
	v19 =	vld [tilespmem:s24+$0x410]  }
0x4d8: {  	s1 =	sadd.s32 $0x1, s29;
	v21 =	vld.idx.msk [tilespmem:v21+s17+$0x0], $0xffff  }
0x4d9: {  	v25 =	vmov s1;
	[tilespmem:v27+s18+$0x0] =	vst.idx.add.f32.msk $0xffff, v26  }
0x4da: {  	v27 =	vor.u32 v10, v17;
	v26 =	vld [tilespmem:s23+$0x410]  }
0x4db: {  	[tilespmem:v23+s18+$0x0] =	vst.idx.add.f32.msk $0xffff, v22  }
0x4dc: {  	[tilespmem:v24+s18+$0x0] =	vst.idx.add.f32.msk $0xffff, v19  }
0x4dd: {  	s28 =	sadd.s32 $0x100, s28;
	s26 =	sadd.s32 $0x200, s26;
	v22 =	vor.u32 v11, v18;
	v19 =	vld [tilespmem:s24+$0x420]  }
0x4de: {  	s1 =	sand.u32 $0x7800, s26;
	s31 =	sand.u32 $0x380, s28;
	s25 =	sadd.s32 $0xFFFFFF80, s28;
	v24 =	vshll.u32 v21, $0x8;
	v21 =	vshll.u32 v21, $0x7;
	v23 =	vld.idx.msk [tilespmem:v25+s17+$0x0], $0xffff  }
0x4df: {  	s1 =	sadd.s32 $0x5000, s1;
	s25 =	sand.u32 $0x300, s25;
	v24 =	vand.u32 $0xFFFFF800, v24;
	v21 =	vand.u32 $0x380, v21;
	[tilespmem:v27+s18+$0x0] =	vst.idx.add.f32.msk $0xffff, v26  }
0x4e0: {  	s30 =	sor.u32 s25, s1;
	s25 =	sor.u32 s31, s1;
	v25 =	vor.u32 v11, v17;
	v21 =	vor.u32 v21, v24;
	v24 =	vld [tilespmem:s23+$0x420]  }
0x4e1: {  	v27 =	vor.u32 v1, v21;
	v26 =	vld [tilespmem:s30+$0x0]  }
0x4e2: {  	v28 =	vshll.u32 v20, $0x8;
	v31 =	vshll.u32 v20, $0x7;
	[tilespmem:v22+s18+$0x0] =	vst.idx.add.f32.msk $0xffff, v19  }
0x4e3: {  	v30 =	vand.u32 $0x380, v31;
	v19 =	vand.u32 $0xFFFFF800, v28;
	v28 =	vor.u32 v12, v18;
	v22 =	vld [tilespmem:s24+$0x430]  }
0x4e4: {  	v19 =	vor.u32 v30, v19;
	v20 =	vmov v23;
	v29 =	vld [tilespmem:s25+$0x0]  }
0x4e5: {  	v23 =	vor.u32 v1, v19;
	[tilespmem:v25+s18+$0x0] =	vst.idx.add.f32.msk $0xffff, v24  }
0x4e6: {  	[tilespmem:v27+s18+$0x0] =	vst.idx.add.f32.msk $0xffff, v26  }
0x4e7: {  	v25 =	vor.u32 v2, v21;
	v24 =	vld [tilespmem:s30+$0x10]  }
0x4e8: {  	[tilespmem:v28+s18+$0x0] =	vst.idx.add.f32.msk $0xffff, v22  }
0x4e9: {  	v26 =	vor.u32 v13, v18;
	v22 =	vld [tilespmem:s24+$0x440]  }
0x4ea: {  	[tilespmem:v23+s18+$0x0] =	vst.idx.add.f32.msk $0xffff, v29  }
0x4eb: {  	v27 =	vor.u32 v2, v19;
	v23 =	vld [tilespmem:s25+$0x10]  }
0x4ec: {  	[tilespmem:v25+s18+$0x0] =	vst.idx.add.f32.msk $0xffff, v24  }
0x4ed: {  	v25 =	vor.u32 v3, v21;
	v24 =	vld [tilespmem:s30+$0x20]  }
0x4ee: {  	[tilespmem:v26+s18+$0x0] =	vst.idx.add.f32.msk $0xffff, v22  }
0x4ef: {  	v26 =	vor.u32 v14, v18;
	v22 =	vld [tilespmem:s24+$0x450]  }
0x4f0: {  	[tilespmem:v27+s18+$0x0] =	vst.idx.add.f32.msk $0xffff, v23  }
0x4f1: {  	v27 =	vor.u32 v3, v19;
	v23 =	vld [tilespmem:s25+$0x20]  }
0x4f2: {  	[tilespmem:v25+s18+$0x0] =	vst.idx.add.f32.msk $0xffff, v24  }
0x4f3: {  	v25 =	vor.u32 v4, v21;
	v24 =	vld [tilespmem:s30+$0x30]  }
0x4f4: {  	[tilespmem:v26+s18+$0x0] =	vst.idx.add.f32.msk $0xffff, v22  }
0x4f5: {  	v26 =	vor.u32 v15, v18;
	v22 =	vld [tilespmem:s24+$0x460]  }
0x4f6: {  	[tilespmem:v27+s18+$0x0] =	vst.idx.add.f32.msk $0xffff, v23  }
0x4f7: {  	v27 =	vor.u32 v4, v19;
	v23 =	vld [tilespmem:s25+$0x30]  }
0x4f8: {  	[tilespmem:v25+s18+$0x0] =	vst.idx.add.f32.msk $0xffff, v24  }
0x4f9: {  	v24 =	vld [tilespmem:s30+$0x40]  }
0x4fa: {  	v25 =	vor.u32 v5, v21;
	[tilespmem:v26+s18+$0x0] =	vst.idx.add.f32.msk $0xffff, v22  }
0x4fb: {  	v26 =	vor.u32 v16, v18;
	v18 =	vmov v21;
	v22 =	vld [tilespmem:s24+$0x470];
	s24 =	smov.u32 s30  }
0x4fc: {  	[tilespmem:v27+s18+$0x0] =	vst.idx.add.f32.msk $0xffff, v23  }
0x4fd: {  	v23 =	vor.u32 v5, v19;
	v21 =	vld [tilespmem:s25+$0x40]  }
0x4fe: {  	v27 =	vld [tilespmem:s23+$0x430]  }
0x4ff: {  	[tilespmem:v25+s18+$0x0] =	vst.idx.add.f32.msk $0xffff, v24;
	v24 =	vor.u32 v12, v17  }
0x500: {  	[tilespmem:v26+s18+$0x0] =	vst.idx.add.f32.msk $0xffff, v22  }
0x501: {  	v25 =	vor.u32 v6, v18;
	v22 =	vld [tilespmem:s24+$0x50]  }
0x502: {  	[tilespmem:v23+s18+$0x0] =	vst.idx.add.f32.msk $0xffff, v21  }
0x503: {  	v23 =	vor.u32 v6, v19;
	v21 =	vld [tilespmem:s25+$0x50]  }
0x504: {  	[tilespmem:v24+s18+$0x0] =	vst.idx.add.f32.msk $0xffff, v27  }
0x505: {  	v26 =	vor.u32 v13, v17;
	v24 =	vld [tilespmem:s23+$0x440]  }
0x506: {  	[tilespmem:v25+s18+$0x0] =	vst.idx.add.f32.msk $0xffff, v22  }
0x507: {  	v25 =	vor.u32 v7, v18;
	v22 =	vld [tilespmem:s24+$0x60]  }
0x508: {  	[tilespmem:v23+s18+$0x0] =	vst.idx.add.f32.msk $0xffff, v21  }
0x509: {  	v23 =	vor.u32 v7, v19;
	v21 =	vld [tilespmem:s25+$0x60]  }
0x50a: {  	[tilespmem:v26+s18+$0x0] =	vst.idx.add.f32.msk $0xffff, v24  }
0x50b: {  	v26 =	vor.u32 v14, v17;
	v24 =	vld [tilespmem:s23+$0x450]  }
0x50c: {  	[tilespmem:v25+s18+$0x0] =	vst.idx.add.f32.msk $0xffff, v22  }
0x50d: {  	v28 =	vor.u32 v8, v18;
	v27 =	vld [tilespmem:s24+$0x70]  }
0x50e: {  	[tilespmem:v23+s18+$0x0] =	vst.idx.add.f32.msk $0xffff, v21  }
0x50f: {  	v30 =	vor.u32 v8, v19;
	v29 =	vld [tilespmem:s25+$0x70]  }
.Ltmp6:
0x510: {  	[tilespmem:v26+s18+$0x0] =	vst.idx.add.f32.msk $0xffff, v24;
	(pc) =	sbr.rel @p1 .LBB2_9-.Ltmp6, $4  }
0x511: {  	v25 =	vor.u32 v15, v17;
	v22 =	vld [tilespmem:s23+$0x460]  }
0x512: {  	v21 =	vmov s29;
	[tilespmem:v28+s18+$0x0] =	vst.idx.add.f32.msk $0xffff, v27  }
0x513: {  	v21 =	vand.u32 $0xFFFFFFFE, v21;
	v24 =	vor.u32 v9, v18;
	v23 =	vld [tilespmem:s24+$0x400]  }
0x514: {  	s29 =	sadd.s32 $0x2, s29;
	v21 =	vbroadcast v21, $0x0;
	[tilespmem:v30+s18+$0x0] =	vst.idx.add.f32.msk $0xffff, v29  }
.Ltmp7:
0x515: {  	_ = 	snop;
	(pc) =	sbr.rel .LBB2_10-.Ltmp7, $1  }
0x516: {  	_ =	sdelay $0x3  }
.LBB2_12:
0x517: {  	_ =	sfence.sel $0x180000  }
0x518: {  	[bflag:$0x0] =	sbarrier.arrive $0xFFFF  }
0x519: {  	_ =	strace $0x90000047  }
0x51a: {  	[bflag:$0x2] =	sbarrier.arrive $0xFFFF  }
0x51b: {  	p0 =	sne.s32 s0, $0x0;
	s0 =	rddreg [dreg:$0x3]  }
0x51c: {  	s0 =	sadd.s32 @!p0 $0x100000, s0  }
0x51d: {  	[sflag:s0] =	ssyncadd.tile.s32 @!p0 $0x1;
	_ =	shalt  }
.Lfunc_end2:
_tile_overlayer_lowered:
.L_overlay_start_2:
0x51e: {  	(tag) =	ssettag $0x2  }
0x51f: {  	s0 =	rddreg [dreg:$0x0];
	s2 =	stileid.u32  }
0x520: {  	s1 =	rddreg [dreg:$0x1];
	p0 =	sne.s32 s2, $0x0  }
0x521: {  	s3 =	rddreg [dreg:$0x2];
	[bflag:$0x3] =	sbarrier.arrive $0xFFFF;
	s2 =	simm.s32 @!p0 $0x1C05  }
0x522: {  	[timem:s3], [sflag:s2] =	dma.local @!p0 [hbm:s0], s1  }
0x523: {  	s0 =	simm.s32 @!p0 $0x5  }
0x524: {  	_ =	swait.ge @!p0 [sflag:s0], s1  }
0x525: {  	s1 =	ssub.s32 @!p0 $0x0, s1;
	[sflag:s0] =	ssyncset.done @!p0 $0x0  }
0x526: {  	[sflag:s0] =	ssyncadd.s32 @!p0 s1  }
0x527: {  	[bflag:$0x3] =	sbarrier.arrive $0xFFFF  }
0x528: {  	_ =	shalt  }

</sc_bundles>
